<compile_context>
chip_gen: v7x
topology: tpu7x:2x2x1
jax: 0.10.2.dev20260603
libtpu: 0.0.44.dev20260713+nightly
codegen_flags: <defaults>
</compile_context>

<pallas_src>
import functools

import jax
import jax.numpy as jnp
from jax import lax
from jax.experimental import pallas as pl
from jax.experimental.pallas import tpu as pltpu
from jax.experimental.pallas import tpu_sc as plsc

N = 10000
E = 320000
D_IN = 128
D_HID = 256
DH = 128
NC = 2
NS = 16
NT = NC * NS

E_HIST = E // NT

EPT = E // NS
B = 50
NB = EPT // B
GB = 40
G = NB // GB
NR = 4
QTR = NB // NR
GQ = GB // NR
CH = 624
REM = N - NS * CH

_sc_mesh = plsc.VectorSubcoreMesh(
    core_axis_name="c", subcore_axis_name="s", num_cores=NC, num_subcores=NS)


@functools.partial(
    pl.kernel,
    out_type=jax.ShapeDtypeStruct((NT, 1, N), jnp.float32),
    mesh=_sc_mesh,
    compiler_params=pltpu.CompilerParams(needs_layout_passes=False),
    scratch_types=[
        pltpu.VMEM((E_HIST,), jnp.int32),
        pltpu.VMEM((N,), jnp.float32),
        pltpu.SemaphoreType.DMA,
    ],
)
def _hist_kernel(cols_hbm, hist_hbm, col_v, hist_v, sem):
    c = lax.axis_index("c")
    s = lax.axis_index("s")
    wid = c * NS + s
    pltpu.async_copy(cols_hbm.at[pl.ds(wid * E_HIST, E_HIST)], col_v, sem).wait()

    zeros = jnp.zeros((16,), jnp.float32)

    def zero_body(i, _):
        hist_v[pl.ds(i * 16, 16)] = zeros
        return 0

    lax.fori_loop(0, N // 16, zero_body, 0)

    ones = jnp.ones((16,), jnp.float32)

    def add_body(i, _):
        idx = col_v[pl.ds(i * 16, 16)]
        plsc.addupdate_scatter(hist_v, [idx], ones)
        return 0

    lax.fori_loop(0, E_HIST // 16, add_body, 0)
    pltpu.async_copy(hist_v, hist_hbm.at[wid, 0], sem).wait()


@functools.partial(
    pl.kernel,
    out_type=jax.ShapeDtypeStruct((NC, N, DH), jnp.float32),
    mesh=_sc_mesh,
    compiler_params=pltpu.CompilerParams(needs_layout_passes=False),
    scratch_types=[
        pltpu.VMEM((2, GB, B), jnp.int32),
        pltpu.VMEM((2, GB, B), jnp.int32),
        pltpu.VMEM((NR, B, DH), jnp.float32),
        pltpu.VMEM_SHARED((N, DH), jnp.float32),
        pltpu.SemaphoreType.DMA,
        pltpu.SemaphoreType.DMA,
        pltpu.SemaphoreType.DMA,
        pltpu.SemaphoreType.DMA,
        pltpu.SemaphoreType.DMA,
        pltpu.SemaphoreType.DMA,
        pltpu.SemaphoreType.DMA,
        pltpu.SemaphoreType.DMA,
        pltpu.SemaphoreType.DMA,
    ],
)
def _prop_kernel(hflat_hbm, rows_hbm, cols_hbm, out_hbm,
                 rows_v, cols_v, gbuf, acc,
                 g0, g1, g2, g3, s0, s1, s2, s3, isem):
    c = lax.axis_index("c")
    s = lax.axis_index("s")
    gsems = (g0, g1, g2, g3)
    ssems = (s0, s1, s2, s3)
    ebase = s * NB
    pltpu.sync_copy(hflat_hbm.at[pl.ds(c * N + s * CH, CH), :],
                    acc.at[pl.ds(s * CH, CH), :])

    @pl.when(s == NS - 1)
    def _():
        pltpu.sync_copy(hflat_hbm.at[pl.ds(c * N + NS * CH, REM), :],
                        acc.at[pl.ds(NS * CH, REM), :])

    def idx_rows(m, p):
        return pltpu.make_async_copy(
            rows_hbm.at[c, pl.ds(ebase + m * GB, GB), :], rows_v.at[p], isem)

    def idx_cols(m, p):
        return pltpu.make_async_copy(
            cols_hbm.at[pl.ds(ebase + m * GB, GB), :], cols_v.at[p], isem)

    def g_desc(p, off, slot):
        return pltpu.make_async_copy(
            hflat_hbm.at[rows_v.at[p, off]], gbuf.at[slot], gsems[slot])

    def s_desc(p, off, slot):
        return pltpu.make_async_copy(
            gbuf.at[slot], acc.at[cols_v.at[p, off]], ssems[slot])

    idx_rows(0, 0).start()
    idx_cols(0, 0).start()
    idx_rows(0, 0).wait()
    idx_cols(0, 0).wait()
    for k in range(NR - 1):
        g_desc(0, k, k).start()
    plsc.subcore_barrier()

    def quad(qj, _):
        for k in range(NR):
            j = NR * qj + k
            p = lax.rem(lax.div(j, GB), 2)
            off = lax.rem(j, GB)
            if k == 1:
                @pl.when((lax.rem(qj, GQ) == GQ - 1) & (qj <= QTR - GQ - 1))
                def _():
                    m = lax.div(qj + 1, GQ)
                    pm = lax.rem(m, 2)
                    idx_rows(m, pm).wait()
                    idx_cols(m, pm).wait()
            if k == 3:
                @pl.when((lax.rem(qj, GQ) == 0) & (qj <= QTR - 2 * GQ))
                def _():
                    mn = lax.div(qj, GQ) + 1
                    pn = lax.rem(mn, 2)
                    idx_rows(mn, pn).start()
                    idx_cols(mn, pn).start()
            g_desc(p, off, k).wait()
            s_desc(p, off, k).start(add=True)
            jm = j - 1
            pmm = lax.rem(lax.div(jm, GB), 2)
            offm = lax.rem(jm, GB)
            if k == 0:
                @pl.when(qj > 0)
                def _():
                    s_desc(pmm, offm, (k - 1) % NR).wait()
            else:
                s_desc(pmm, offm, (k - 1) % NR).wait()
            jn = j + NR - 1
            pnn = lax.rem(lax.div(jn, GB), 2)
            offn = lax.rem(jn, GB)
            if k == 0:
                g_desc(pnn, offn, (k + NR - 1) % NR).start()
            else:
                @pl.when(qj < QTR - 1)
                def _():
                    g_desc(pnn, offn, (k + NR - 1) % NR).start()
        return 0

    lax.fori_loop(0, QTR, quad, 0)
    s_desc(lax.rem(lax.div(NB - 1, GB), 2), (NB - 1) % GB, NR - 1).wait()
    plsc.subcore_barrier()
    pltpu.sync_copy(acc.at[pl.ds(s * CH, CH), :],
                    out_hbm.at[c, pl.ds(s * CH, CH), :])

    @pl.when(s == NS - 1)
    def _():
        pltpu.sync_copy(acc.at[pl.ds(NS * CH, REM), :],
                        out_hbm.at[c, pl.ds(NS * CH, REM), :])


def _mm1_body(x_ref, w_ref, hist_ref, h_ref, dis_ref):
    deg = jnp.sum(hist_ref[...], axis=1, keepdims=True) + 1.0
    dis = lax.rsqrt(deg)
    h = jnp.dot(x_ref[...], w_ref[...], preferred_element_type=jnp.float32)
    h_ref[...] = (h * dis)[None]
    dis_ref[...] = dis


def _mm2_body(acc_ref, dis_ref, b_ref, w_ref, out_ref):
    dis = dis_ref[...]
    y = jnp.maximum(acc_ref[...] * dis + b_ref[...], 0.0)
    h = jnp.dot(y, w_ref[...], preferred_element_type=jnp.float32)
    out_ref[...] = (h * dis)[None]


def _fin_body(acc_ref, dis_ref, b_ref, out_ref):
    out_ref[...] = acc_ref[...] * dis_ref[...] + b_ref[...]


RB = 1000


def _mm1(x, W1, histT):
    return pl.pallas_call(
        _mm1_body,
        grid=(N // RB, NC),
        in_specs=[
            pl.BlockSpec((RB, D_IN), lambda i, j: (i, 0)),
            pl.BlockSpec((D_IN, DH), lambda i, j: (0, j)),
            pl.BlockSpec((RB, NT), lambda i, j: (i, 0)),
        ],
        out_specs=[
            pl.BlockSpec((1, RB, DH), lambda i, j: (j, i, 0)),
            pl.BlockSpec((RB, 1), lambda i, j: (i, 0)),
        ],
        out_shape=[
            jax.ShapeDtypeStruct((NC, N, DH), jnp.float32),
            jax.ShapeDtypeStruct((N, 1), jnp.float32),
        ],
    )(x, W1, histT)


def _mm2(acc, dis, b1, W2):
    return pl.pallas_call(
        _mm2_body,
        grid=(N // RB, NC),
        in_specs=[
            pl.BlockSpec((RB, D_HID), lambda i, j: (i, 0)),
            pl.BlockSpec((RB, 1), lambda i, j: (i, 0)),
            pl.BlockSpec((1, D_HID), lambda i, j: (0, 0)),
            pl.BlockSpec((D_HID, DH), lambda i, j: (0, j)),
        ],
        out_specs=pl.BlockSpec((1, RB, DH), lambda i, j: (j, i, 0)),
        out_shape=jax.ShapeDtypeStruct((NC, N, DH), jnp.float32),
    )(acc, dis, b1, W2)


def _fin(acc, dis, b2):
    return pl.pallas_call(
        _fin_body,
        grid=(N // RB,),
        in_specs=[
            pl.BlockSpec((RB, D_HID), lambda i: (i, 0)),
            pl.BlockSpec((RB, 1), lambda i: (i, 0)),
            pl.BlockSpec((1, D_HID), lambda i: (0, 0)),
        ],
        out_specs=pl.BlockSpec((RB, D_HID), lambda i: (i, 0)),
        out_shape=jax.ShapeDtypeStruct((N, D_HID), jnp.float32),
    )(acc, dis, b2)


@jax.jit
def kernel(x, edge_index, W1, b1, W2, b2):
    rows = edge_index[0]
    cols = edge_index[1]

    hist = _hist_kernel(cols).reshape(NT, N)
    h1p, dis = _mm1(x, W1, hist.T)

    rows_b = rows.reshape(NS * NB, B)
    rows_off = jnp.stack([rows_b, rows_b + N])
    cols_b = cols.reshape(NS * NB, B)

    acc1 = _prop_kernel(h1p.reshape(NC * N, DH), rows_off, cols_b)
    acc1 = jnp.concatenate([acc1[0], acc1[1]], axis=1)

    h2p = _mm2(acc1, dis, b1.reshape(1, D_HID), W2)
    acc2 = _prop_kernel(h2p.reshape(NC * N, DH), rows_off, cols_b)
    acc2 = jnp.concatenate([acc2[0], acc2[1]], axis=1)

    out = _fin(acc2, dis, b2.reshape(1, D_HID))
    mu, logstd = jnp.split(out, 2, axis=-1)
    return (mu, logstd)

# --- scband reference (transcript-rebuilt; emitter-appended) ---
"""Pipeline reference for scband-encoder-11416023073306 (READ-ONLY COPY).

The authoritative reference and input builder live on the scoring server;
editing this copy changes nothing except your own understanding.
"""

import jax, jax.numpy as jnp
import numpy as np

N_NODES = 10000
N_EDGES = 320000
D_IN = 128
D_HID = 256  # 2 * out_channels


def gcn_conv(x, edge_index, W, b):
    n = x.shape[0]
    loop = jnp.arange(n, dtype=edge_index.dtype)
    ei = jnp.concatenate([edge_index, jnp.stack([loop, loop])], axis=1)
    row, col = ei[0], ei[1]
    deg = jax.ops.segment_sum(jnp.ones(ei.shape[1], dtype=x.dtype), col, num_segments=n)
    deg_inv_sqrt = jnp.where(deg > 0, deg ** -0.5, 0.0)
    norm = deg_inv_sqrt[row] * deg_inv_sqrt[col]
    h = x @ W
    msg = h[row] * norm[:, None]
    out = jax.ops.segment_sum(msg, col, num_segments=n)
    return out + b


def setup_inputs(seed: int = 0):
    key = jax.random.key(seed)
    ks = jax.random.split(key, 6)
    x = jax.random.normal(ks[0], (N_NODES, D_IN), dtype=jnp.float32)
    edge_index = jax.random.randint(ks[1], (2, N_EDGES), 0, N_NODES, dtype=jnp.int32)
    # glorot-style init for GCN weights
    W1 = jax.random.normal(ks[2], (D_IN, D_HID), dtype=jnp.float32) * (2.0 / (D_IN + D_HID)) ** 0.5
    b1 = jnp.zeros((D_HID,), dtype=jnp.float32)
    W2 = jax.random.normal(ks[3], (D_HID, D_HID), dtype=jnp.float32) * (2.0 / (D_HID + D_HID)) ** 0.5
    b2 = jnp.zeros((D_HID,), dtype=jnp.float32)
    return {"x": x, "edge_index": edge_index, "W1": W1, "b1": b1, "W2": W2, "b2": b2}


def reference(x, edge_index, W1, b1, W2, b2):
    h = jax.nn.relu(gcn_conv(x, edge_index, W1, b1))
    h = gcn_conv(h, edge_index, W2, b2)
    mu, logstd = jnp.split(h, 2, axis=-1)
    return (mu, logstd)

if __name__ == "__main__":
    import jax
    _d = setup_inputs()
    print(jax.jit(kernel)(*tuple(_d.values())))

</pallas_src>

<mosaic_0001>
#map = affine_map<(d0, d1) -> (0, 0)>
#map1 = affine_map<(d0, d1) -> (0, 0, 0)>
module attributes {stable_mosaic.version = 14 : i64} {
  func.func @_prop_kernel(%arg0: i32, %arg1: i32, %arg2: memref<20000x128xf32, #tpu.memory_space<hbm>>, %arg3: memref<2x6400x50xi32, #tpu.memory_space<hbm>>, %arg4: memref<6400x50xi32, #tpu.memory_space<hbm>>, %arg5: memref<2x10000x128xf32, #tpu.memory_space<hbm>>, %arg6: memref<2x40x50xi32, #tpu.memory_space<vmem>>, %arg7: memref<2x40x50xi32, #tpu.memory_space<vmem>>, %arg8: memref<4x50x128xf32, #tpu.memory_space<vmem>>, %arg9: memref<10000x128xf32, #tpu.memory_space<vmem_shared>>, %arg10: memref<!tpu.dma_semaphore, #tpu.memory_space<semaphore_mem>>, %arg11: memref<!tpu.dma_semaphore, #tpu.memory_space<semaphore_mem>>, %arg12: memref<!tpu.dma_semaphore, #tpu.memory_space<semaphore_mem>>, %arg13: memref<!tpu.dma_semaphore, #tpu.memory_space<semaphore_mem>>, %arg14: memref<!tpu.dma_semaphore, #tpu.memory_space<semaphore_mem>>, %arg15: memref<!tpu.dma_semaphore, #tpu.memory_space<semaphore_mem>>, %arg16: memref<!tpu.dma_semaphore, #tpu.memory_space<semaphore_mem>>, %arg17: memref<!tpu.dma_semaphore, #tpu.memory_space<semaphore_mem>>, %arg18: memref<!tpu.dma_semaphore, #tpu.memory_space<semaphore_mem>>) attributes {dimension_semantics = [#tpu.dimension_semantics<core_parallel>, #tpu.dimension_semantics<subcore_parallel>], iteration_bounds = array<i64: 2, 16>, scalar_prefetch = 0 : i64, scratch_operands = 13 : i64, tpu.core_type = #tpu.core_type<sc_vector_subcore>, window_params = [{transform_indices = #map}, {transform_indices = #map1}, {transform_indices = #map}, {transform_indices = #map1}]} {
    %mul3A = arith.constant 400 : i32
    %mul3A_0 = arith.muli %arg1, %mul3A : i32
    %mul3A_1 = arith.constant 10000 : i32
    %mul3A_2 = arith.muli %arg0, %mul3A_1 : i32
    %mul3A_3 = arith.constant 624 : i32
    %mul3A_4 = arith.muli %arg1, %mul3A_3 : i32
    %add3A = arith.addi %mul3A_2, %mul3A_4 : i32
    %mul3A_5 = arith.constant 624 : i32
    %mul3A_6 = arith.muli %arg1, %mul3A_5 : i32
    "tpu.region"() ({
      %run_scoped3A = tpu.sem_alloc : memref<!tpu.dma_semaphore, #tpu.memory_space<semaphore_mem>>
      %dma_start3A_141 = arith.constant 0 : i32
      %dma_start3A_142 = tpu.memref_slice %arg9[%mul3A_6, %dma_start3A_141] : memref<10000x128xf32, #tpu.memory_space<vmem_shared>> -> memref<624x128xf32, #tpu.memory_space<vmem_shared>>
      %dma_start3A_143 = arith.constant 0 : i32
      %dma_start3A_144 = tpu.memref_slice %arg2[%add3A, %dma_start3A_143] : memref<20000x128xf32, #tpu.memory_space<hbm>> -> memref<624x128xf32, #tpu.memory_space<hbm>>
      tpu.enqueue_dma source(%dma_start3A_144 : memref<624x128xf32, #tpu.memory_space<hbm>>) target(%dma_start3A_142 : memref<624x128xf32, #tpu.memory_space<vmem_shared>>) target_semaphore(%run_scoped3A : memref<!tpu.dma_semaphore, #tpu.memory_space<semaphore_mem>>)
      %dma_wait3A_145 = arith.constant 0 : i32
      %dma_wait3A_146 = tpu.memref_slice %arg9[%mul3A_6, %dma_wait3A_145] : memref<10000x128xf32, #tpu.memory_space<vmem_shared>> -> memref<624x128xf32, #tpu.memory_space<vmem_shared>>
      %dma_wait3A_147 = arith.constant 0 : i32
      %dma_wait3A_148 = tpu.memref_slice %arg2[%add3A, %dma_wait3A_147] : memref<20000x128xf32, #tpu.memory_space<hbm>> -> memref<624x128xf32, #tpu.memory_space<hbm>>
      tpu.wait_dma2 semaphore(%run_scoped3A : memref<!tpu.dma_semaphore, #tpu.memory_space<semaphore_mem>>) src(%dma_wait3A_148 : memref<624x128xf32, #tpu.memory_space<hbm>>) dst(%dma_wait3A_146 : memref<624x128xf32, #tpu.memory_space<vmem_shared>>)
      tpu.yield
    }) : () -> ()
    %eq3A = arith.constant 15 : i32
    %eq3A_7 = arith.cmpi eq, %arg1, %eq3A : i32
    %convert_element_type3A = arith.extui %eq3A_7 : i1 to i32
    %cond3A = arith.constant 0 : i32
    %cond3A_8 = arith.cmpi ne, %convert_element_type3A, %cond3A : i32
    scf.if %cond3A_8 {
      %mul3A_141 = arith.constant 10000 : i32
      %mul3A_142 = arith.muli %arg0, %mul3A_141 : i32
      %add3A_143 = arith.constant 9984 : i32
      %add3A_144 = arith.addi %mul3A_142, %add3A_143 : i32
      "tpu.region"() ({
        %run_scoped3A = tpu.sem_alloc : memref<!tpu.dma_semaphore, #tpu.memory_space<semaphore_mem>>
        %dma_start3A_145 = arith.constant 9984 : i32
        %dma_start3A_146 = arith.constant 0 : i32
        %dma_start3A_147 = tpu.memref_slice %arg9[%dma_start3A_145, %dma_start3A_146] : memref<10000x128xf32, #tpu.memory_space<vmem_shared>> -> memref<16x128xf32, #tpu.memory_space<vmem_shared>>
        %dma_start3A_148 = arith.constant 0 : i32
        %dma_start3A_149 = tpu.memref_slice %arg2[%add3A_144, %dma_start3A_148] : memref<20000x128xf32, #tpu.memory_space<hbm>> -> memref<16x128xf32, #tpu.memory_space<hbm>>
        tpu.enqueue_dma source(%dma_start3A_149 : memref<16x128xf32, #tpu.memory_space<hbm>>) target(%dma_start3A_147 : memref<16x128xf32, #tpu.memory_space<vmem_shared>>) target_semaphore(%run_scoped3A : memref<!tpu.dma_semaphore, #tpu.memory_space<semaphore_mem>>)
        %dma_wait3A_150 = arith.constant 9984 : i32
        %dma_wait3A_151 = arith.constant 0 : i32
        %dma_wait3A_152 = tpu.memref_slice %arg9[%dma_wait3A_150, %dma_wait3A_151] : memref<10000x128xf32, #tpu.memory_space<vmem_shared>> -> memref<16x128xf32, #tpu.memory_space<vmem_shared>>
        %dma_wait3A_153 = arith.constant 0 : i32
        %dma_wait3A_154 = tpu.memref_slice %arg2[%add3A_144, %dma_wait3A_153] : memref<20000x128xf32, #tpu.memory_space<hbm>> -> memref<16x128xf32, #tpu.memory_space<hbm>>
        tpu.wait_dma2 semaphore(%run_scoped3A : memref<!tpu.dma_semaphore, #tpu.memory_space<semaphore_mem>>) src(%dma_wait3A_154 : memref<16x128xf32, #tpu.memory_space<hbm>>) dst(%dma_wait3A_152 : memref<16x128xf32, #tpu.memory_space<vmem_shared>>)
        tpu.yield
      }) : () -> ()
    } else {
    }
    %add3A_9 = arith.constant 0 : i32
    %add3A_10 = arith.addi %mul3A_0, %add3A_9 : i32
    %dma_start3A = arith.constant 0 : i32
    %dma_start3A_11 = arith.constant 0 : i32
    %dma_start3A_12 = arith.constant 0 : i32
    %dma_start3A_13 = tpu.memref_slice %arg6[%dma_start3A, %dma_start3A_11, %dma_start3A_12] : memref<2x40x50xi32, #tpu.memory_space<vmem>> -> memref<1x40x50xi32, #tpu.memory_space<vmem>>
    %dma_start3A_14 = tpu.memref_squeeze %dma_start3A_13 : memref<1x40x50xi32, #tpu.memory_space<vmem>> -> memref<40x50xi32, #tpu.memory_space<vmem>>
    %dma_start3A_15 = arith.constant 0 : i32
    %dma_start3A_16 = tpu.memref_slice %arg3[%arg0, %add3A_10, %dma_start3A_15] : memref<2x6400x50xi32, #tpu.memory_space<hbm>> -> memref<1x40x50xi32, #tpu.memory_space<hbm>>
    %dma_start3A_17 = tpu.memref_squeeze %dma_start3A_16 : memref<1x40x50xi32, #tpu.memory_space<hbm>> -> memref<40x50xi32, #tpu.memory_space<hbm>>
    %dma_start3A_18 = arith.constant 0 : i32
    %dma_start3A_19 = arith.constant 0 : i32
    %dma_start3A_20 = tpu.memref_slice %arg6[%dma_start3A, %dma_start3A_18, %dma_start3A_19] : memref<2x40x50xi32, #tpu.memory_space<vmem>> -> memref<1x40x50xi32, #tpu.memory_space<vmem>>
    %dma_start3A_21 = tpu.memref_squeeze %dma_start3A_20 : memref<1x40x50xi32, #tpu.memory_space<vmem>> -> memref<40x50xi32, #tpu.memory_space<vmem>>
    %dma_start3A_22 = arith.constant 0 : i32
    %dma_start3A_23 = tpu.memref_slice %arg3[%arg0, %add3A_10, %dma_start3A_22] : memref<2x6400x50xi32, #tpu.memory_space<hbm>> -> memref<1x40x50xi32, #tpu.memory_space<hbm>>
    %dma_start3A_24 = tpu.memref_squeeze %dma_start3A_23 : memref<1x40x50xi32, #tpu.memory_space<hbm>> -> memref<40x50xi32, #tpu.memory_space<hbm>>
    tpu.enqueue_dma source(%dma_start3A_24 : memref<40x50xi32, #tpu.memory_space<hbm>>) target(%dma_start3A_21 : memref<40x50xi32, #tpu.memory_space<vmem>>) target_semaphore(%arg18 : memref<!tpu.dma_semaphore, #tpu.memory_space<semaphore_mem>>)
    %add3A_25 = arith.constant 0 : i32
    %add3A_26 = arith.addi %mul3A_0, %add3A_25 : i32
    %dma_start3A_27 = arith.constant 0 : i32
    %dma_start3A_28 = arith.constant 0 : i32
    %dma_start3A_29 = arith.constant 0 : i32
    %dma_start3A_30 = tpu.memref_slice %arg7[%dma_start3A_27, %dma_start3A_28, %dma_start3A_29] : memref<2x40x50xi32, #tpu.memory_space<vmem>> -> memref<1x40x50xi32, #tpu.memory_space<vmem>>
    %dma_start3A_31 = tpu.memref_squeeze %dma_start3A_30 : memref<1x40x50xi32, #tpu.memory_space<vmem>> -> memref<40x50xi32, #tpu.memory_space<vmem>>
    %dma_start3A_32 = arith.constant 0 : i32
    %dma_start3A_33 = tpu.memref_slice %arg4[%add3A_26, %dma_start3A_32] : memref<6400x50xi32, #tpu.memory_space<hbm>> -> memref<40x50xi32, #tpu.memory_space<hbm>>
    %dma_start3A_34 = arith.constant 0 : i32
    %dma_start3A_35 = arith.constant 0 : i32
    %dma_start3A_36 = tpu.memref_slice %arg7[%dma_start3A_27, %dma_start3A_34, %dma_start3A_35] : memref<2x40x50xi32, #tpu.memory_space<vmem>> -> memref<1x40x50xi32, #tpu.memory_space<vmem>>
    %dma_start3A_37 = tpu.memref_squeeze %dma_start3A_36 : memref<1x40x50xi32, #tpu.memory_space<vmem>> -> memref<40x50xi32, #tpu.memory_space<vmem>>
    %dma_start3A_38 = arith.constant 0 : i32
    %dma_start3A_39 = tpu.memref_slice %arg4[%add3A_26, %dma_start3A_38] : memref<6400x50xi32, #tpu.memory_space<hbm>> -> memref<40x50xi32, #tpu.memory_space<hbm>>
    tpu.enqueue_dma source(%dma_start3A_39 : memref<40x50xi32, #tpu.memory_space<hbm>>) target(%dma_start3A_37 : memref<40x50xi32, #tpu.memory_space<vmem>>) target_semaphore(%arg18 : memref<!tpu.dma_semaphore, #tpu.memory_space<semaphore_mem>>)
    %add3A_40 = arith.constant 0 : i32
    %add3A_41 = arith.addi %mul3A_0, %add3A_40 : i32
    %dma_wait3A = arith.constant 0 : i32
    %dma_wait3A_42 = arith.constant 0 : i32
    %dma_wait3A_43 = arith.constant 0 : i32
    %dma_wait3A_44 = tpu.memref_slice %arg6[%dma_wait3A, %dma_wait3A_42, %dma_wait3A_43] : memref<2x40x50xi32, #tpu.memory_space<vmem>> -> memref<1x40x50xi32, #tpu.memory_space<vmem>>
    %dma_wait3A_45 = tpu.memref_squeeze %dma_wait3A_44 : memref<1x40x50xi32, #tpu.memory_space<vmem>> -> memref<40x50xi32, #tpu.memory_space<vmem>>
    %dma_wait3A_46 = arith.constant 0 : i32
    %dma_wait3A_47 = tpu.memref_slice %arg3[%arg0, %add3A_41, %dma_wait3A_46] : memref<2x6400x50xi32, #tpu.memory_space<hbm>> -> memref<1x40x50xi32, #tpu.memory_space<hbm>>
    %dma_wait3A_48 = tpu.memref_squeeze %dma_wait3A_47 : memref<1x40x50xi32, #tpu.memory_space<hbm>> -> memref<40x50xi32, #tpu.memory_space<hbm>>
    %dma_wait3A_49 = arith.constant 0 : i32
    %dma_wait3A_50 = arith.constant 0 : i32
    %dma_wait3A_51 = tpu.memref_slice %arg6[%dma_wait3A, %dma_wait3A_49, %dma_wait3A_50] : memref<2x40x50xi32, #tpu.memory_space<vmem>> -> memref<1x40x50xi32, #tpu.memory_space<vmem>>
    %dma_wait3A_52 = tpu.memref_squeeze %dma_wait3A_51 : memref<1x40x50xi32, #tpu.memory_space<vmem>> -> memref<40x50xi32, #tpu.memory_space<vmem>>
    %dma_wait3A_53 = arith.constant 0 : i32
    %dma_wait3A_54 = tpu.memref_slice %arg3[%arg0, %add3A_41, %dma_wait3A_53] : memref<2x6400x50xi32, #tpu.memory_space<hbm>> -> memref<1x40x50xi32, #tpu.memory_space<hbm>>
    %dma_wait3A_55 = tpu.memref_squeeze %dma_wait3A_54 : memref<1x40x50xi32, #tpu.memory_space<hbm>> -> memref<40x50xi32, #tpu.memory_space<hbm>>
    tpu.wait_dma2 semaphore(%arg18 : memref<!tpu.dma_semaphore, #tpu.memory_space<semaphore_mem>>) src(%dma_wait3A_55 : memref<40x50xi32, #tpu.memory_space<hbm>>) dst(%dma_wait3A_52 : memref<40x50xi32, #tpu.memory_space<vmem>>)
    %add3A_56 = arith.constant 0 : i32
    %add3A_57 = arith.addi %mul3A_0, %add3A_56 : i32
    %dma_wait3A_58 = arith.constant 0 : i32
    %dma_wait3A_59 = arith.constant 0 : i32
    %dma_wait3A_60 = arith.constant 0 : i32
    %dma_wait3A_61 = tpu.memref_slice %arg7[%dma_wait3A_58, %dma_wait3A_59, %dma_wait3A_60] : memref<2x40x50xi32, #tpu.memory_space<vmem>> -> memref<1x40x50xi32, #tpu.memory_space<vmem>>
    %dma_wait3A_62 = tpu.memref_squeeze %dma_wait3A_61 : memref<1x40x50xi32, #tpu.memory_space<vmem>> -> memref<40x50xi32, #tpu.memory_space<vmem>>
    %dma_wait3A_63 = arith.constant 0 : i32
    %dma_wait3A_64 = tpu.memref_slice %arg4[%add3A_57, %dma_wait3A_63] : memref<6400x50xi32, #tpu.memory_space<hbm>> -> memref<40x50xi32, #tpu.memory_space<hbm>>
    %dma_wait3A_65 = arith.constant 0 : i32
    %dma_wait3A_66 = arith.constant 0 : i32
    %dma_wait3A_67 = tpu.memref_slice %arg7[%dma_wait3A_58, %dma_wait3A_65, %dma_wait3A_66] : memref<2x40x50xi32, #tpu.memory_space<vmem>> -> memref<1x40x50xi32, #tpu.memory_space<vmem>>
    %dma_wait3A_68 = tpu.memref_squeeze %dma_wait3A_67 : memref<1x40x50xi32, #tpu.memory_space<vmem>> -> memref<40x50xi32, #tpu.memory_space<vmem>>
    %dma_wait3A_69 = arith.constant 0 : i32
    %dma_wait3A_70 = tpu.memref_slice %arg4[%add3A_57, %dma_wait3A_69] : memref<6400x50xi32, #tpu.memory_space<hbm>> -> memref<40x50xi32, #tpu.memory_space<hbm>>
    tpu.wait_dma2 semaphore(%arg18 : memref<!tpu.dma_semaphore, #tpu.memory_space<semaphore_mem>>) src(%dma_wait3A_70 : memref<40x50xi32, #tpu.memory_space<hbm>>) dst(%dma_wait3A_68 : memref<40x50xi32, #tpu.memory_space<vmem>>)
    %dma_start3A_71 = arith.constant 0 : i32
    %dma_start3A_72 = arith.constant 0 : i32
    %dma_start3A_73 = arith.constant 0 : i32
    %dma_start3A_74 = arith.constant 0 : i32
    %dma_start3A_75 = arith.constant 0 : i32
    %dma_start3A_76 = tpu.memref_slice %arg8[%dma_start3A_73, %dma_start3A_74, %dma_start3A_75] : memref<4x50x128xf32, #tpu.memory_space<vmem>> -> memref<1x50x128xf32, #tpu.memory_space<vmem>>
    %dma_start3A_77 = tpu.memref_squeeze %dma_start3A_76 : memref<1x50x128xf32, #tpu.memory_space<vmem>> -> memref<50x128xf32, #tpu.memory_space<vmem>>
    %dma_start3A_78 = arith.constant 0 : i32
    %dma_start3A_79 = tpu.memref_slice %arg6[%dma_start3A_71, %dma_start3A_72, %dma_start3A_78] : memref<2x40x50xi32, #tpu.memory_space<vmem>> -> memref<1x1x50xi32, #tpu.memory_space<vmem>>
    %dma_start3A_80 = tpu.memref_squeeze %dma_start3A_79 : memref<1x1x50xi32, #tpu.memory_space<vmem>> -> memref<50xi32, #tpu.memory_space<vmem>>
    %dma_start3A_81 = arith.constant 0 : i32
    %dma_start3A_82 = arith.constant 0 : i32
    %dma_start3A_83 = tpu.memref_slice %arg2[%dma_start3A_81, %dma_start3A_82] : memref<20000x128xf32, #tpu.memory_space<hbm>> -> memref<20000x128xf32, #tpu.memory_space<hbm>>
    tpu.enqueue_indirect_dma source(%dma_start3A_83 : memref<20000x128xf32, #tpu.memory_space<hbm>>) target(%dma_start3A_77 : memref<50x128xf32, #tpu.memory_space<vmem>>) offsets(%dma_start3A_80 : memref<50xi32, #tpu.memory_space<vmem>>) semaphore(%arg10 : memref<!tpu.dma_semaphore, #tpu.memory_space<semaphore_mem>>)
    %dma_start3A_84 = arith.constant 0 : i32
    %dma_start3A_85 = arith.constant 1 : i32
    %dma_start3A_86 = arith.constant 1 : i32
    %dma_start3A_87 = arith.constant 0 : i32
    %dma_start3A_88 = arith.constant 0 : i32
    %dma_start3A_89 = tpu.memref_slice %arg8[%dma_start3A_86, %dma_start3A_87, %dma_start3A_88] : memref<4x50x128xf32, #tpu.memory_space<vmem>> -> memref<1x50x128xf32, #tpu.memory_space<vmem>>
    %dma_start3A_90 = tpu.memref_squeeze %dma_start3A_89 : memref<1x50x128xf32, #tpu.memory_space<vmem>> -> memref<50x128xf32, #tpu.memory_space<vmem>>
    %dma_start3A_91 = arith.constant 0 : i32
    %dma_start3A_92 = tpu.memref_slice %arg6[%dma_start3A_84, %dma_start3A_85, %dma_start3A_91] : memref<2x40x50xi32, #tpu.memory_space<vmem>> -> memref<1x1x50xi32, #tpu.memory_space<vmem>>
    %dma_start3A_93 = tpu.memref_squeeze %dma_start3A_92 : memref<1x1x50xi32, #tpu.memory_space<vmem>> -> memref<50xi32, #tpu.memory_space<vmem>>
    %dma_start3A_94 = arith.constant 0 : i32
    %dma_start3A_95 = arith.constant 0 : i32
    %dma_start3A_96 = tpu.memref_slice %arg2[%dma_start3A_94, %dma_start3A_95] : memref<20000x128xf32, #tpu.memory_space<hbm>> -> memref<20000x128xf32, #tpu.memory_space<hbm>>
    tpu.enqueue_indirect_dma source(%dma_start3A_96 : memref<20000x128xf32, #tpu.memory_space<hbm>>) target(%dma_start3A_90 : memref<50x128xf32, #tpu.memory_space<vmem>>) offsets(%dma_start3A_93 : memref<50xi32, #tpu.memory_space<vmem>>) semaphore(%arg11 : memref<!tpu.dma_semaphore, #tpu.memory_space<semaphore_mem>>)
    %dma_start3A_97 = arith.constant 0 : i32
    %dma_start3A_98 = arith.constant 2 : i32
    %dma_start3A_99 = arith.constant 2 : i32
    %dma_start3A_100 = arith.constant 0 : i32
    %dma_start3A_101 = arith.constant 0 : i32
    %dma_start3A_102 = tpu.memref_slice %arg8[%dma_start3A_99, %dma_start3A_100, %dma_start3A_101] : memref<4x50x128xf32, #tpu.memory_space<vmem>> -> memref<1x50x128xf32, #tpu.memory_space<vmem>>
    %dma_start3A_103 = tpu.memref_squeeze %dma_start3A_102 : memref<1x50x128xf32, #tpu.memory_space<vmem>> -> memref<50x128xf32, #tpu.memory_space<vmem>>
    %dma_start3A_104 = arith.constant 0 : i32
    %dma_start3A_105 = tpu.memref_slice %arg6[%dma_start3A_97, %dma_start3A_98, %dma_start3A_104] : memref<2x40x50xi32, #tpu.memory_space<vmem>> -> memref<1x1x50xi32, #tpu.memory_space<vmem>>
    %dma_start3A_106 = tpu.memref_squeeze %dma_start3A_105 : memref<1x1x50xi32, #tpu.memory_space<vmem>> -> memref<50xi32, #tpu.memory_space<vmem>>
    %dma_start3A_107 = arith.constant 0 : i32
    %dma_start3A_108 = arith.constant 0 : i32
    %dma_start3A_109 = tpu.memref_slice %arg2[%dma_start3A_107, %dma_start3A_108] : memref<20000x128xf32, #tpu.memory_space<hbm>> -> memref<20000x128xf32, #tpu.memory_space<hbm>>
    tpu.enqueue_indirect_dma source(%dma_start3A_109 : memref<20000x128xf32, #tpu.memory_space<hbm>>) target(%dma_start3A_103 : memref<50x128xf32, #tpu.memory_space<vmem>>) offsets(%dma_start3A_106 : memref<50xi32, #tpu.memory_space<vmem>>) semaphore(%arg12 : memref<!tpu.dma_semaphore, #tpu.memory_space<semaphore_mem>>)
    %barrier3A = arith.constant 0 : index
    tpu.barrier barrier_id(%barrier3A)
    %scan3A = arith.constant 0 : i32
    %scan3A_110 = arith.constant 0 : i32
    %scan3A_111 = arith.constant 100 : i32
    %scan3A_112 = arith.addi %scan3A_110, %scan3A_111 : i32
    %scan3A_113 = arith.constant 1 : i32
    %scan3A_114 = scf.for %scan3A_141 = %scan3A_110 to %scan3A_112 step %scan3A_113 iter_args(%scan3A_142 = %scan3A) -> (i32)  : i32 {
      %mul3A_143 = arith.constant 4 : i32
      %mul3A_144 = arith.muli %mul3A_143, %scan3A_141 : i32
      %add3A_145 = arith.constant 0 : i32
      %add3A_146 = arith.addi %mul3A_144, %add3A_145 : i32
      %div3A_147 = arith.constant 40 : i32
      %div3A_148 = arith.divsi %add3A_146, %div3A_147 : i32
      %rem3A_149 = arith.constant 2 : i32
      %rem3A_150 = arith.remsi %div3A_148, %rem3A_149 : i32
      %rem3A_151 = arith.constant 40 : i32
      %rem3A_152 = arith.remsi %add3A_146, %rem3A_151 : i32
      %dma_wait3A_153 = arith.constant 0 : i32
      %dma_wait3A_154 = arith.constant 0 : i32
      %dma_wait3A_155 = arith.constant 0 : i32
      %dma_wait3A_156 = tpu.memref_slice %arg8[%dma_wait3A_153, %dma_wait3A_154, %dma_wait3A_155] : memref<4x50x128xf32, #tpu.memory_space<vmem>> -> memref<1x50x128xf32, #tpu.memory_space<vmem>>
      %dma_wait3A_157 = tpu.memref_squeeze %dma_wait3A_156 : memref<1x50x128xf32, #tpu.memory_space<vmem>> -> memref<50x128xf32, #tpu.memory_space<vmem>>
      %dma_wait3A_158 = arith.constant 0 : i32
      %dma_wait3A_159 = tpu.memref_slice %arg6[%rem3A_150, %rem3A_152, %dma_wait3A_158] : memref<2x40x50xi32, #tpu.memory_space<vmem>> -> memref<1x1x50xi32, #tpu.memory_space<vmem>>
      %dma_wait3A_160 = tpu.memref_squeeze %dma_wait3A_159 : memref<1x1x50xi32, #tpu.memory_space<vmem>> -> memref<50xi32, #tpu.memory_space<vmem>>
      %dma_wait3A_161 = arith.constant 0 : i32
      %dma_wait3A_162 = arith.constant 0 : i32
      %dma_wait3A_163 = tpu.memref_slice %arg2[%dma_wait3A_161, %dma_wait3A_162] : memref<20000x128xf32, #tpu.memory_space<hbm>> -> memref<20000x128xf32, #tpu.memory_space<hbm>>
      tpu.wait_indirect_dma semaphore(%arg10 : memref<!tpu.dma_semaphore, #tpu.memory_space<semaphore_mem>>) src(%dma_wait3A_163 : memref<20000x128xf32, #tpu.memory_space<hbm>>) dst(%dma_wait3A_157 : memref<50x128xf32, #tpu.memory_space<vmem>>)
      %dma_start3A_164 = arith.constant 0 : i32
      %dma_start3A_165 = arith.constant 0 : i32
      %dma_start3A_166 = arith.constant 0 : i32
      %dma_start3A_167 = tpu.memref_slice %arg8[%dma_start3A_164, %dma_start3A_165, %dma_start3A_166] : memref<4x50x128xf32, #tpu.memory_space<vmem>> -> memref<1x50x128xf32, #tpu.memory_space<vmem>>
      %dma_start3A_168 = tpu.memref_squeeze %dma_start3A_167 : memref<1x50x128xf32, #tpu.memory_space<vmem>> -> memref<50x128xf32, #tpu.memory_space<vmem>>
      %dma_start3A_169 = arith.constant 0 : i32
      %dma_start3A_170 = tpu.memref_slice %arg7[%rem3A_150, %rem3A_152, %dma_start3A_169] : memref<2x40x50xi32, #tpu.memory_space<vmem>> -> memref<1x1x50xi32, #tpu.memory_space<vmem>>
      %dma_start3A_171 = tpu.memref_squeeze %dma_start3A_170 : memref<1x1x50xi32, #tpu.memory_space<vmem>> -> memref<50xi32, #tpu.memory_space<vmem>>
      %dma_start3A_172 = arith.constant 0 : i32
      %dma_start3A_173 = arith.constant 0 : i32
      %dma_start3A_174 = tpu.memref_slice %arg9[%dma_start3A_172, %dma_start3A_173] : memref<10000x128xf32, #tpu.memory_space<vmem_shared>> -> memref<10000x128xf32, #tpu.memory_space<vmem_shared>>
      tpu.enqueue_indirect_dma source(%dma_start3A_168 : memref<50x128xf32, #tpu.memory_space<vmem>>) target(%dma_start3A_174 : memref<10000x128xf32, #tpu.memory_space<vmem_shared>>) offsets(%dma_start3A_171 : memref<50xi32, #tpu.memory_space<vmem>>) semaphore(%arg14 : memref<!tpu.dma_semaphore, #tpu.memory_space<semaphore_mem>>) {add = true}
      %sub3A = arith.constant 1 : i32
      %sub3A_175 = arith.subi %add3A_146, %sub3A : i32
      %div3A_176 = arith.constant 40 : i32
      %div3A_177 = arith.divsi %sub3A_175, %div3A_176 : i32
      %rem3A_178 = arith.constant 2 : i32
      %rem3A_179 = arith.remsi %div3A_177, %rem3A_178 : i32
      %rem3A_180 = arith.constant 40 : i32
      %rem3A_181 = arith.remsi %sub3A_175, %rem3A_180 : i32
      %gt3A = arith.constant 0 : i32
      %gt3A_182 = arith.cmpi sgt, %scan3A_141, %gt3A : i32
      %convert_element_type3A_183 = arith.extui %gt3A_182 : i1 to i32
      %cond3A_184 = arith.constant 0 : i32
      %cond3A_185 = arith.cmpi ne, %convert_element_type3A_183, %cond3A_184 : i32
      scf.if %cond3A_185 {
        %dma_wait3A_423 = arith.constant 3 : i32
        %dma_wait3A_424 = arith.constant 0 : i32
        %dma_wait3A_425 = arith.constant 0 : i32
        %dma_wait3A_426 = tpu.memref_slice %arg8[%dma_wait3A_423, %dma_wait3A_424, %dma_wait3A_425] : memref<4x50x128xf32, #tpu.memory_space<vmem>> -> memref<1x50x128xf32, #tpu.memory_space<vmem>>
        %dma_wait3A_427 = tpu.memref_squeeze %dma_wait3A_426 : memref<1x50x128xf32, #tpu.memory_space<vmem>> -> memref<50x128xf32, #tpu.memory_space<vmem>>
        %dma_wait3A_428 = arith.constant 0 : i32
        %dma_wait3A_429 = tpu.memref_slice %arg7[%rem3A_179, %rem3A_181, %dma_wait3A_428] : memref<2x40x50xi32, #tpu.memory_space<vmem>> -> memref<1x1x50xi32, #tpu.memory_space<vmem>>
        %dma_wait3A_430 = tpu.memref_squeeze %dma_wait3A_429 : memref<1x1x50xi32, #tpu.memory_space<vmem>> -> memref<50xi32, #tpu.memory_space<vmem>>
        %dma_wait3A_431 = arith.constant 0 : i32
        %dma_wait3A_432 = arith.constant 0 : i32
        %dma_wait3A_433 = tpu.memref_slice %arg9[%dma_wait3A_431, %dma_wait3A_432] : memref<10000x128xf32, #tpu.memory_space<vmem_shared>> -> memref<10000x128xf32, #tpu.memory_space<vmem_shared>>
        tpu.wait_indirect_dma semaphore(%arg17 : memref<!tpu.dma_semaphore, #tpu.memory_space<semaphore_mem>>) src(%dma_wait3A_427 : memref<50x128xf32, #tpu.memory_space<vmem>>) dst(%dma_wait3A_433 : memref<10000x128xf32, #tpu.memory_space<vmem_shared>>)
      } else {
      }
      %add3A_186 = arith.constant 4 : i32
      %add3A_187 = arith.addi %add3A_146, %add3A_186 : i32
      %sub3A_188 = arith.constant 1 : i32
      %sub3A_189 = arith.subi %add3A_187, %sub3A_188 : i32
      %div3A_190 = arith.constant 40 : i32
      %div3A_191 = arith.divsi %sub3A_189, %div3A_190 : i32
      %rem3A_192 = arith.constant 2 : i32
      %rem3A_193 = arith.remsi %div3A_191, %rem3A_192 : i32
      %rem3A_194 = arith.constant 40 : i32
      %rem3A_195 = arith.remsi %sub3A_189, %rem3A_194 : i32
      %dma_start3A_196 = arith.constant 3 : i32
      %dma_start3A_197 = arith.constant 0 : i32
      %dma_start3A_198 = arith.constant 0 : i32
      %dma_start3A_199 = tpu.memref_slice %arg8[%dma_start3A_196, %dma_start3A_197, %dma_start3A_198] : memref<4x50x128xf32, #tpu.memory_space<vmem>> -> memref<1x50x128xf32, #tpu.memory_space<vmem>>
      %dma_start3A_200 = tpu.memref_squeeze %dma_start3A_199 : memref<1x50x128xf32, #tpu.memory_space<vmem>> -> memref<50x128xf32, #tpu.memory_space<vmem>>
      %dma_start3A_201 = arith.constant 0 : i32
      %dma_start3A_202 = tpu.memref_slice %arg6[%rem3A_193, %rem3A_195, %dma_start3A_201] : memref<2x40x50xi32, #tpu.memory_space<vmem>> -> memref<1x1x50xi32, #tpu.memory_space<vmem>>
      %dma_start3A_203 = tpu.memref_squeeze %dma_start3A_202 : memref<1x1x50xi32, #tpu.memory_space<vmem>> -> memref<50xi32, #tpu.memory_space<vmem>>
      %dma_start3A_204 = arith.constant 0 : i32
      %dma_start3A_205 = arith.constant 0 : i32
      %dma_start3A_206 = tpu.memref_slice %arg2[%dma_start3A_204, %dma_start3A_205] : memref<20000x128xf32, #tpu.memory_space<hbm>> -> memref<20000x128xf32, #tpu.memory_space<hbm>>
      tpu.enqueue_indirect_dma source(%dma_start3A_206 : memref<20000x128xf32, #tpu.memory_space<hbm>>) target(%dma_start3A_200 : memref<50x128xf32, #tpu.memory_space<vmem>>) offsets(%dma_start3A_203 : memref<50xi32, #tpu.memory_space<vmem>>) semaphore(%arg13 : memref<!tpu.dma_semaphore, #tpu.memory_space<semaphore_mem>>)
      %mul3A_207 = arith.constant 4 : i32
      %mul3A_208 = arith.muli %mul3A_207, %scan3A_141 : i32
      %add3A_209 = arith.constant 1 : i32
      %add3A_210 = arith.addi %mul3A_208, %add3A_209 : i32
      %div3A_211 = arith.constant 40 : i32
      %div3A_212 = arith.divsi %add3A_210, %div3A_211 : i32
      %rem3A_213 = arith.constant 2 : i32
      %rem3A_214 = arith.remsi %div3A_212, %rem3A_213 : i32
      %rem3A_215 = arith.constant 40 : i32
      %rem3A_216 = arith.remsi %add3A_210, %rem3A_215 : i32
      %rem3A_217 = arith.constant 10 : i32
      %rem3A_218 = arith.remsi %scan3A_141, %rem3A_217 : i32
      %eq3A_219 = arith.constant 9 : i32
      %eq3A_220 = arith.cmpi eq, %rem3A_218, %eq3A_219 : i32
      %le3A = arith.constant 89 : i32
      %le3A_221 = arith.cmpi sle, %scan3A_141, %le3A : i32
      %and3A = arith.andi %eq3A_220, %le3A_221 : i1
      %convert_element_type3A_222 = arith.extui %and3A : i1 to i32
      %cond3A_223 = arith.constant 0 : i32
      %cond3A_224 = arith.cmpi ne, %convert_element_type3A_222, %cond3A_223 : i32
      scf.if %cond3A_224 {
        %add3A_423 = arith.constant 1 : i32
        %add3A_424 = arith.addi %scan3A_141, %add3A_423 : i32
        %div3A_425 = arith.constant 10 : i32
        %div3A_426 = arith.divsi %add3A_424, %div3A_425 : i32
        %rem3A_427 = arith.constant 2 : i32
        %rem3A_428 = arith.remsi %div3A_426, %rem3A_427 : i32
        %mul3A_429 = arith.constant 40 : i32
        %mul3A_430 = arith.muli %div3A_426, %mul3A_429 : i32
        %add3A_431 = arith.addi %mul3A_0, %mul3A_430 : i32
        %dma_wait3A_432 = arith.constant 0 : i32
        %dma_wait3A_433 = arith.constant 0 : i32
        %dma_wait3A_434 = tpu.memref_slice %arg6[%rem3A_428, %dma_wait3A_432, %dma_wait3A_433] : memref<2x40x50xi32, #tpu.memory_space<vmem>> -> memref<1x40x50xi32, #tpu.memory_space<vmem>>
        %dma_wait3A_435 = tpu.memref_squeeze %dma_wait3A_434 : memref<1x40x50xi32, #tpu.memory_space<vmem>> -> memref<40x50xi32, #tpu.memory_space<vmem>>
        %dma_wait3A_436 = arith.constant 0 : i32
        %dma_wait3A_437 = tpu.memref_slice %arg3[%arg0, %add3A_431, %dma_wait3A_436] : memref<2x6400x50xi32, #tpu.memory_space<hbm>> -> memref<1x40x50xi32, #tpu.memory_space<hbm>>
        %dma_wait3A_438 = tpu.memref_squeeze %dma_wait3A_437 : memref<1x40x50xi32, #tpu.memory_space<hbm>> -> memref<40x50xi32, #tpu.memory_space<hbm>>
        %dma_wait3A_439 = arith.constant 0 : i32
        %dma_wait3A_440 = arith.constant 0 : i32
        %dma_wait3A_441 = tpu.memref_slice %arg6[%rem3A_428, %dma_wait3A_439, %dma_wait3A_440] : memref<2x40x50xi32, #tpu.memory_space<vmem>> -> memref<1x40x50xi32, #tpu.memory_space<vmem>>
        %dma_wait3A_442 = tpu.memref_squeeze %dma_wait3A_441 : memref<1x40x50xi32, #tpu.memory_space<vmem>> -> memref<40x50xi32, #tpu.memory_space<vmem>>
        %dma_wait3A_443 = arith.constant 0 : i32
        %dma_wait3A_444 = tpu.memref_slice %arg3[%arg0, %add3A_431, %dma_wait3A_443] : memref<2x6400x50xi32, #tpu.memory_space<hbm>> -> memref<1x40x50xi32, #tpu.memory_space<hbm>>
        %dma_wait3A_445 = tpu.memref_squeeze %dma_wait3A_444 : memref<1x40x50xi32, #tpu.memory_space<hbm>> -> memref<40x50xi32, #tpu.memory_space<hbm>>
        tpu.wait_dma2 semaphore(%arg18 : memref<!tpu.dma_semaphore, #tpu.memory_space<semaphore_mem>>) src(%dma_wait3A_445 : memref<40x50xi32, #tpu.memory_space<hbm>>) dst(%dma_wait3A_442 : memref<40x50xi32, #tpu.memory_space<vmem>>)
        %mul3A_446 = arith.constant 40 : i32
        %mul3A_447 = arith.muli %div3A_426, %mul3A_446 : i32
        %add3A_448 = arith.addi %mul3A_0, %mul3A_447 : i32
        %dma_wait3A_449 = arith.constant 0 : i32
        %dma_wait3A_450 = arith.constant 0 : i32
        %dma_wait3A_451 = tpu.memref_slice %arg7[%rem3A_428, %dma_wait3A_449, %dma_wait3A_450] : memref<2x40x50xi32, #tpu.memory_space<vmem>> -> memref<1x40x50xi32, #tpu.memory_space<vmem>>
        %dma_wait3A_452 = tpu.memref_squeeze %dma_wait3A_451 : memref<1x40x50xi32, #tpu.memory_space<vmem>> -> memref<40x50xi32, #tpu.memory_space<vmem>>
        %dma_wait3A_453 = arith.constant 0 : i32
        %dma_wait3A_454 = tpu.memref_slice %arg4[%add3A_448, %dma_wait3A_453] : memref<6400x50xi32, #tpu.memory_space<hbm>> -> memref<40x50xi32, #tpu.memory_space<hbm>>
        %dma_wait3A_455 = arith.constant 0 : i32
        %dma_wait3A_456 = arith.constant 0 : i32
        %dma_wait3A_457 = tpu.memref_slice %arg7[%rem3A_428, %dma_wait3A_455, %dma_wait3A_456] : memref<2x40x50xi32, #tpu.memory_space<vmem>> -> memref<1x40x50xi32, #tpu.memory_space<vmem>>
        %dma_wait3A_458 = tpu.memref_squeeze %dma_wait3A_457 : memref<1x40x50xi32, #tpu.memory_space<vmem>> -> memref<40x50xi32, #tpu.memory_space<vmem>>
        %dma_wait3A_459 = arith.constant 0 : i32
        %dma_wait3A_460 = tpu.memref_slice %arg4[%add3A_448, %dma_wait3A_459] : memref<6400x50xi32, #tpu.memory_space<hbm>> -> memref<40x50xi32, #tpu.memory_space<hbm>>
        tpu.wait_dma2 semaphore(%arg18 : memref<!tpu.dma_semaphore, #tpu.memory_space<semaphore_mem>>) src(%dma_wait3A_460 : memref<40x50xi32, #tpu.memory_space<hbm>>) dst(%dma_wait3A_458 : memref<40x50xi32, #tpu.memory_space<vmem>>)
      } else {
      }
      %dma_wait3A_225 = arith.constant 1 : i32
      %dma_wait3A_226 = arith.constant 0 : i32
      %dma_wait3A_227 = arith.constant 0 : i32
      %dma_wait3A_228 = tpu.memref_slice %arg8[%dma_wait3A_225, %dma_wait3A_226, %dma_wait3A_227] : memref<4x50x128xf32, #tpu.memory_space<vmem>> -> memref<1x50x128xf32, #tpu.memory_space<vmem>>
      %dma_wait3A_229 = tpu.memref_squeeze %dma_wait3A_228 : memref<1x50x128xf32, #tpu.memory_space<vmem>> -> memref<50x128xf32, #tpu.memory_space<vmem>>
      %dma_wait3A_230 = arith.constant 0 : i32
      %dma_wait3A_231 = tpu.memref_slice %arg6[%rem3A_214, %rem3A_216, %dma_wait3A_230] : memref<2x40x50xi32, #tpu.memory_space<vmem>> -> memref<1x1x50xi32, #tpu.memory_space<vmem>>
      %dma_wait3A_232 = tpu.memref_squeeze %dma_wait3A_231 : memref<1x1x50xi32, #tpu.memory_space<vmem>> -> memref<50xi32, #tpu.memory_space<vmem>>
      %dma_wait3A_233 = arith.constant 0 : i32
      %dma_wait3A_234 = arith.constant 0 : i32
      %dma_wait3A_235 = tpu.memref_slice %arg2[%dma_wait3A_233, %dma_wait3A_234] : memref<20000x128xf32, #tpu.memory_space<hbm>> -> memref<20000x128xf32, #tpu.memory_space<hbm>>
      tpu.wait_indirect_dma semaphore(%arg11 : memref<!tpu.dma_semaphore, #tpu.memory_space<semaphore_mem>>) src(%dma_wait3A_235 : memref<20000x128xf32, #tpu.memory_space<hbm>>) dst(%dma_wait3A_229 : memref<50x128xf32, #tpu.memory_space<vmem>>)
      %dma_start3A_236 = arith.constant 1 : i32
      %dma_start3A_237 = arith.constant 0 : i32
      %dma_start3A_238 = arith.constant 0 : i32
      %dma_start3A_239 = tpu.memref_slice %arg8[%dma_start3A_236, %dma_start3A_237, %dma_start3A_238] : memref<4x50x128xf32, #tpu.memory_space<vmem>> -> memref<1x50x128xf32, #tpu.memory_space<vmem>>
      %dma_start3A_240 = tpu.memref_squeeze %dma_start3A_239 : memref<1x50x128xf32, #tpu.memory_space<vmem>> -> memref<50x128xf32, #tpu.memory_space<vmem>>
      %dma_start3A_241 = arith.constant 0 : i32
      %dma_start3A_242 = tpu.memref_slice %arg7[%rem3A_214, %rem3A_216, %dma_start3A_241] : memref<2x40x50xi32, #tpu.memory_space<vmem>> -> memref<1x1x50xi32, #tpu.memory_space<vmem>>
      %dma_start3A_243 = tpu.memref_squeeze %dma_start3A_242 : memref<1x1x50xi32, #tpu.memory_space<vmem>> -> memref<50xi32, #tpu.memory_space<vmem>>
      %dma_start3A_244 = arith.constant 0 : i32
      %dma_start3A_245 = arith.constant 0 : i32
      %dma_start3A_246 = tpu.memref_slice %arg9[%dma_start3A_244, %dma_start3A_245] : memref<10000x128xf32, #tpu.memory_space<vmem_shared>> -> memref<10000x128xf32, #tpu.memory_space<vmem_shared>>
      tpu.enqueue_indirect_dma source(%dma_start3A_240 : memref<50x128xf32, #tpu.memory_space<vmem>>) target(%dma_start3A_246 : memref<10000x128xf32, #tpu.memory_space<vmem_shared>>) offsets(%dma_start3A_243 : memref<50xi32, #tpu.memory_space<vmem>>) semaphore(%arg15 : memref<!tpu.dma_semaphore, #tpu.memory_space<semaphore_mem>>) {add = true}
      %sub3A_247 = arith.constant 1 : i32
      %sub3A_248 = arith.subi %add3A_210, %sub3A_247 : i32
      %div3A_249 = arith.constant 40 : i32
      %div3A_250 = arith.divsi %sub3A_248, %div3A_249 : i32
      %rem3A_251 = arith.constant 2 : i32
      %rem3A_252 = arith.remsi %div3A_250, %rem3A_251 : i32
      %rem3A_253 = arith.constant 40 : i32
      %rem3A_254 = arith.remsi %sub3A_248, %rem3A_253 : i32
      %dma_wait3A_255 = arith.constant 0 : i32
      %dma_wait3A_256 = arith.constant 0 : i32
      %dma_wait3A_257 = arith.constant 0 : i32
      %dma_wait3A_258 = tpu.memref_slice %arg8[%dma_wait3A_255, %dma_wait3A_256, %dma_wait3A_257] : memref<4x50x128xf32, #tpu.memory_space<vmem>> -> memref<1x50x128xf32, #tpu.memory_space<vmem>>
      %dma_wait3A_259 = tpu.memref_squeeze %dma_wait3A_258 : memref<1x50x128xf32, #tpu.memory_space<vmem>> -> memref<50x128xf32, #tpu.memory_space<vmem>>
      %dma_wait3A_260 = arith.constant 0 : i32
      %dma_wait3A_261 = tpu.memref_slice %arg7[%rem3A_252, %rem3A_254, %dma_wait3A_260] : memref<2x40x50xi32, #tpu.memory_space<vmem>> -> memref<1x1x50xi32, #tpu.memory_space<vmem>>
      %dma_wait3A_262 = tpu.memref_squeeze %dma_wait3A_261 : memref<1x1x50xi32, #tpu.memory_space<vmem>> -> memref<50xi32, #tpu.memory_space<vmem>>
      %dma_wait3A_263 = arith.constant 0 : i32
      %dma_wait3A_264 = arith.constant 0 : i32
      %dma_wait3A_265 = tpu.memref_slice %arg9[%dma_wait3A_263, %dma_wait3A_264] : memref<10000x128xf32, #tpu.memory_space<vmem_shared>> -> memref<10000x128xf32, #tpu.memory_space<vmem_shared>>
      tpu.wait_indirect_dma semaphore(%arg14 : memref<!tpu.dma_semaphore, #tpu.memory_space<semaphore_mem>>) src(%dma_wait3A_259 : memref<50x128xf32, #tpu.memory_space<vmem>>) dst(%dma_wait3A_265 : memref<10000x128xf32, #tpu.memory_space<vmem_shared>>)
      %add3A_266 = arith.constant 4 : i32
      %add3A_267 = arith.addi %add3A_210, %add3A_266 : i32
      %sub3A_268 = arith.constant 1 : i32
      %sub3A_269 = arith.subi %add3A_267, %sub3A_268 : i32
      %div3A_270 = arith.constant 40 : i32
      %div3A_271 = arith.divsi %sub3A_269, %div3A_270 : i32
      %rem3A_272 = arith.constant 2 : i32
      %rem3A_273 = arith.remsi %div3A_271, %rem3A_272 : i32
      %rem3A_274 = arith.constant 40 : i32
      %rem3A_275 = arith.remsi %sub3A_269, %rem3A_274 : i32
      %lt3A = arith.constant 99 : i32
      %lt3A_276 = arith.cmpi slt, %scan3A_141, %lt3A : i32
      %convert_element_type3A_277 = arith.extui %lt3A_276 : i1 to i32
      %cond3A_278 = arith.constant 0 : i32
      %cond3A_279 = arith.cmpi ne, %convert_element_type3A_277, %cond3A_278 : i32
      scf.if %cond3A_279 {
        %dma_start3A_423 = arith.constant 0 : i32
        %dma_start3A_424 = arith.constant 0 : i32
        %dma_start3A_425 = arith.constant 0 : i32
        %dma_start3A_426 = tpu.memref_slice %arg8[%dma_start3A_423, %dma_start3A_424, %dma_start3A_425] : memref<4x50x128xf32, #tpu.memory_space<vmem>> -> memref<1x50x128xf32, #tpu.memory_space<vmem>>
        %dma_start3A_427 = tpu.memref_squeeze %dma_start3A_426 : memref<1x50x128xf32, #tpu.memory_space<vmem>> -> memref<50x128xf32, #tpu.memory_space<vmem>>
        %dma_start3A_428 = arith.constant 0 : i32
        %dma_start3A_429 = tpu.memref_slice %arg6[%rem3A_273, %rem3A_275, %dma_start3A_428] : memref<2x40x50xi32, #tpu.memory_space<vmem>> -> memref<1x1x50xi32, #tpu.memory_space<vmem>>
        %dma_start3A_430 = tpu.memref_squeeze %dma_start3A_429 : memref<1x1x50xi32, #tpu.memory_space<vmem>> -> memref<50xi32, #tpu.memory_space<vmem>>
        %dma_start3A_431 = arith.constant 0 : i32
        %dma_start3A_432 = arith.constant 0 : i32
        %dma_start3A_433 = tpu.memref_slice %arg2[%dma_start3A_431, %dma_start3A_432] : memref<20000x128xf32, #tpu.memory_space<hbm>> -> memref<20000x128xf32, #tpu.memory_space<hbm>>
        tpu.enqueue_indirect_dma source(%dma_start3A_433 : memref<20000x128xf32, #tpu.memory_space<hbm>>) target(%dma_start3A_427 : memref<50x128xf32, #tpu.memory_space<vmem>>) offsets(%dma_start3A_430 : memref<50xi32, #tpu.memory_space<vmem>>) semaphore(%arg10 : memref<!tpu.dma_semaphore, #tpu.memory_space<semaphore_mem>>)
      } else {
      }
      %mul3A_280 = arith.constant 4 : i32
      %mul3A_281 = arith.muli %mul3A_280, %scan3A_141 : i32
      %add3A_282 = arith.constant 2 : i32
      %add3A_283 = arith.addi %mul3A_281, %add3A_282 : i32
      %div3A_284 = arith.constant 40 : i32
      %div3A_285 = arith.divsi %add3A_283, %div3A_284 : i32
      %rem3A_286 = arith.constant 2 : i32
      %rem3A_287 = arith.remsi %div3A_285, %rem3A_286 : i32
      %rem3A_288 = arith.constant 40 : i32
      %rem3A_289 = arith.remsi %add3A_283, %rem3A_288 : i32
      %dma_wait3A_290 = arith.constant 2 : i32
      %dma_wait3A_291 = arith.constant 0 : i32
      %dma_wait3A_292 = arith.constant 0 : i32
      %dma_wait3A_293 = tpu.memref_slice %arg8[%dma_wait3A_290, %dma_wait3A_291, %dma_wait3A_292] : memref<4x50x128xf32, #tpu.memory_space<vmem>> -> memref<1x50x128xf32, #tpu.memory_space<vmem>>
      %dma_wait3A_294 = tpu.memref_squeeze %dma_wait3A_293 : memref<1x50x128xf32, #tpu.memory_space<vmem>> -> memref<50x128xf32, #tpu.memory_space<vmem>>
      %dma_wait3A_295 = arith.constant 0 : i32
      %dma_wait3A_296 = tpu.memref_slice %arg6[%rem3A_287, %rem3A_289, %dma_wait3A_295] : memref<2x40x50xi32, #tpu.memory_space<vmem>> -> memref<1x1x50xi32, #tpu.memory_space<vmem>>
      %dma_wait3A_297 = tpu.memref_squeeze %dma_wait3A_296 : memref<1x1x50xi32, #tpu.memory_space<vmem>> -> memref<50xi32, #tpu.memory_space<vmem>>
      %dma_wait3A_298 = arith.constant 0 : i32
      %dma_wait3A_299 = arith.constant 0 : i32
      %dma_wait3A_300 = tpu.memref_slice %arg2[%dma_wait3A_298, %dma_wait3A_299] : memref<20000x128xf32, #tpu.memory_space<hbm>> -> memref<20000x128xf32, #tpu.memory_space<hbm>>
      tpu.wait_indirect_dma semaphore(%arg12 : memref<!tpu.dma_semaphore, #tpu.memory_space<semaphore_mem>>) src(%dma_wait3A_300 : memref<20000x128xf32, #tpu.memory_space<hbm>>) dst(%dma_wait3A_294 : memref<50x128xf32, #tpu.memory_space<vmem>>)
      %dma_start3A_301 = arith.constant 2 : i32
      %dma_start3A_302 = arith.constant 0 : i32
      %dma_start3A_303 = arith.constant 0 : i32
      %dma_start3A_304 = tpu.memref_slice %arg8[%dma_start3A_301, %dma_start3A_302, %dma_start3A_303] : memref<4x50x128xf32, #tpu.memory_space<vmem>> -> memref<1x50x128xf32, #tpu.memory_space<vmem>>
      %dma_start3A_305 = tpu.memref_squeeze %dma_start3A_304 : memref<1x50x128xf32, #tpu.memory_space<vmem>> -> memref<50x128xf32, #tpu.memory_space<vmem>>
      %dma_start3A_306 = arith.constant 0 : i32
      %dma_start3A_307 = tpu.memref_slice %arg7[%rem3A_287, %rem3A_289, %dma_start3A_306] : memref<2x40x50xi32, #tpu.memory_space<vmem>> -> memref<1x1x50xi32, #tpu.memory_space<vmem>>
      %dma_start3A_308 = tpu.memref_squeeze %dma_start3A_307 : memref<1x1x50xi32, #tpu.memory_space<vmem>> -> memref<50xi32, #tpu.memory_space<vmem>>
      %dma_start3A_309 = arith.constant 0 : i32
      %dma_start3A_310 = arith.constant 0 : i32
      %dma_start3A_311 = tpu.memref_slice %arg9[%dma_start3A_309, %dma_start3A_310] : memref<10000x128xf32, #tpu.memory_space<vmem_shared>> -> memref<10000x128xf32, #tpu.memory_space<vmem_shared>>
      tpu.enqueue_indirect_dma source(%dma_start3A_305 : memref<50x128xf32, #tpu.memory_space<vmem>>) target(%dma_start3A_311 : memref<10000x128xf32, #tpu.memory_space<vmem_shared>>) offsets(%dma_start3A_308 : memref<50xi32, #tpu.memory_space<vmem>>) semaphore(%arg16 : memref<!tpu.dma_semaphore, #tpu.memory_space<semaphore_mem>>) {add = true}
      %sub3A_312 = arith.constant 1 : i32
      %sub3A_313 = arith.subi %add3A_283, %sub3A_312 : i32
      %div3A_314 = arith.constant 40 : i32
      %div3A_315 = arith.divsi %sub3A_313, %div3A_314 : i32
      %rem3A_316 = arith.constant 2 : i32
      %rem3A_317 = arith.remsi %div3A_315, %rem3A_316 : i32
      %rem3A_318 = arith.constant 40 : i32
      %rem3A_319 = arith.remsi %sub3A_313, %rem3A_318 : i32
      %dma_wait3A_320 = arith.constant 1 : i32
      %dma_wait3A_321 = arith.constant 0 : i32
      %dma_wait3A_322 = arith.constant 0 : i32
      %dma_wait3A_323 = tpu.memref_slice %arg8[%dma_wait3A_320, %dma_wait3A_321, %dma_wait3A_322] : memref<4x50x128xf32, #tpu.memory_space<vmem>> -> memref<1x50x128xf32, #tpu.memory_space<vmem>>
      %dma_wait3A_324 = tpu.memref_squeeze %dma_wait3A_323 : memref<1x50x128xf32, #tpu.memory_space<vmem>> -> memref<50x128xf32, #tpu.memory_space<vmem>>
      %dma_wait3A_325 = arith.constant 0 : i32
      %dma_wait3A_326 = tpu.memref_slice %arg7[%rem3A_317, %rem3A_319, %dma_wait3A_325] : memref<2x40x50xi32, #tpu.memory_space<vmem>> -> memref<1x1x50xi32, #tpu.memory_space<vmem>>
      %dma_wait3A_327 = tpu.memref_squeeze %dma_wait3A_326 : memref<1x1x50xi32, #tpu.memory_space<vmem>> -> memref<50xi32, #tpu.memory_space<vmem>>
      %dma_wait3A_328 = arith.constant 0 : i32
      %dma_wait3A_329 = arith.constant 0 : i32
      %dma_wait3A_330 = tpu.memref_slice %arg9[%dma_wait3A_328, %dma_wait3A_329] : memref<10000x128xf32, #tpu.memory_space<vmem_shared>> -> memref<10000x128xf32, #tpu.memory_space<vmem_shared>>
      tpu.wait_indirect_dma semaphore(%arg15 : memref<!tpu.dma_semaphore, #tpu.memory_space<semaphore_mem>>) src(%dma_wait3A_324 : memref<50x128xf32, #tpu.memory_space<vmem>>) dst(%dma_wait3A_330 : memref<10000x128xf32, #tpu.memory_space<vmem_shared>>)
      %add3A_331 = arith.constant 4 : i32
      %add3A_332 = arith.addi %add3A_283, %add3A_331 : i32
      %sub3A_333 = arith.constant 1 : i32
      %sub3A_334 = arith.subi %add3A_332, %sub3A_333 : i32
      %div3A_335 = arith.constant 40 : i32
      %div3A_336 = arith.divsi %sub3A_334, %div3A_335 : i32
      %rem3A_337 = arith.constant 2 : i32
      %rem3A_338 = arith.remsi %div3A_336, %rem3A_337 : i32
      %rem3A_339 = arith.constant 40 : i32
      %rem3A_340 = arith.remsi %sub3A_334, %rem3A_339 : i32
      %lt3A_341 = arith.constant 99 : i32
      %lt3A_342 = arith.cmpi slt, %scan3A_141, %lt3A_341 : i32
      %convert_element_type3A_343 = arith.extui %lt3A_342 : i1 to i32
      %cond3A_344 = arith.constant 0 : i32
      %cond3A_345 = arith.cmpi ne, %convert_element_type3A_343, %cond3A_344 : i32
      scf.if %cond3A_345 {
        %dma_start3A_423 = arith.constant 1 : i32
        %dma_start3A_424 = arith.constant 0 : i32
        %dma_start3A_425 = arith.constant 0 : i32
        %dma_start3A_426 = tpu.memref_slice %arg8[%dma_start3A_423, %dma_start3A_424, %dma_start3A_425] : memref<4x50x128xf32, #tpu.memory_space<vmem>> -> memref<1x50x128xf32, #tpu.memory_space<vmem>>
        %dma_start3A_427 = tpu.memref_squeeze %dma_start3A_426 : memref<1x50x128xf32, #tpu.memory_space<vmem>> -> memref<50x128xf32, #tpu.memory_space<vmem>>
        %dma_start3A_428 = arith.constant 0 : i32
        %dma_start3A_429 = tpu.memref_slice %arg6[%rem3A_338, %rem3A_340, %dma_start3A_428] : memref<2x40x50xi32, #tpu.memory_space<vmem>> -> memref<1x1x50xi32, #tpu.memory_space<vmem>>
        %dma_start3A_430 = tpu.memref_squeeze %dma_start3A_429 : memref<1x1x50xi32, #tpu.memory_space<vmem>> -> memref<50xi32, #tpu.memory_space<vmem>>
        %dma_start3A_431 = arith.constant 0 : i32
        %dma_start3A_432 = arith.constant 0 : i32
        %dma_start3A_433 = tpu.memref_slice %arg2[%dma_start3A_431, %dma_start3A_432] : memref<20000x128xf32, #tpu.memory_space<hbm>> -> memref<20000x128xf32, #tpu.memory_space<hbm>>
        tpu.enqueue_indirect_dma source(%dma_start3A_433 : memref<20000x128xf32, #tpu.memory_space<hbm>>) target(%dma_start3A_427 : memref<50x128xf32, #tpu.memory_space<vmem>>) offsets(%dma_start3A_430 : memref<50xi32, #tpu.memory_space<vmem>>) semaphore(%arg11 : memref<!tpu.dma_semaphore, #tpu.memory_space<semaphore_mem>>)
      } else {
      }
      %mul3A_346 = arith.constant 4 : i32
      %mul3A_347 = arith.muli %mul3A_346, %scan3A_141 : i32
      %add3A_348 = arith.constant 3 : i32
      %add3A_349 = arith.addi %mul3A_347, %add3A_348 : i32
      %div3A_350 = arith.constant 40 : i32
      %div3A_351 = arith.divsi %add3A_349, %div3A_350 : i32
      %rem3A_352 = arith.constant 2 : i32
      %rem3A_353 = arith.remsi %div3A_351, %rem3A_352 : i32
      %rem3A_354 = arith.constant 40 : i32
      %rem3A_355 = arith.remsi %add3A_349, %rem3A_354 : i32
      %rem3A_356 = arith.constant 10 : i32
      %rem3A_357 = arith.remsi %scan3A_141, %rem3A_356 : i32
      %eq3A_358 = arith.constant 0 : i32
      %eq3A_359 = arith.cmpi eq, %rem3A_357, %eq3A_358 : i32
      %le3A_360 = arith.constant 80 : i32
      %le3A_361 = arith.cmpi sle, %scan3A_141, %le3A_360 : i32
      %and3A_362 = arith.andi %eq3A_359, %le3A_361 : i1
      %convert_element_type3A_363 = arith.extui %and3A_362 : i1 to i32
      %cond3A_364 = arith.constant 0 : i32
      %cond3A_365 = arith.cmpi ne, %convert_element_type3A_363, %cond3A_364 : i32
      scf.if %cond3A_365 {
        %div3A_423 = arith.constant 10 : i32
        %div3A_424 = arith.divsi %scan3A_141, %div3A_423 : i32
        %add3A_425 = arith.constant 1 : i32
        %add3A_426 = arith.addi %div3A_424, %add3A_425 : i32
        %rem3A_427 = arith.constant 2 : i32
        %rem3A_428 = arith.remsi %add3A_426, %rem3A_427 : i32
        %mul3A_429 = arith.constant 40 : i32
        %mul3A_430 = arith.muli %add3A_426, %mul3A_429 : i32
        %add3A_431 = arith.addi %mul3A_0, %mul3A_430 : i32
        %dma_start3A_432 = arith.constant 0 : i32
        %dma_start3A_433 = arith.constant 0 : i32
        %dma_start3A_434 = tpu.memref_slice %arg6[%rem3A_428, %dma_start3A_432, %dma_start3A_433] : memref<2x40x50xi32, #tpu.memory_space<vmem>> -> memref<1x40x50xi32, #tpu.memory_space<vmem>>
        %dma_start3A_435 = tpu.memref_squeeze %dma_start3A_434 : memref<1x40x50xi32, #tpu.memory_space<vmem>> -> memref<40x50xi32, #tpu.memory_space<vmem>>
        %dma_start3A_436 = arith.constant 0 : i32
        %dma_start3A_437 = tpu.memref_slice %arg3[%arg0, %add3A_431, %dma_start3A_436] : memref<2x6400x50xi32, #tpu.memory_space<hbm>> -> memref<1x40x50xi32, #tpu.memory_space<hbm>>
        %dma_start3A_438 = tpu.memref_squeeze %dma_start3A_437 : memref<1x40x50xi32, #tpu.memory_space<hbm>> -> memref<40x50xi32, #tpu.memory_space<hbm>>
        %dma_start3A_439 = arith.constant 0 : i32
        %dma_start3A_440 = arith.constant 0 : i32
        %dma_start3A_441 = tpu.memref_slice %arg6[%rem3A_428, %dma_start3A_439, %dma_start3A_440] : memref<2x40x50xi32, #tpu.memory_space<vmem>> -> memref<1x40x50xi32, #tpu.memory_space<vmem>>
        %dma_start3A_442 = tpu.memref_squeeze %dma_start3A_441 : memref<1x40x50xi32, #tpu.memory_space<vmem>> -> memref<40x50xi32, #tpu.memory_space<vmem>>
        %dma_start3A_443 = arith.constant 0 : i32
        %dma_start3A_444 = tpu.memref_slice %arg3[%arg0, %add3A_431, %dma_start3A_443] : memref<2x6400x50xi32, #tpu.memory_space<hbm>> -> memref<1x40x50xi32, #tpu.memory_space<hbm>>
        %dma_start3A_445 = tpu.memref_squeeze %dma_start3A_444 : memref<1x40x50xi32, #tpu.memory_space<hbm>> -> memref<40x50xi32, #tpu.memory_space<hbm>>
        tpu.enqueue_dma source(%dma_start3A_445 : memref<40x50xi32, #tpu.memory_space<hbm>>) target(%dma_start3A_442 : memref<40x50xi32, #tpu.memory_space<vmem>>) target_semaphore(%arg18 : memref<!tpu.dma_semaphore, #tpu.memory_space<semaphore_mem>>)
        %mul3A_446 = arith.constant 40 : i32
        %mul3A_447 = arith.muli %add3A_426, %mul3A_446 : i32
        %add3A_448 = arith.addi %mul3A_0, %mul3A_447 : i32
        %dma_start3A_449 = arith.constant 0 : i32
        %dma_start3A_450 = arith.constant 0 : i32
        %dma_start3A_451 = tpu.memref_slice %arg7[%rem3A_428, %dma_start3A_449, %dma_start3A_450] : memref<2x40x50xi32, #tpu.memory_space<vmem>> -> memref<1x40x50xi32, #tpu.memory_space<vmem>>
        %dma_start3A_452 = tpu.memref_squeeze %dma_start3A_451 : memref<1x40x50xi32, #tpu.memory_space<vmem>> -> memref<40x50xi32, #tpu.memory_space<vmem>>
        %dma_start3A_453 = arith.constant 0 : i32
        %dma_start3A_454 = tpu.memref_slice %arg4[%add3A_448, %dma_start3A_453] : memref<6400x50xi32, #tpu.memory_space<hbm>> -> memref<40x50xi32, #tpu.memory_space<hbm>>
        %dma_start3A_455 = arith.constant 0 : i32
        %dma_start3A_456 = arith.constant 0 : i32
        %dma_start3A_457 = tpu.memref_slice %arg7[%rem3A_428, %dma_start3A_455, %dma_start3A_456] : memref<2x40x50xi32, #tpu.memory_space<vmem>> -> memref<1x40x50xi32, #tpu.memory_space<vmem>>
        %dma_start3A_458 = tpu.memref_squeeze %dma_start3A_457 : memref<1x40x50xi32, #tpu.memory_space<vmem>> -> memref<40x50xi32, #tpu.memory_space<vmem>>
        %dma_start3A_459 = arith.constant 0 : i32
        %dma_start3A_460 = tpu.memref_slice %arg4[%add3A_448, %dma_start3A_459] : memref<6400x50xi32, #tpu.memory_space<hbm>> -> memref<40x50xi32, #tpu.memory_space<hbm>>
        tpu.enqueue_dma source(%dma_start3A_460 : memref<40x50xi32, #tpu.memory_space<hbm>>) target(%dma_start3A_458 : memref<40x50xi32, #tpu.memory_space<vmem>>) target_semaphore(%arg18 : memref<!tpu.dma_semaphore, #tpu.memory_space<semaphore_mem>>)
      } else {
      }
      %dma_wait3A_366 = arith.constant 3 : i32
      %dma_wait3A_367 = arith.constant 0 : i32
      %dma_wait3A_368 = arith.constant 0 : i32
      %dma_wait3A_369 = tpu.memref_slice %arg8[%dma_wait3A_366, %dma_wait3A_367, %dma_wait3A_368] : memref<4x50x128xf32, #tpu.memory_space<vmem>> -> memref<1x50x128xf32, #tpu.memory_space<vmem>>
      %dma_wait3A_370 = tpu.memref_squeeze %dma_wait3A_369 : memref<1x50x128xf32, #tpu.memory_space<vmem>> -> memref<50x128xf32, #tpu.memory_space<vmem>>
      %dma_wait3A_371 = arith.constant 0 : i32
      %dma_wait3A_372 = tpu.memref_slice %arg6[%rem3A_353, %rem3A_355, %dma_wait3A_371] : memref<2x40x50xi32, #tpu.memory_space<vmem>> -> memref<1x1x50xi32, #tpu.memory_space<vmem>>
      %dma_wait3A_373 = tpu.memref_squeeze %dma_wait3A_372 : memref<1x1x50xi32, #tpu.memory_space<vmem>> -> memref<50xi32, #tpu.memory_space<vmem>>
      %dma_wait3A_374 = arith.constant 0 : i32
      %dma_wait3A_375 = arith.constant 0 : i32
      %dma_wait3A_376 = tpu.memref_slice %arg2[%dma_wait3A_374, %dma_wait3A_375] : memref<20000x128xf32, #tpu.memory_space<hbm>> -> memref<20000x128xf32, #tpu.memory_space<hbm>>
      tpu.wait_indirect_dma semaphore(%arg13 : memref<!tpu.dma_semaphore, #tpu.memory_space<semaphore_mem>>) src(%dma_wait3A_376 : memref<20000x128xf32, #tpu.memory_space<hbm>>) dst(%dma_wait3A_370 : memref<50x128xf32, #tpu.memory_space<vmem>>)
      %dma_start3A_377 = arith.constant 3 : i32
      %dma_start3A_378 = arith.constant 0 : i32
      %dma_start3A_379 = arith.constant 0 : i32
      %dma_start3A_380 = tpu.memref_slice %arg8[%dma_start3A_377, %dma_start3A_378, %dma_start3A_379] : memref<4x50x128xf32, #tpu.memory_space<vmem>> -> memref<1x50x128xf32, #tpu.memory_space<vmem>>
      %dma_start3A_381 = tpu.memref_squeeze %dma_start3A_380 : memref<1x50x128xf32, #tpu.memory_space<vmem>> -> memref<50x128xf32, #tpu.memory_space<vmem>>
      %dma_start3A_382 = arith.constant 0 : i32
      %dma_start3A_383 = tpu.memref_slice %arg7[%rem3A_353, %rem3A_355, %dma_start3A_382] : memref<2x40x50xi32, #tpu.memory_space<vmem>> -> memref<1x1x50xi32, #tpu.memory_space<vmem>>
      %dma_start3A_384 = tpu.memref_squeeze %dma_start3A_383 : memref<1x1x50xi32, #tpu.memory_space<vmem>> -> memref<50xi32, #tpu.memory_space<vmem>>
      %dma_start3A_385 = arith.constant 0 : i32
      %dma_start3A_386 = arith.constant 0 : i32
      %dma_start3A_387 = tpu.memref_slice %arg9[%dma_start3A_385, %dma_start3A_386] : memref<10000x128xf32, #tpu.memory_space<vmem_shared>> -> memref<10000x128xf32, #tpu.memory_space<vmem_shared>>
      tpu.enqueue_indirect_dma source(%dma_start3A_381 : memref<50x128xf32, #tpu.memory_space<vmem>>) target(%dma_start3A_387 : memref<10000x128xf32, #tpu.memory_space<vmem_shared>>) offsets(%dma_start3A_384 : memref<50xi32, #tpu.memory_space<vmem>>) semaphore(%arg17 : memref<!tpu.dma_semaphore, #tpu.memory_space<semaphore_mem>>) {add = true}
      %sub3A_388 = arith.constant 1 : i32
      %sub3A_389 = arith.subi %add3A_349, %sub3A_388 : i32
      %div3A_390 = arith.constant 40 : i32
      %div3A_391 = arith.divsi %sub3A_389, %div3A_390 : i32
      %rem3A_392 = arith.constant 2 : i32
      %rem3A_393 = arith.remsi %div3A_391, %rem3A_392 : i32
      %rem3A_394 = arith.constant 40 : i32
      %rem3A_395 = arith.remsi %sub3A_389, %rem3A_394 : i32
      %dma_wait3A_396 = arith.constant 2 : i32
      %dma_wait3A_397 = arith.constant 0 : i32
      %dma_wait3A_398 = arith.constant 0 : i32
      %dma_wait3A_399 = tpu.memref_slice %arg8[%dma_wait3A_396, %dma_wait3A_397, %dma_wait3A_398] : memref<4x50x128xf32, #tpu.memory_space<vmem>> -> memref<1x50x128xf32, #tpu.memory_space<vmem>>
      %dma_wait3A_400 = tpu.memref_squeeze %dma_wait3A_399 : memref<1x50x128xf32, #tpu.memory_space<vmem>> -> memref<50x128xf32, #tpu.memory_space<vmem>>
      %dma_wait3A_401 = arith.constant 0 : i32
      %dma_wait3A_402 = tpu.memref_slice %arg7[%rem3A_393, %rem3A_395, %dma_wait3A_401] : memref<2x40x50xi32, #tpu.memory_space<vmem>> -> memref<1x1x50xi32, #tpu.memory_space<vmem>>
      %dma_wait3A_403 = tpu.memref_squeeze %dma_wait3A_402 : memref<1x1x50xi32, #tpu.memory_space<vmem>> -> memref<50xi32, #tpu.memory_space<vmem>>
      %dma_wait3A_404 = arith.constant 0 : i32
      %dma_wait3A_405 = arith.constant 0 : i32
      %dma_wait3A_406 = tpu.memref_slice %arg9[%dma_wait3A_404, %dma_wait3A_405] : memref<10000x128xf32, #tpu.memory_space<vmem_shared>> -> memref<10000x128xf32, #tpu.memory_space<vmem_shared>>
      tpu.wait_indirect_dma semaphore(%arg16 : memref<!tpu.dma_semaphore, #tpu.memory_space<semaphore_mem>>) src(%dma_wait3A_400 : memref<50x128xf32, #tpu.memory_space<vmem>>) dst(%dma_wait3A_406 : memref<10000x128xf32, #tpu.memory_space<vmem_shared>>)
      %add3A_407 = arith.constant 4 : i32
      %add3A_408 = arith.addi %add3A_349, %add3A_407 : i32
      %sub3A_409 = arith.constant 1 : i32
      %sub3A_410 = arith.subi %add3A_408, %sub3A_409 : i32
      %div3A_411 = arith.constant 40 : i32
      %div3A_412 = arith.divsi %sub3A_410, %div3A_411 : i32
      %rem3A_413 = arith.constant 2 : i32
      %rem3A_414 = arith.remsi %div3A_412, %rem3A_413 : i32
      %rem3A_415 = arith.constant 40 : i32
      %rem3A_416 = arith.remsi %sub3A_410, %rem3A_415 : i32
      %lt3A_417 = arith.constant 99 : i32
      %lt3A_418 = arith.cmpi slt, %scan3A_141, %lt3A_417 : i32
      %convert_element_type3A_419 = arith.extui %lt3A_418 : i1 to i32
      %cond3A_420 = arith.constant 0 : i32
      %cond3A_421 = arith.cmpi ne, %convert_element_type3A_419, %cond3A_420 : i32
      scf.if %cond3A_421 {
        %dma_start3A_423 = arith.constant 2 : i32
        %dma_start3A_424 = arith.constant 0 : i32
        %dma_start3A_425 = arith.constant 0 : i32
        %dma_start3A_426 = tpu.memref_slice %arg8[%dma_start3A_423, %dma_start3A_424, %dma_start3A_425] : memref<4x50x128xf32, #tpu.memory_space<vmem>> -> memref<1x50x128xf32, #tpu.memory_space<vmem>>
        %dma_start3A_427 = tpu.memref_squeeze %dma_start3A_426 : memref<1x50x128xf32, #tpu.memory_space<vmem>> -> memref<50x128xf32, #tpu.memory_space<vmem>>
        %dma_start3A_428 = arith.constant 0 : i32
        %dma_start3A_429 = tpu.memref_slice %arg6[%rem3A_414, %rem3A_416, %dma_start3A_428] : memref<2x40x50xi32, #tpu.memory_space<vmem>> -> memref<1x1x50xi32, #tpu.memory_space<vmem>>
        %dma_start3A_430 = tpu.memref_squeeze %dma_start3A_429 : memref<1x1x50xi32, #tpu.memory_space<vmem>> -> memref<50xi32, #tpu.memory_space<vmem>>
        %dma_start3A_431 = arith.constant 0 : i32
        %dma_start3A_432 = arith.constant 0 : i32
        %dma_start3A_433 = tpu.memref_slice %arg2[%dma_start3A_431, %dma_start3A_432] : memref<20000x128xf32, #tpu.memory_space<hbm>> -> memref<20000x128xf32, #tpu.memory_space<hbm>>
        tpu.enqueue_indirect_dma source(%dma_start3A_433 : memref<20000x128xf32, #tpu.memory_space<hbm>>) target(%dma_start3A_427 : memref<50x128xf32, #tpu.memory_space<vmem>>) offsets(%dma_start3A_430 : memref<50xi32, #tpu.memory_space<vmem>>) semaphore(%arg12 : memref<!tpu.dma_semaphore, #tpu.memory_space<semaphore_mem>>)
      } else {
      }
      %scan3A_422 = arith.constant 0 : i32
      scf.yield %scan3A_422 : i32
    }
    %scan3A_115 = arith.constant 100 : i32
    %div3A = arith.constant 399 : i32
    %div3A_116 = arith.constant 40 : i32
    %div3A_117 = arith.divsi %div3A, %div3A_116 : i32
    %rem3A = arith.constant 2 : i32
    %rem3A_118 = arith.remsi %div3A_117, %rem3A : i32
    %dma_wait3A_119 = arith.constant 3 : i32
    %dma_wait3A_120 = arith.constant 39 : i32
    %dma_wait3A_121 = arith.constant 0 : i32
    %dma_wait3A_122 = arith.constant 0 : i32
    %dma_wait3A_123 = tpu.memref_slice %arg8[%dma_wait3A_119, %dma_wait3A_121, %dma_wait3A_122] : memref<4x50x128xf32, #tpu.memory_space<vmem>> -> memref<1x50x128xf32, #tpu.memory_space<vmem>>
    %dma_wait3A_124 = tpu.memref_squeeze %dma_wait3A_123 : memref<1x50x128xf32, #tpu.memory_space<vmem>> -> memref<50x128xf32, #tpu.memory_space<vmem>>
    %dma_wait3A_125 = arith.constant 0 : i32
    %dma_wait3A_126 = tpu.memref_slice %arg7[%rem3A_118, %dma_wait3A_120, %dma_wait3A_125] : memref<2x40x50xi32, #tpu.memory_space<vmem>> -> memref<1x1x50xi32, #tpu.memory_space<vmem>>
    %dma_wait3A_127 = tpu.memref_squeeze %dma_wait3A_126 : memref<1x1x50xi32, #tpu.memory_space<vmem>> -> memref<50xi32, #tpu.memory_space<vmem>>
    %dma_wait3A_128 = arith.constant 0 : i32
    %dma_wait3A_129 = arith.constant 0 : i32
    %dma_wait3A_130 = tpu.memref_slice %arg9[%dma_wait3A_128, %dma_wait3A_129] : memref<10000x128xf32, #tpu.memory_space<vmem_shared>> -> memref<10000x128xf32, #tpu.memory_space<vmem_shared>>
    tpu.wait_indirect_dma semaphore(%arg17 : memref<!tpu.dma_semaphore, #tpu.memory_space<semaphore_mem>>) src(%dma_wait3A_124 : memref<50x128xf32, #tpu.memory_space<vmem>>) dst(%dma_wait3A_130 : memref<10000x128xf32, #tpu.memory_space<vmem_shared>>)
    %barrier3A_131 = arith.constant 0 : index
    tpu.barrier barrier_id(%barrier3A_131)
    %mul3A_132 = arith.constant 624 : i32
    %mul3A_133 = arith.muli %arg1, %mul3A_132 : i32
    %mul3A_134 = arith.constant 624 : i32
    %mul3A_135 = arith.muli %arg1, %mul3A_134 : i32
    "tpu.region"() ({
      %run_scoped3A = tpu.sem_alloc : memref<!tpu.dma_semaphore, #tpu.memory_space<semaphore_mem>>
      %dma_start3A_141 = arith.constant 0 : i32
      %dma_start3A_142 = tpu.memref_slice %arg5[%arg0, %mul3A_135, %dma_start3A_141] : memref<2x10000x128xf32, #tpu.memory_space<hbm>> -> memref<1x624x128xf32, #tpu.memory_space<hbm>>
      %dma_start3A_143 = tpu.memref_squeeze %dma_start3A_142 : memref<1x624x128xf32, #tpu.memory_space<hbm>> -> memref<624x128xf32, #tpu.memory_space<hbm>>
      %dma_start3A_144 = arith.constant 0 : i32
      %dma_start3A_145 = tpu.memref_slice %arg9[%mul3A_133, %dma_start3A_144] : memref<10000x128xf32, #tpu.memory_space<vmem_shared>> -> memref<624x128xf32, #tpu.memory_space<vmem_shared>>
      tpu.enqueue_dma source(%dma_start3A_145 : memref<624x128xf32, #tpu.memory_space<vmem_shared>>) target(%dma_start3A_143 : memref<624x128xf32, #tpu.memory_space<hbm>>) target_semaphore(%run_scoped3A : memref<!tpu.dma_semaphore, #tpu.memory_space<semaphore_mem>>)
      %dma_wait3A_146 = arith.constant 0 : i32
      %dma_wait3A_147 = tpu.memref_slice %arg5[%arg0, %mul3A_135, %dma_wait3A_146] : memref<2x10000x128xf32, #tpu.memory_space<hbm>> -> memref<1x624x128xf32, #tpu.memory_space<hbm>>
      %dma_wait3A_148 = tpu.memref_squeeze %dma_wait3A_147 : memref<1x624x128xf32, #tpu.memory_space<hbm>> -> memref<624x128xf32, #tpu.memory_space<hbm>>
      %dma_wait3A_149 = arith.constant 0 : i32
      %dma_wait3A_150 = tpu.memref_slice %arg9[%mul3A_133, %dma_wait3A_149] : memref<10000x128xf32, #tpu.memory_space<vmem_shared>> -> memref<624x128xf32, #tpu.memory_space<vmem_shared>>
      tpu.wait_dma2 semaphore(%run_scoped3A : memref<!tpu.dma_semaphore, #tpu.memory_space<semaphore_mem>>) src(%dma_wait3A_150 : memref<624x128xf32, #tpu.memory_space<vmem_shared>>) dst(%dma_wait3A_148 : memref<624x128xf32, #tpu.memory_space<hbm>>)
      tpu.yield
    }) : () -> ()
    %eq3A_136 = arith.constant 15 : i32
    %eq3A_137 = arith.cmpi eq, %arg1, %eq3A_136 : i32
    %convert_element_type3A_138 = arith.extui %eq3A_137 : i1 to i32
    %cond3A_139 = arith.constant 0 : i32
    %cond3A_140 = arith.cmpi ne, %convert_element_type3A_138, %cond3A_139 : i32
    scf.if %cond3A_140 {
      "tpu.region"() ({
        %run_scoped3A = tpu.sem_alloc : memref<!tpu.dma_semaphore, #tpu.memory_space<semaphore_mem>>
        %dma_start3A_141 = arith.constant 9984 : i32
        %dma_start3A_142 = arith.constant 0 : i32
        %dma_start3A_143 = tpu.memref_slice %arg5[%arg0, %dma_start3A_141, %dma_start3A_142] : memref<2x10000x128xf32, #tpu.memory_space<hbm>> -> memref<1x16x128xf32, #tpu.memory_space<hbm>>
        %dma_start3A_144 = tpu.memref_squeeze %dma_start3A_143 : memref<1x16x128xf32, #tpu.memory_space<hbm>> -> memref<16x128xf32, #tpu.memory_space<hbm>>
        %dma_start3A_145 = arith.constant 9984 : i32
        %dma_start3A_146 = arith.constant 0 : i32
        %dma_start3A_147 = tpu.memref_slice %arg9[%dma_start3A_145, %dma_start3A_146] : memref<10000x128xf32, #tpu.memory_space<vmem_shared>> -> memref<16x128xf32, #tpu.memory_space<vmem_shared>>
        tpu.enqueue_dma source(%dma_start3A_147 : memref<16x128xf32, #tpu.memory_space<vmem_shared>>) target(%dma_start3A_144 : memref<16x128xf32, #tpu.memory_space<hbm>>) target_semaphore(%run_scoped3A : memref<!tpu.dma_semaphore, #tpu.memory_space<semaphore_mem>>)
        %dma_wait3A_148 = arith.constant 9984 : i32
        %dma_wait3A_149 = arith.constant 0 : i32
        %dma_wait3A_150 = tpu.memref_slice %arg5[%arg0, %dma_wait3A_148, %dma_wait3A_149] : memref<2x10000x128xf32, #tpu.memory_space<hbm>> -> memref<1x16x128xf32, #tpu.memory_space<hbm>>
        %dma_wait3A_151 = tpu.memref_squeeze %dma_wait3A_150 : memref<1x16x128xf32, #tpu.memory_space<hbm>> -> memref<16x128xf32, #tpu.memory_space<hbm>>
        %dma_wait3A_152 = arith.constant 9984 : i32
        %dma_wait3A_153 = arith.constant 0 : i32
        %dma_wait3A_154 = tpu.memref_slice %arg9[%dma_wait3A_152, %dma_wait3A_153] : memref<10000x128xf32, #tpu.memory_space<vmem_shared>> -> memref<16x128xf32, #tpu.memory_space<vmem_shared>>
        tpu.wait_dma2 semaphore(%run_scoped3A : memref<!tpu.dma_semaphore, #tpu.memory_space<semaphore_mem>>) src(%dma_wait3A_154 : memref<16x128xf32, #tpu.memory_space<vmem_shared>>) dst(%dma_wait3A_151 : memref<16x128xf32, #tpu.memory_space<hbm>>)
        tpu.yield
      }) : () -> ()
    } else {
    }
    return
  }
}

#map = affine_map<(d0, d1) -> (0, 0)>
#map1 = affine_map<(d0, d1) -> (0, 0, 0)>
module attributes {stable_mosaic.version = 14 : i64} {
  func.func @_prop_kernel(%arg0: i32, %arg1: i32, %arg2: memref<20000x128xf32, #tpu.memory_space<hbm>>, %arg3: memref<2x6400x50xi32, #tpu.memory_space<hbm>>, %arg4: memref<6400x50xi32, #tpu.memory_space<hbm>>, %arg5: memref<2x10000x128xf32, #tpu.memory_space<hbm>>, %arg6: memref<2x40x50xi32, #tpu.memory_space<vmem>>, %arg7: memref<2x40x50xi32, #tpu.memory_space<vmem>>, %arg8: memref<4x50x128xf32, #tpu.memory_space<vmem>>, %arg9: memref<10000x128xf32, #tpu.memory_space<vmem_shared>>, %arg10: memref<!tpu.dma_semaphore, #tpu.memory_space<semaphore_mem>>, %arg11: memref<!tpu.dma_semaphore, #tpu.memory_space<semaphore_mem>>, %arg12: memref<!tpu.dma_semaphore, #tpu.memory_space<semaphore_mem>>, %arg13: memref<!tpu.dma_semaphore, #tpu.memory_space<semaphore_mem>>, %arg14: memref<!tpu.dma_semaphore, #tpu.memory_space<semaphore_mem>>, %arg15: memref<!tpu.dma_semaphore, #tpu.memory_space<semaphore_mem>>, %arg16: memref<!tpu.dma_semaphore, #tpu.memory_space<semaphore_mem>>, %arg17: memref<!tpu.dma_semaphore, #tpu.memory_space<semaphore_mem>>, %arg18: memref<!tpu.dma_semaphore, #tpu.memory_space<semaphore_mem>>) attributes {dimension_semantics = [#tpu.dimension_semantics<core_parallel>, #tpu.dimension_semantics<subcore_parallel>], iteration_bounds = array<i64: 2, 16>, scalar_prefetch = 0 : i64, scratch_operands = 13 : i64, tpu.core_type = #tpu.core_type<sc_vector_subcore>, window_params = [{transform_indices = #map}, {transform_indices = #map1}, {transform_indices = #map}, {transform_indices = #map1}]} {
    %mul3A = arith.constant 400 : i32
    %mul3A_0 = arith.muli %arg1, %mul3A : i32
    %mul3A_1 = arith.constant 10000 : i32
    %mul3A_2 = arith.muli %arg0, %mul3A_1 : i32
    %mul3A_3 = arith.constant 624 : i32
    %mul3A_4 = arith.muli %arg1, %mul3A_3 : i32
    %add3A = arith.addi %mul3A_2, %mul3A_4 : i32
    %mul3A_5 = arith.constant 624 : i32
    %mul3A_6 = arith.muli %arg1, %mul3A_5 : i32
    "tpu.region"() ({
      %run_scoped3A = tpu.sem_alloc : memref<!tpu.dma_semaphore, #tpu.memory_space<semaphore_mem>>
      %dma_start3A_141 = arith.constant 0 : i32
      %dma_start3A_142 = tpu.memref_slice %arg9[%mul3A_6, %dma_start3A_141] : memref<10000x128xf32, #tpu.memory_space<vmem_shared>> -> memref<624x128xf32, #tpu.memory_space<vmem_shared>>
      %dma_start3A_143 = arith.constant 0 : i32
      %dma_start3A_144 = tpu.memref_slice %arg2[%add3A, %dma_start3A_143] : memref<20000x128xf32, #tpu.memory_space<hbm>> -> memref<624x128xf32, #tpu.memory_space<hbm>>
      tpu.enqueue_dma source(%dma_start3A_144 : memref<624x128xf32, #tpu.memory_space<hbm>>) target(%dma_start3A_142 : memref<624x128xf32, #tpu.memory_space<vmem_shared>>) target_semaphore(%run_scoped3A : memref<!tpu.dma_semaphore, #tpu.memory_space<semaphore_mem>>)
      %dma_wait3A_145 = arith.constant 0 : i32
      %dma_wait3A_146 = tpu.memref_slice %arg9[%mul3A_6, %dma_wait3A_145] : memref<10000x128xf32, #tpu.memory_space<vmem_shared>> -> memref<624x128xf32, #tpu.memory_space<vmem_shared>>
      %dma_wait3A_147 = arith.constant 0 : i32
      %dma_wait3A_148 = tpu.memref_slice %arg2[%add3A, %dma_wait3A_147] : memref<20000x128xf32, #tpu.memory_space<hbm>> -> memref<624x128xf32, #tpu.memory_space<hbm>>
      tpu.wait_dma2 semaphore(%run_scoped3A : memref<!tpu.dma_semaphore, #tpu.memory_space<semaphore_mem>>) src(%dma_wait3A_148 : memref<624x128xf32, #tpu.memory_space<hbm>>) dst(%dma_wait3A_146 : memref<624x128xf32, #tpu.memory_space<vmem_shared>>)
      tpu.yield
    }) : () -> ()
    %eq3A = arith.constant 15 : i32
    %eq3A_7 = arith.cmpi eq, %arg1, %eq3A : i32
    %convert_element_type3A = arith.extui %eq3A_7 : i1 to i32
    %cond3A = arith.constant 0 : i32
    %cond3A_8 = arith.cmpi ne, %convert_element_type3A, %cond3A : i32
    scf.if %cond3A_8 {
      %mul3A_141 = arith.constant 10000 : i32
      %mul3A_142 = arith.muli %arg0, %mul3A_141 : i32
      %add3A_143 = arith.constant 9984 : i32
      %add3A_144 = arith.addi %mul3A_142, %add3A_143 : i32
      "tpu.region"() ({
        %run_scoped3A = tpu.sem_alloc : memref<!tpu.dma_semaphore, #tpu.memory_space<semaphore_mem>>
        %dma_start3A_145 = arith.constant 9984 : i32
        %dma_start3A_146 = arith.constant 0 : i32
        %dma_start3A_147 = tpu.memref_slice %arg9[%dma_start3A_145, %dma_start3A_146] : memref<10000x128xf32, #tpu.memory_space<vmem_shared>> -> memref<16x128xf32, #tpu.memory_space<vmem_shared>>
        %dma_start3A_148 = arith.constant 0 : i32
        %dma_start3A_149 = tpu.memref_slice %arg2[%add3A_144, %dma_start3A_148] : memref<20000x128xf32, #tpu.memory_space<hbm>> -> memref<16x128xf32, #tpu.memory_space<hbm>>
        tpu.enqueue_dma source(%dma_start3A_149 : memref<16x128xf32, #tpu.memory_space<hbm>>) target(%dma_start3A_147 : memref<16x128xf32, #tpu.memory_space<vmem_shared>>) target_semaphore(%run_scoped3A : memref<!tpu.dma_semaphore, #tpu.memory_space<semaphore_mem>>)
        %dma_wait3A_150 = arith.constant 9984 : i32
        %dma_wait3A_151 = arith.constant 0 : i32
        %dma_wait3A_152 = tpu.memref_slice %arg9[%dma_wait3A_150, %dma_wait3A_151] : memref<10000x128xf32, #tpu.memory_space<vmem_shared>> -> memref<16x128xf32, #tpu.memory_space<vmem_shared>>
        %dma_wait3A_153 = arith.constant 0 : i32
        %dma_wait3A_154 = tpu.memref_slice %arg2[%add3A_144, %dma_wait3A_153] : memref<20000x128xf32, #tpu.memory_space<hbm>> -> memref<16x128xf32, #tpu.memory_space<hbm>>
        tpu.wait_dma2 semaphore(%run_scoped3A : memref<!tpu.dma_semaphore, #tpu.memory_space<semaphore_mem>>) src(%dma_wait3A_154 : memref<16x128xf32, #tpu.memory_space<hbm>>) dst(%dma_wait3A_152 : memref<16x128xf32, #tpu.memory_space<vmem_shared>>)
        tpu.yield
      }) : () -> ()
    } else {
    }
    %add3A_9 = arith.constant 0 : i32
    %add3A_10 = arith.addi %mul3A_0, %add3A_9 : i32
    %dma_start3A = arith.constant 0 : i32
    %dma_start3A_11 = arith.constant 0 : i32
    %dma_start3A_12 = arith.constant 0 : i32
    %dma_start3A_13 = tpu.memref_slice %arg6[%dma_start3A, %dma_start3A_11, %dma_start3A_12] : memref<2x40x50xi32, #tpu.memory_space<vmem>> -> memref<1x40x50xi32, #tpu.memory_space<vmem>>
    %dma_start3A_14 = tpu.memref_squeeze %dma_start3A_13 : memref<1x40x50xi32, #tpu.memory_space<vmem>> -> memref<40x50xi32, #tpu.memory_space<vmem>>
    %dma_start3A_15 = arith.constant 0 : i32
    %dma_start3A_16 = tpu.memref_slice %arg3[%arg0, %add3A_10, %dma_start3A_15] : memref<2x6400x50xi32, #tpu.memory_space<hbm>> -> memref<1x40x50xi32, #tpu.memory_space<hbm>>
    %dma_start3A_17 = tpu.memref_squeeze %dma_start3A_16 : memref<1x40x50xi32, #tpu.memory_space<hbm>> -> memref<40x50xi32, #tpu.memory_space<hbm>>
    %dma_start3A_18 = arith.constant 0 : i32
    %dma_start3A_19 = arith.constant 0 : i32
    %dma_start3A_20 = tpu.memref_slice %arg6[%dma_start3A, %dma_start3A_18, %dma_start3A_19] : memref<2x40x50xi32, #tpu.memory_space<vmem>> -> memref<1x40x50xi32, #tpu.memory_space<vmem>>
    %dma_start3A_21 = tpu.memref_squeeze %dma_start3A_20 : memref<1x40x50xi32, #tpu.memory_space<vmem>> -> memref<40x50xi32, #tpu.memory_space<vmem>>
    %dma_start3A_22 = arith.constant 0 : i32
    %dma_start3A_23 = tpu.memref_slice %arg3[%arg0, %add3A_10, %dma_start3A_22] : memref<2x6400x50xi32, #tpu.memory_space<hbm>> -> memref<1x40x50xi32, #tpu.memory_space<hbm>>
    %dma_start3A_24 = tpu.memref_squeeze %dma_start3A_23 : memref<1x40x50xi32, #tpu.memory_space<hbm>> -> memref<40x50xi32, #tpu.memory_space<hbm>>
    tpu.enqueue_dma source(%dma_start3A_24 : memref<40x50xi32, #tpu.memory_space<hbm>>) target(%dma_start3A_21 : memref<40x50xi32, #tpu.memory_space<vmem>>) target_semaphore(%arg18 : memref<!tpu.dma_semaphore, #tpu.memory_space<semaphore_mem>>)
    %add3A_25 = arith.constant 0 : i32
    %add3A_26 = arith.addi %mul3A_0, %add3A_25 : i32
    %dma_start3A_27 = arith.constant 0 : i32
    %dma_start3A_28 = arith.constant 0 : i32
    %dma_start3A_29 = arith.constant 0 : i32
    %dma_start3A_30 = tpu.memref_slice %arg7[%dma_start3A_27, %dma_start3A_28, %dma_start3A_29] : memref<2x40x50xi32, #tpu.memory_space<vmem>> -> memref<1x40x50xi32, #tpu.memory_space<vmem>>
    %dma_start3A_31 = tpu.memref_squeeze %dma_start3A_30 : memref<1x40x50xi32, #tpu.memory_space<vmem>> -> memref<40x50xi32, #tpu.memory_space<vmem>>
    %dma_start3A_32 = arith.constant 0 : i32
    %dma_start3A_33 = tpu.memref_slice %arg4[%add3A_26, %dma_start3A_32] : memref<6400x50xi32, #tpu.memory_space<hbm>> -> memref<40x50xi32, #tpu.memory_space<hbm>>
    %dma_start3A_34 = arith.constant 0 : i32
    %dma_start3A_35 = arith.constant 0 : i32
    %dma_start3A_36 = tpu.memref_slice %arg7[%dma_start3A_27, %dma_start3A_34, %dma_start3A_35] : memref<2x40x50xi32, #tpu.memory_space<vmem>> -> memref<1x40x50xi32, #tpu.memory_space<vmem>>
    %dma_start3A_37 = tpu.memref_squeeze %dma_start3A_36 : memref<1x40x50xi32, #tpu.memory_space<vmem>> -> memref<40x50xi32, #tpu.memory_space<vmem>>
    %dma_start3A_38 = arith.constant 0 : i32
    %dma_start3A_39 = tpu.memref_slice %arg4[%add3A_26, %dma_start3A_38] : memref<6400x50xi32, #tpu.memory_space<hbm>> -> memref<40x50xi32, #tpu.memory_space<hbm>>
    tpu.enqueue_dma source(%dma_start3A_39 : memref<40x50xi32, #tpu.memory_space<hbm>>) target(%dma_start3A_37 : memref<40x50xi32, #tpu.memory_space<vmem>>) target_semaphore(%arg18 : memref<!tpu.dma_semaphore, #tpu.memory_space<semaphore_mem>>)
    %add3A_40 = arith.constant 0 : i32
    %add3A_41 = arith.addi %mul3A_0, %add3A_40 : i32
    %dma_wait3A = arith.constant 0 : i32
    %dma_wait3A_42 = arith.constant 0 : i32
    %dma_wait3A_43 = arith.constant 0 : i32
    %dma_wait3A_44 = tpu.memref_slice %arg6[%dma_wait3A, %dma_wait3A_42, %dma_wait3A_43] : memref<2x40x50xi32, #tpu.memory_space<vmem>> -> memref<1x40x50xi32, #tpu.memory_space<vmem>>
    %dma_wait3A_45 = tpu.memref_squeeze %dma_wait3A_44 : memref<1x40x50xi32, #tpu.memory_space<vmem>> -> memref<40x50xi32, #tpu.memory_space<vmem>>
    %dma_wait3A_46 = arith.constant 0 : i32
    %dma_wait3A_47 = tpu.memref_slice %arg3[%arg0, %add3A_41, %dma_wait3A_46] : memref<2x6400x50xi32, #tpu.memory_space<hbm>> -> memref<1x40x50xi32, #tpu.memory_space<hbm>>
    %dma_wait3A_48 = tpu.memref_squeeze %dma_wait3A_47 : memref<1x40x50xi32, #tpu.memory_space<hbm>> -> memref<40x50xi32, #tpu.memory_space<hbm>>
    %dma_wait3A_49 = arith.constant 0 : i32
    %dma_wait3A_50 = arith.constant 0 : i32
    %dma_wait3A_51 = tpu.memref_slice %arg6[%dma_wait3A, %dma_wait3A_49, %dma_wait3A_50] : memref<2x40x50xi32, #tpu.memory_space<vmem>> -> memref<1x40x50xi32, #tpu.memory_space<vmem>>
    %dma_wait3A_52 = tpu.memref_squeeze %dma_wait3A_51 : memref<1x40x50xi32, #tpu.memory_space<vmem>> -> memref<40x50xi32, #tpu.memory_space<vmem>>
    %dma_wait3A_53 = arith.constant 0 : i32
    %dma_wait3A_54 = tpu.memref_slice %arg3[%arg0, %add3A_41, %dma_wait3A_53] : memref<2x6400x50xi32, #tpu.memory_space<hbm>> -> memref<1x40x50xi32, #tpu.memory_space<hbm>>
    %dma_wait3A_55 = tpu.memref_squeeze %dma_wait3A_54 : memref<1x40x50xi32, #tpu.memory_space<hbm>> -> memref<40x50xi32, #tpu.memory_space<hbm>>
    tpu.wait_dma2 semaphore(%arg18 : memref<!tpu.dma_semaphore, #tpu.memory_space<semaphore_mem>>) src(%dma_wait3A_55 : memref<40x50xi32, #tpu.memory_space<hbm>>) dst(%dma_wait3A_52 : memref<40x50xi32, #tpu.memory_space<vmem>>)
    %add3A_56 = arith.constant 0 : i32
    %add3A_57 = arith.addi %mul3A_0, %add3A_56 : i32
    %dma_wait3A_58 = arith.constant 0 : i32
    %dma_wait3A_59 = arith.constant 0 : i32
    %dma_wait3A_60 = arith.constant 0 : i32
    %dma_wait3A_61 = tpu.memref_slice %arg7[%dma_wait3A_58, %dma_wait3A_59, %dma_wait3A_60] : memref<2x40x50xi32, #tpu.memory_space<vmem>> -> memref<1x40x50xi32, #tpu.memory_space<vmem>>
    %dma_wait3A_62 = tpu.memref_squeeze %dma_wait3A_61 : memref<1x40x50xi32, #tpu.memory_space<vmem>> -> memref<40x50xi32, #tpu.memory_space<vmem>>
    %dma_wait3A_63 = arith.constant 0 : i32
    %dma_wait3A_64 = tpu.memref_slice %arg4[%add3A_57, %dma_wait3A_63] : memref<6400x50xi32, #tpu.memory_space<hbm>> -> memref<40x50xi32, #tpu.memory_space<hbm>>
    %dma_wait3A_65 = arith.constant 0 : i32
    %dma_wait3A_66 = arith.constant 0 : i32
    %dma_wait3A_67 = tpu.memref_slice %arg7[%dma_wait3A_58, %dma_wait3A_65, %dma_wait3A_66] : memref<2x40x50xi32, #tpu.memory_space<vmem>> -> memref<1x40x50xi32, #tpu.memory_space<vmem>>
    %dma_wait3A_68 = tpu.memref_squeeze %dma_wait3A_67 : memref<1x40x50xi32, #tpu.memory_space<vmem>> -> memref<40x50xi32, #tpu.memory_space<vmem>>
    %dma_wait3A_69 = arith.constant 0 : i32
    %dma_wait3A_70 = tpu.memref_slice %arg4[%add3A_57, %dma_wait3A_69] : memref<6400x50xi32, #tpu.memory_space<hbm>> -> memref<40x50xi32, #tpu.memory_space<hbm>>
    tpu.wait_dma2 semaphore(%arg18 : memref<!tpu.dma_semaphore, #tpu.memory_space<semaphore_mem>>) src(%dma_wait3A_70 : memref<40x50xi32, #tpu.memory_space<hbm>>) dst(%dma_wait3A_68 : memref<40x50xi32, #tpu.memory_space<vmem>>)
    %dma_start3A_71 = arith.constant 0 : i32
    %dma_start3A_72 = arith.constant 0 : i32
    %dma_start3A_73 = arith.constant 0 : i32
    %dma_start3A_74 = arith.constant 0 : i32
    %dma_start3A_75 = arith.constant 0 : i32
    %dma_start3A_76 = tpu.memref_slice %arg8[%dma_start3A_73, %dma_start3A_74, %dma_start3A_75] : memref<4x50x128xf32, #tpu.memory_space<vmem>> -> memref<1x50x128xf32, #tpu.memory_space<vmem>>
    %dma_start3A_77 = tpu.memref_squeeze %dma_start3A_76 : memref<1x50x128xf32, #tpu.memory_space<vmem>> -> memref<50x128xf32, #tpu.memory_space<vmem>>
    %dma_start3A_78 = arith.constant 0 : i32
    %dma_start3A_79 = tpu.memref_slice %arg6[%dma_start3A_71, %dma_start3A_72, %dma_start3A_78] : memref<2x40x50xi32, #tpu.memory_space<vmem>> -> memref<1x1x50xi32, #tpu.memory_space<vmem>>
    %dma_start3A_80 = tpu.memref_squeeze %dma_start3A_79 : memref<1x1x50xi32, #tpu.memory_space<vmem>> -> memref<50xi32, #tpu.memory_space<vmem>>
    %dma_start3A_81 = arith.constant 0 : i32
    %dma_start3A_82 = arith.constant 0 : i32
    %dma_start3A_83 = tpu.memref_slice %arg2[%dma_start3A_81, %dma_start3A_82] : memref<20000x128xf32, #tpu.memory_space<hbm>> -> memref<20000x128xf32, #tpu.memory_space<hbm>>
    tpu.enqueue_indirect_dma source(%dma_start3A_83 : memref<20000x128xf32, #tpu.memory_space<hbm>>) target(%dma_start3A_77 : memref<50x128xf32, #tpu.memory_space<vmem>>) offsets(%dma_start3A_80 : memref<50xi32, #tpu.memory_space<vmem>>) semaphore(%arg10 : memref<!tpu.dma_semaphore, #tpu.memory_space<semaphore_mem>>)
    %dma_start3A_84 = arith.constant 0 : i32
    %dma_start3A_85 = arith.constant 1 : i32
    %dma_start3A_86 = arith.constant 1 : i32
    %dma_start3A_87 = arith.constant 0 : i32
    %dma_start3A_88 = arith.constant 0 : i32
    %dma_start3A_89 = tpu.memref_slice %arg8[%dma_start3A_86, %dma_start3A_87, %dma_start3A_88] : memref<4x50x128xf32, #tpu.memory_space<vmem>> -> memref<1x50x128xf32, #tpu.memory_space<vmem>>
    %dma_start3A_90 = tpu.memref_squeeze %dma_start3A_89 : memref<1x50x128xf32, #tpu.memory_space<vmem>> -> memref<50x128xf32, #tpu.memory_space<vmem>>
    %dma_start3A_91 = arith.constant 0 : i32
    %dma_start3A_92 = tpu.memref_slice %arg6[%dma_start3A_84, %dma_start3A_85, %dma_start3A_91] : memref<2x40x50xi32, #tpu.memory_space<vmem>> -> memref<1x1x50xi32, #tpu.memory_space<vmem>>
    %dma_start3A_93 = tpu.memref_squeeze %dma_start3A_92 : memref<1x1x50xi32, #tpu.memory_space<vmem>> -> memref<50xi32, #tpu.memory_space<vmem>>
    %dma_start3A_94 = arith.constant 0 : i32
    %dma_start3A_95 = arith.constant 0 : i32
    %dma_start3A_96 = tpu.memref_slice %arg2[%dma_start3A_94, %dma_start3A_95] : memref<20000x128xf32, #tpu.memory_space<hbm>> -> memref<20000x128xf32, #tpu.memory_space<hbm>>
    tpu.enqueue_indirect_dma source(%dma_start3A_96 : memref<20000x128xf32, #tpu.memory_space<hbm>>) target(%dma_start3A_90 : memref<50x128xf32, #tpu.memory_space<vmem>>) offsets(%dma_start3A_93 : memref<50xi32, #tpu.memory_space<vmem>>) semaphore(%arg11 : memref<!tpu.dma_semaphore, #tpu.memory_space<semaphore_mem>>)
    %dma_start3A_97 = arith.constant 0 : i32
    %dma_start3A_98 = arith.constant 2 : i32
    %dma_start3A_99 = arith.constant 2 : i32
    %dma_start3A_100 = arith.constant 0 : i32
    %dma_start3A_101 = arith.constant 0 : i32
    %dma_start3A_102 = tpu.memref_slice %arg8[%dma_start3A_99, %dma_start3A_100, %dma_start3A_101] : memref<4x50x128xf32, #tpu.memory_space<vmem>> -> memref<1x50x128xf32, #tpu.memory_space<vmem>>
    %dma_start3A_103 = tpu.memref_squeeze %dma_start3A_102 : memref<1x50x128xf32, #tpu.memory_space<vmem>> -> memref<50x128xf32, #tpu.memory_space<vmem>>
    %dma_start3A_104 = arith.constant 0 : i32
    %dma_start3A_105 = tpu.memref_slice %arg6[%dma_start3A_97, %dma_start3A_98, %dma_start3A_104] : memref<2x40x50xi32, #tpu.memory_space<vmem>> -> memref<1x1x50xi32, #tpu.memory_space<vmem>>
    %dma_start3A_106 = tpu.memref_squeeze %dma_start3A_105 : memref<1x1x50xi32, #tpu.memory_space<vmem>> -> memref<50xi32, #tpu.memory_space<vmem>>
    %dma_start3A_107 = arith.constant 0 : i32
    %dma_start3A_108 = arith.constant 0 : i32
    %dma_start3A_109 = tpu.memref_slice %arg2[%dma_start3A_107, %dma_start3A_108] : memref<20000x128xf32, #tpu.memory_space<hbm>> -> memref<20000x128xf32, #tpu.memory_space<hbm>>
    tpu.enqueue_indirect_dma source(%dma_start3A_109 : memref<20000x128xf32, #tpu.memory_space<hbm>>) target(%dma_start3A_103 : memref<50x128xf32, #tpu.memory_space<vmem>>) offsets(%dma_start3A_106 : memref<50xi32, #tpu.memory_space<vmem>>) semaphore(%arg12 : memref<!tpu.dma_semaphore, #tpu.memory_space<semaphore_mem>>)
    %barrier3A = arith.constant 0 : index
    tpu.barrier barrier_id(%barrier3A)
    %scan3A = arith.constant 0 : i32
    %scan3A_110 = arith.constant 0 : i32
    %scan3A_111 = arith.constant 100 : i32
    %scan3A_112 = arith.addi %scan3A_110, %scan3A_111 : i32
    %scan3A_113 = arith.constant 1 : i32
    %scan3A_114 = scf.for %scan3A_141 = %scan3A_110 to %scan3A_112 step %scan3A_113 iter_args(%scan3A_142 = %scan3A) -> (i32)  : i32 {
      %mul3A_143 = arith.constant 4 : i32
      %mul3A_144 = arith.muli %mul3A_143, %scan3A_141 : i32
      %add3A_145 = arith.constant 0 : i32
      %add3A_146 = arith.addi %mul3A_144, %add3A_145 : i32
      %div3A_147 = arith.constant 40 : i32
      %div3A_148 = arith.divsi %add3A_146, %div3A_147 : i32
      %rem3A_149 = arith.constant 2 : i32
      %rem3A_150 = arith.remsi %div3A_148, %rem3A_149 : i32
      %rem3A_151 = arith.constant 40 : i32
      %rem3A_152 = arith.remsi %add3A_146, %rem3A_151 : i32
      %dma_wait3A_153 = arith.constant 0 : i32
      %dma_wait3A_154 = arith.constant 0 : i32
      %dma_wait3A_155 = arith.constant 0 : i32
      %dma_wait3A_156 = tpu.memref_slice %arg8[%dma_wait3A_153, %dma_wait3A_154, %dma_wait3A_155] : memref<4x50x128xf32, #tpu.memory_space<vmem>> -> memref<1x50x128xf32, #tpu.memory_space<vmem>>
      %dma_wait3A_157 = tpu.memref_squeeze %dma_wait3A_156 : memref<1x50x128xf32, #tpu.memory_space<vmem>> -> memref<50x128xf32, #tpu.memory_space<vmem>>
      %dma_wait3A_158 = arith.constant 0 : i32
      %dma_wait3A_159 = tpu.memref_slice %arg6[%rem3A_150, %rem3A_152, %dma_wait3A_158] : memref<2x40x50xi32, #tpu.memory_space<vmem>> -> memref<1x1x50xi32, #tpu.memory_space<vmem>>
      %dma_wait3A_160 = tpu.memref_squeeze %dma_wait3A_159 : memref<1x1x50xi32, #tpu.memory_space<vmem>> -> memref<50xi32, #tpu.memory_space<vmem>>
      %dma_wait3A_161 = arith.constant 0 : i32
      %dma_wait3A_162 = arith.constant 0 : i32
      %dma_wait3A_163 = tpu.memref_slice %arg2[%dma_wait3A_161, %dma_wait3A_162] : memref<20000x128xf32, #tpu.memory_space<hbm>> -> memref<20000x128xf32, #tpu.memory_space<hbm>>
      tpu.wait_indirect_dma semaphore(%arg10 : memref<!tpu.dma_semaphore, #tpu.memory_space<semaphore_mem>>) src(%dma_wait3A_163 : memref<20000x128xf32, #tpu.memory_space<hbm>>) dst(%dma_wait3A_157 : memref<50x128xf32, #tpu.memory_space<vmem>>)
      %dma_start3A_164 = arith.constant 0 : i32
      %dma_start3A_165 = arith.constant 0 : i32
      %dma_start3A_166 = arith.constant 0 : i32
      %dma_start3A_167 = tpu.memref_slice %arg8[%dma_start3A_164, %dma_start3A_165, %dma_start3A_166] : memref<4x50x128xf32, #tpu.memory_space<vmem>> -> memref<1x50x128xf32, #tpu.memory_space<vmem>>
      %dma_start3A_168 = tpu.memref_squeeze %dma_start3A_167 : memref<1x50x128xf32, #tpu.memory_space<vmem>> -> memref<50x128xf32, #tpu.memory_space<vmem>>
      %dma_start3A_169 = arith.constant 0 : i32
      %dma_start3A_170 = tpu.memref_slice %arg7[%rem3A_150, %rem3A_152, %dma_start3A_169] : memref<2x40x50xi32, #tpu.memory_space<vmem>> -> memref<1x1x50xi32, #tpu.memory_space<vmem>>
      %dma_start3A_171 = tpu.memref_squeeze %dma_start3A_170 : memref<1x1x50xi32, #tpu.memory_space<vmem>> -> memref<50xi32, #tpu.memory_space<vmem>>
      %dma_start3A_172 = arith.constant 0 : i32
      %dma_start3A_173 = arith.constant 0 : i32
      %dma_start3A_174 = tpu.memref_slice %arg9[%dma_start3A_172, %dma_start3A_173] : memref<10000x128xf32, #tpu.memory_space<vmem_shared>> -> memref<10000x128xf32, #tpu.memory_space<vmem_shared>>
      tpu.enqueue_indirect_dma source(%dma_start3A_168 : memref<50x128xf32, #tpu.memory_space<vmem>>) target(%dma_start3A_174 : memref<10000x128xf32, #tpu.memory_space<vmem_shared>>) offsets(%dma_start3A_171 : memref<50xi32, #tpu.memory_space<vmem>>) semaphore(%arg14 : memref<!tpu.dma_semaphore, #tpu.memory_space<semaphore_mem>>) {add = true}
      %sub3A = arith.constant 1 : i32
      %sub3A_175 = arith.subi %add3A_146, %sub3A : i32
      %div3A_176 = arith.constant 40 : i32
      %div3A_177 = arith.divsi %sub3A_175, %div3A_176 : i32
      %rem3A_178 = arith.constant 2 : i32
      %rem3A_179 = arith.remsi %div3A_177, %rem3A_178 : i32
      %rem3A_180 = arith.constant 40 : i32
      %rem3A_181 = arith.remsi %sub3A_175, %rem3A_180 : i32
      %gt3A = arith.constant 0 : i32
      %gt3A_182 = arith.cmpi sgt, %scan3A_141, %gt3A : i32
      %convert_element_type3A_183 = arith.extui %gt3A_182 : i1 to i32
      %cond3A_184 = arith.constant 0 : i32
      %cond3A_185 = arith.cmpi ne, %convert_element_type3A_183, %cond3A_184 : i32
      scf.if %cond3A_185 {
        %dma_wait3A_423 = arith.constant 3 : i32
        %dma_wait3A_424 = arith.constant 0 : i32
        %dma_wait3A_425 = arith.constant 0 : i32
        %dma_wait3A_426 = tpu.memref_slice %arg8[%dma_wait3A_423, %dma_wait3A_424, %dma_wait3A_425] : memref<4x50x128xf32, #tpu.memory_space<vmem>> -> memref<1x50x128xf32, #tpu.memory_space<vmem>>
        %dma_wait3A_427 = tpu.memref_squeeze %dma_wait3A_426 : memref<1x50x128xf32, #tpu.memory_space<vmem>> -> memref<50x128xf32, #tpu.memory_space<vmem>>
        %dma_wait3A_428 = arith.constant 0 : i32
        %dma_wait3A_429 = tpu.memref_slice %arg7[%rem3A_179, %rem3A_181, %dma_wait3A_428] : memref<2x40x50xi32, #tpu.memory_space<vmem>> -> memref<1x1x50xi32, #tpu.memory_space<vmem>>
        %dma_wait3A_430 = tpu.memref_squeeze %dma_wait3A_429 : memref<1x1x50xi32, #tpu.memory_space<vmem>> -> memref<50xi32, #tpu.memory_space<vmem>>
        %dma_wait3A_431 = arith.constant 0 : i32
        %dma_wait3A_432 = arith.constant 0 : i32
        %dma_wait3A_433 = tpu.memref_slice %arg9[%dma_wait3A_431, %dma_wait3A_432] : memref<10000x128xf32, #tpu.memory_space<vmem_shared>> -> memref<10000x128xf32, #tpu.memory_space<vmem_shared>>
        tpu.wait_indirect_dma semaphore(%arg17 : memref<!tpu.dma_semaphore, #tpu.memory_space<semaphore_mem>>) src(%dma_wait3A_427 : memref<50x128xf32, #tpu.memory_space<vmem>>) dst(%dma_wait3A_433 : memref<10000x128xf32, #tpu.memory_space<vmem_shared>>)
      } else {
      }
      %add3A_186 = arith.constant 4 : i32
      %add3A_187 = arith.addi %add3A_146, %add3A_186 : i32
      %sub3A_188 = arith.constant 1 : i32
      %sub3A_189 = arith.subi %add3A_187, %sub3A_188 : i32
      %div3A_190 = arith.constant 40 : i32
      %div3A_191 = arith.divsi %sub3A_189, %div3A_190 : i32
      %rem3A_192 = arith.constant 2 : i32
      %rem3A_193 = arith.remsi %div3A_191, %rem3A_192 : i32
      %rem3A_194 = arith.constant 40 : i32
      %rem3A_195 = arith.remsi %sub3A_189, %rem3A_194 : i32
      %dma_start3A_196 = arith.constant 3 : i32
      %dma_start3A_197 = arith.constant 0 : i32
      %dma_start3A_198 = arith.constant 0 : i32
      %dma_start3A_199 = tpu.memref_slice %arg8[%dma_start3A_196, %dma_start3A_197, %dma_start3A_198] : memref<4x50x128xf32, #tpu.memory_space<vmem>> -> memref<1x50x128xf32, #tpu.memory_space<vmem>>
      %dma_start3A_200 = tpu.memref_squeeze %dma_start3A_199 : memref<1x50x128xf32, #tpu.memory_space<vmem>> -> memref<50x128xf32, #tpu.memory_space<vmem>>
      %dma_start3A_201 = arith.constant 0 : i32
      %dma_start3A_202 = tpu.memref_slice %arg6[%rem3A_193, %rem3A_195, %dma_start3A_201] : memref<2x40x50xi32, #tpu.memory_space<vmem>> -> memref<1x1x50xi32, #tpu.memory_space<vmem>>
      %dma_start3A_203 = tpu.memref_squeeze %dma_start3A_202 : memref<1x1x50xi32, #tpu.memory_space<vmem>> -> memref<50xi32, #tpu.memory_space<vmem>>
      %dma_start3A_204 = arith.constant 0 : i32
      %dma_start3A_205 = arith.constant 0 : i32
      %dma_start3A_206 = tpu.memref_slice %arg2[%dma_start3A_204, %dma_start3A_205] : memref<20000x128xf32, #tpu.memory_space<hbm>> -> memref<20000x128xf32, #tpu.memory_space<hbm>>
      tpu.enqueue_indirect_dma source(%dma_start3A_206 : memref<20000x128xf32, #tpu.memory_space<hbm>>) target(%dma_start3A_200 : memref<50x128xf32, #tpu.memory_space<vmem>>) offsets(%dma_start3A_203 : memref<50xi32, #tpu.memory_space<vmem>>) semaphore(%arg13 : memref<!tpu.dma_semaphore, #tpu.memory_space<semaphore_mem>>)
      %mul3A_207 = arith.constant 4 : i32
      %mul3A_208 = arith.muli %mul3A_207, %scan3A_141 : i32
      %add3A_209 = arith.constant 1 : i32
      %add3A_210 = arith.addi %mul3A_208, %add3A_209 : i32
      %div3A_211 = arith.constant 40 : i32
      %div3A_212 = arith.divsi %add3A_210, %div3A_211 : i32
      %rem3A_213 = arith.constant 2 : i32
      %rem3A_214 = arith.remsi %div3A_212, %rem3A_213 : i32
      %rem3A_215 = arith.constant 40 : i32
      %rem3A_216 = arith.remsi %add3A_210, %rem3A_215 : i32
      %rem3A_217 = arith.constant 10 : i32
      %rem3A_218 = arith.remsi %scan3A_141, %rem3A_217 : i32
      %eq3A_219 = arith.constant 9 : i32
      %eq3A_220 = arith.cmpi eq, %rem3A_218, %eq3A_219 : i32
      %le3A = arith.constant 89 : i32
      %le3A_221 = arith.cmpi sle, %scan3A_141, %le3A : i32
      %and3A = arith.andi %eq3A_220, %le3A_221 : i1
      %convert_element_type3A_222 = arith.extui %and3A : i1 to i32
      %cond3A_223 = arith.constant 0 : i32
      %cond3A_224 = arith.cmpi ne, %convert_element_type3A_222, %cond3A_223 : i32
      scf.if %cond3A_224 {
        %add3A_423 = arith.constant 1 : i32
        %add3A_424 = arith.addi %scan3A_141, %add3A_423 : i32
        %div3A_425 = arith.constant 10 : i32
        %div3A_426 = arith.divsi %add3A_424, %div3A_425 : i32
        %rem3A_427 = arith.constant 2 : i32
        %rem3A_428 = arith.remsi %div3A_426, %rem3A_427 : i32
        %mul3A_429 = arith.constant 40 : i32
        %mul3A_430 = arith.muli %div3A_426, %mul3A_429 : i32
        %add3A_431 = arith.addi %mul3A_0, %mul3A_430 : i32
        %dma_wait3A_432 = arith.constant 0 : i32
        %dma_wait3A_433 = arith.constant 0 : i32
        %dma_wait3A_434 = tpu.memref_slice %arg6[%rem3A_428, %dma_wait3A_432, %dma_wait3A_433] : memref<2x40x50xi32, #tpu.memory_space<vmem>> -> memref<1x40x50xi32, #tpu.memory_space<vmem>>
        %dma_wait3A_435 = tpu.memref_squeeze %dma_wait3A_434 : memref<1x40x50xi32, #tpu.memory_space<vmem>> -> memref<40x50xi32, #tpu.memory_space<vmem>>
        %dma_wait3A_436 = arith.constant 0 : i32
        %dma_wait3A_437 = tpu.memref_slice %arg3[%arg0, %add3A_431, %dma_wait3A_436] : memref<2x6400x50xi32, #tpu.memory_space<hbm>> -> memref<1x40x50xi32, #tpu.memory_space<hbm>>
        %dma_wait3A_438 = tpu.memref_squeeze %dma_wait3A_437 : memref<1x40x50xi32, #tpu.memory_space<hbm>> -> memref<40x50xi32, #tpu.memory_space<hbm>>
        %dma_wait3A_439 = arith.constant 0 : i32
        %dma_wait3A_440 = arith.constant 0 : i32
        %dma_wait3A_441 = tpu.memref_slice %arg6[%rem3A_428, %dma_wait3A_439, %dma_wait3A_440] : memref<2x40x50xi32, #tpu.memory_space<vmem>> -> memref<1x40x50xi32, #tpu.memory_space<vmem>>
        %dma_wait3A_442 = tpu.memref_squeeze %dma_wait3A_441 : memref<1x40x50xi32, #tpu.memory_space<vmem>> -> memref<40x50xi32, #tpu.memory_space<vmem>>
        %dma_wait3A_443 = arith.constant 0 : i32
        %dma_wait3A_444 = tpu.memref_slice %arg3[%arg0, %add3A_431, %dma_wait3A_443] : memref<2x6400x50xi32, #tpu.memory_space<hbm>> -> memref<1x40x50xi32, #tpu.memory_space<hbm>>
        %dma_wait3A_445 = tpu.memref_squeeze %dma_wait3A_444 : memref<1x40x50xi32, #tpu.memory_space<hbm>> -> memref<40x50xi32, #tpu.memory_space<hbm>>
        tpu.wait_dma2 semaphore(%arg18 : memref<!tpu.dma_semaphore, #tpu.memory_space<semaphore_mem>>) src(%dma_wait3A_445 : memref<40x50xi32, #tpu.memory_space<hbm>>) dst(%dma_wait3A_442 : memref<40x50xi32, #tpu.memory_space<vmem>>)
        %mul3A_446 = arith.constant 40 : i32
        %mul3A_447 = arith.muli %div3A_426, %mul3A_446 : i32
        %add3A_448 = arith.addi %mul3A_0, %mul3A_447 : i32
        %dma_wait3A_449 = arith.constant 0 : i32
        %dma_wait3A_450 = arith.constant 0 : i32
        %dma_wait3A_451 = tpu.memref_slice %arg7[%rem3A_428, %dma_wait3A_449, %dma_wait3A_450] : memref<2x40x50xi32, #tpu.memory_space<vmem>> -> memref<1x40x50xi32, #tpu.memory_space<vmem>>
        %dma_wait3A_452 = tpu.memref_squeeze %dma_wait3A_451 : memref<1x40x50xi32, #tpu.memory_space<vmem>> -> memref<40x50xi32, #tpu.memory_space<vmem>>
        %dma_wait3A_453 = arith.constant 0 : i32
        %dma_wait3A_454 = tpu.memref_slice %arg4[%add3A_448, %dma_wait3A_453] : memref<6400x50xi32, #tpu.memory_space<hbm>> -> memref<40x50xi32, #tpu.memory_space<hbm>>
        %dma_wait3A_455 = arith.constant 0 : i32
        %dma_wait3A_456 = arith.constant 0 : i32
        %dma_wait3A_457 = tpu.memref_slice %arg7[%rem3A_428, %dma_wait3A_455, %dma_wait3A_456] : memref<2x40x50xi32, #tpu.memory_space<vmem>> -> memref<1x40x50xi32, #tpu.memory_space<vmem>>
        %dma_wait3A_458 = tpu.memref_squeeze %dma_wait3A_457 : memref<1x40x50xi32, #tpu.memory_space<vmem>> -> memref<40x50xi32, #tpu.memory_space<vmem>>
        %dma_wait3A_459 = arith.constant 0 : i32
        %dma_wait3A_460 = tpu.memref_slice %arg4[%add3A_448, %dma_wait3A_459] : memref<6400x50xi32, #tpu.memory_space<hbm>> -> memref<40x50xi32, #tpu.memory_space<hbm>>
        tpu.wait_dma2 semaphore(%arg18 : memref<!tpu.dma_semaphore, #tpu.memory_space<semaphore_mem>>) src(%dma_wait3A_460 : memref<40x50xi32, #tpu.memory_space<hbm>>) dst(%dma_wait3A_458 : memref<40x50xi32, #tpu.memory_space<vmem>>)
      } else {
      }
      %dma_wait3A_225 = arith.constant 1 : i32
      %dma_wait3A_226 = arith.constant 0 : i32
      %dma_wait3A_227 = arith.constant 0 : i32
      %dma_wait3A_228 = tpu.memref_slice %arg8[%dma_wait3A_225, %dma_wait3A_226, %dma_wait3A_227] : memref<4x50x128xf32, #tpu.memory_space<vmem>> -> memref<1x50x128xf32, #tpu.memory_space<vmem>>
      %dma_wait3A_229 = tpu.memref_squeeze %dma_wait3A_228 : memref<1x50x128xf32, #tpu.memory_space<vmem>> -> memref<50x128xf32, #tpu.memory_space<vmem>>
      %dma_wait3A_230 = arith.constant 0 : i32
      %dma_wait3A_231 = tpu.memref_slice %arg6[%rem3A_214, %rem3A_216, %dma_wait3A_230] : memref<2x40x50xi32, #tpu.memory_space<vmem>> -> memref<1x1x50xi32, #tpu.memory_space<vmem>>
      %dma_wait3A_232 = tpu.memref_squeeze %dma_wait3A_231 : memref<1x1x50xi32, #tpu.memory_space<vmem>> -> memref<50xi32, #tpu.memory_space<vmem>>
      %dma_wait3A_233 = arith.constant 0 : i32
      %dma_wait3A_234 = arith.constant 0 : i32
      %dma_wait3A_235 = tpu.memref_slice %arg2[%dma_wait3A_233, %dma_wait3A_234] : memref<20000x128xf32, #tpu.memory_space<hbm>> -> memref<20000x128xf32, #tpu.memory_space<hbm>>
      tpu.wait_indirect_dma semaphore(%arg11 : memref<!tpu.dma_semaphore, #tpu.memory_space<semaphore_mem>>) src(%dma_wait3A_235 : memref<20000x128xf32, #tpu.memory_space<hbm>>) dst(%dma_wait3A_229 : memref<50x128xf32, #tpu.memory_space<vmem>>)
      %dma_start3A_236 = arith.constant 1 : i32
      %dma_start3A_237 = arith.constant 0 : i32
      %dma_start3A_238 = arith.constant 0 : i32
      %dma_start3A_239 = tpu.memref_slice %arg8[%dma_start3A_236, %dma_start3A_237, %dma_start3A_238] : memref<4x50x128xf32, #tpu.memory_space<vmem>> -> memref<1x50x128xf32, #tpu.memory_space<vmem>>
      %dma_start3A_240 = tpu.memref_squeeze %dma_start3A_239 : memref<1x50x128xf32, #tpu.memory_space<vmem>> -> memref<50x128xf32, #tpu.memory_space<vmem>>
      %dma_start3A_241 = arith.constant 0 : i32
      %dma_start3A_242 = tpu.memref_slice %arg7[%rem3A_214, %rem3A_216, %dma_start3A_241] : memref<2x40x50xi32, #tpu.memory_space<vmem>> -> memref<1x1x50xi32, #tpu.memory_space<vmem>>
      %dma_start3A_243 = tpu.memref_squeeze %dma_start3A_242 : memref<1x1x50xi32, #tpu.memory_space<vmem>> -> memref<50xi32, #tpu.memory_space<vmem>>
      %dma_start3A_244 = arith.constant 0 : i32
      %dma_start3A_245 = arith.constant 0 : i32
      %dma_start3A_246 = tpu.memref_slice %arg9[%dma_start3A_244, %dma_start3A_245] : memref<10000x128xf32, #tpu.memory_space<vmem_shared>> -> memref<10000x128xf32, #tpu.memory_space<vmem_shared>>
      tpu.enqueue_indirect_dma source(%dma_start3A_240 : memref<50x128xf32, #tpu.memory_space<vmem>>) target(%dma_start3A_246 : memref<10000x128xf32, #tpu.memory_space<vmem_shared>>) offsets(%dma_start3A_243 : memref<50xi32, #tpu.memory_space<vmem>>) semaphore(%arg15 : memref<!tpu.dma_semaphore, #tpu.memory_space<semaphore_mem>>) {add = true}
      %sub3A_247 = arith.constant 1 : i32
      %sub3A_248 = arith.subi %add3A_210, %sub3A_247 : i32
      %div3A_249 = arith.constant 40 : i32
      %div3A_250 = arith.divsi %sub3A_248, %div3A_249 : i32
      %rem3A_251 = arith.constant 2 : i32
      %rem3A_252 = arith.remsi %div3A_250, %rem3A_251 : i32
      %rem3A_253 = arith.constant 40 : i32
      %rem3A_254 = arith.remsi %sub3A_248, %rem3A_253 : i32
      %dma_wait3A_255 = arith.constant 0 : i32
      %dma_wait3A_256 = arith.constant 0 : i32
      %dma_wait3A_257 = arith.constant 0 : i32
      %dma_wait3A_258 = tpu.memref_slice %arg8[%dma_wait3A_255, %dma_wait3A_256, %dma_wait3A_257] : memref<4x50x128xf32, #tpu.memory_space<vmem>> -> memref<1x50x128xf32, #tpu.memory_space<vmem>>
      %dma_wait3A_259 = tpu.memref_squeeze %dma_wait3A_258 : memref<1x50x128xf32, #tpu.memory_space<vmem>> -> memref<50x128xf32, #tpu.memory_space<vmem>>
      %dma_wait3A_260 = arith.constant 0 : i32
      %dma_wait3A_261 = tpu.memref_slice %arg7[%rem3A_252, %rem3A_254, %dma_wait3A_260] : memref<2x40x50xi32, #tpu.memory_space<vmem>> -> memref<1x1x50xi32, #tpu.memory_space<vmem>>
      %dma_wait3A_262 = tpu.memref_squeeze %dma_wait3A_261 : memref<1x1x50xi32, #tpu.memory_space<vmem>> -> memref<50xi32, #tpu.memory_space<vmem>>
      %dma_wait3A_263 = arith.constant 0 : i32
      %dma_wait3A_264 = arith.constant 0 : i32
      %dma_wait3A_265 = tpu.memref_slice %arg9[%dma_wait3A_263, %dma_wait3A_264] : memref<10000x128xf32, #tpu.memory_space<vmem_shared>> -> memref<10000x128xf32, #tpu.memory_space<vmem_shared>>
      tpu.wait_indirect_dma semaphore(%arg14 : memref<!tpu.dma_semaphore, #tpu.memory_space<semaphore_mem>>) src(%dma_wait3A_259 : memref<50x128xf32, #tpu.memory_space<vmem>>) dst(%dma_wait3A_265 : memref<10000x128xf32, #tpu.memory_space<vmem_shared>>)
      %add3A_266 = arith.constant 4 : i32
      %add3A_267 = arith.addi %add3A_210, %add3A_266 : i32
      %sub3A_268 = arith.constant 1 : i32
      %sub3A_269 = arith.subi %add3A_267, %sub3A_268 : i32
      %div3A_270 = arith.constant 40 : i32
      %div3A_271 = arith.divsi %sub3A_269, %div3A_270 : i32
      %rem3A_272 = arith.constant 2 : i32
      %rem3A_273 = arith.remsi %div3A_271, %rem3A_272 : i32
      %rem3A_274 = arith.constant 40 : i32
      %rem3A_275 = arith.remsi %sub3A_269, %rem3A_274 : i32
      %lt3A = arith.constant 99 : i32
      %lt3A_276 = arith.cmpi slt, %scan3A_141, %lt3A : i32
      %convert_element_type3A_277 = arith.extui %lt3A_276 : i1 to i32
      %cond3A_278 = arith.constant 0 : i32
      %cond3A_279 = arith.cmpi ne, %convert_element_type3A_277, %cond3A_278 : i32
      scf.if %cond3A_279 {
        %dma_start3A_423 = arith.constant 0 : i32
        %dma_start3A_424 = arith.constant 0 : i32
        %dma_start3A_425 = arith.constant 0 : i32
        %dma_start3A_426 = tpu.memref_slice %arg8[%dma_start3A_423, %dma_start3A_424, %dma_start3A_425] : memref<4x50x128xf32, #tpu.memory_space<vmem>> -> memref<1x50x128xf32, #tpu.memory_space<vmem>>
        %dma_start3A_427 = tpu.memref_squeeze %dma_start3A_426 : memref<1x50x128xf32, #tpu.memory_space<vmem>> -> memref<50x128xf32, #tpu.memory_space<vmem>>
        %dma_start3A_428 = arith.constant 0 : i32
        %dma_start3A_429 = tpu.memref_slice %arg6[%rem3A_273, %rem3A_275, %dma_start3A_428] : memref<2x40x50xi32, #tpu.memory_space<vmem>> -> memref<1x1x50xi32, #tpu.memory_space<vmem>>
        %dma_start3A_430 = tpu.memref_squeeze %dma_start3A_429 : memref<1x1x50xi32, #tpu.memory_space<vmem>> -> memref<50xi32, #tpu.memory_space<vmem>>
        %dma_start3A_431 = arith.constant 0 : i32
        %dma_start3A_432 = arith.constant 0 : i32
        %dma_start3A_433 = tpu.memref_slice %arg2[%dma_start3A_431, %dma_start3A_432] : memref<20000x128xf32, #tpu.memory_space<hbm>> -> memref<20000x128xf32, #tpu.memory_space<hbm>>
        tpu.enqueue_indirect_dma source(%dma_start3A_433 : memref<20000x128xf32, #tpu.memory_space<hbm>>) target(%dma_start3A_427 : memref<50x128xf32, #tpu.memory_space<vmem>>) offsets(%dma_start3A_430 : memref<50xi32, #tpu.memory_space<vmem>>) semaphore(%arg10 : memref<!tpu.dma_semaphore, #tpu.memory_space<semaphore_mem>>)
      } else {
      }
      %mul3A_280 = arith.constant 4 : i32
      %mul3A_281 = arith.muli %mul3A_280, %scan3A_141 : i32
      %add3A_282 = arith.constant 2 : i32
      %add3A_283 = arith.addi %mul3A_281, %add3A_282 : i32
      %div3A_284 = arith.constant 40 : i32
      %div3A_285 = arith.divsi %add3A_283, %div3A_284 : i32
      %rem3A_286 = arith.constant 2 : i32
      %rem3A_287 = arith.remsi %div3A_285, %rem3A_286 : i32
      %rem3A_288 = arith.constant 40 : i32
      %rem3A_289 = arith.remsi %add3A_283, %rem3A_288 : i32
      %dma_wait3A_290 = arith.constant 2 : i32
      %dma_wait3A_291 = arith.constant 0 : i32
      %dma_wait3A_292 = arith.constant 0 : i32
      %dma_wait3A_293 = tpu.memref_slice %arg8[%dma_wait3A_290, %dma_wait3A_291, %dma_wait3A_292] : memref<4x50x128xf32, #tpu.memory_space<vmem>> -> memref<1x50x128xf32, #tpu.memory_space<vmem>>
      %dma_wait3A_294 = tpu.memref_squeeze %dma_wait3A_293 : memref<1x50x128xf32, #tpu.memory_space<vmem>> -> memref<50x128xf32, #tpu.memory_space<vmem>>
      %dma_wait3A_295 = arith.constant 0 : i32
      %dma_wait3A_296 = tpu.memref_slice %arg6[%rem3A_287, %rem3A_289, %dma_wait3A_295] : memref<2x40x50xi32, #tpu.memory_space<vmem>> -> memref<1x1x50xi32, #tpu.memory_space<vmem>>
      %dma_wait3A_297 = tpu.memref_squeeze %dma_wait3A_296 : memref<1x1x50xi32, #tpu.memory_space<vmem>> -> memref<50xi32, #tpu.memory_space<vmem>>
      %dma_wait3A_298 = arith.constant 0 : i32
      %dma_wait3A_299 = arith.constant 0 : i32
      %dma_wait3A_300 = tpu.memref_slice %arg2[%dma_wait3A_298, %dma_wait3A_299] : memref<20000x128xf32, #tpu.memory_space<hbm>> -> memref<20000x128xf32, #tpu.memory_space<hbm>>
      tpu.wait_indirect_dma semaphore(%arg12 : memref<!tpu.dma_semaphore, #tpu.memory_space<semaphore_mem>>) src(%dma_wait3A_300 : memref<20000x128xf32, #tpu.memory_space<hbm>>) dst(%dma_wait3A_294 : memref<50x128xf32, #tpu.memory_space<vmem>>)
      %dma_start3A_301 = arith.constant 2 : i32
      %dma_start3A_302 = arith.constant 0 : i32
      %dma_start3A_303 = arith.constant 0 : i32
      %dma_start3A_304 = tpu.memref_slice %arg8[%dma_start3A_301, %dma_start3A_302, %dma_start3A_303] : memref<4x50x128xf32, #tpu.memory_space<vmem>> -> memref<1x50x128xf32, #tpu.memory_space<vmem>>
      %dma_start3A_305 = tpu.memref_squeeze %dma_start3A_304 : memref<1x50x128xf32, #tpu.memory_space<vmem>> -> memref<50x128xf32, #tpu.memory_space<vmem>>
      %dma_start3A_306 = arith.constant 0 : i32
      %dma_start3A_307 = tpu.memref_slice %arg7[%rem3A_287, %rem3A_289, %dma_start3A_306] : memref<2x40x50xi32, #tpu.memory_space<vmem>> -> memref<1x1x50xi32, #tpu.memory_space<vmem>>
      %dma_start3A_308 = tpu.memref_squeeze %dma_start3A_307 : memref<1x1x50xi32, #tpu.memory_space<vmem>> -> memref<50xi32, #tpu.memory_space<vmem>>
      %dma_start3A_309 = arith.constant 0 : i32
      %dma_start3A_310 = arith.constant 0 : i32
      %dma_start3A_311 = tpu.memref_slice %arg9[%dma_start3A_309, %dma_start3A_310] : memref<10000x128xf32, #tpu.memory_space<vmem_shared>> -> memref<10000x128xf32, #tpu.memory_space<vmem_shared>>
      tpu.enqueue_indirect_dma source(%dma_start3A_305 : memref<50x128xf32, #tpu.memory_space<vmem>>) target(%dma_start3A_311 : memref<10000x128xf32, #tpu.memory_space<vmem_shared>>) offsets(%dma_start3A_308 : memref<50xi32, #tpu.memory_space<vmem>>) semaphore(%arg16 : memref<!tpu.dma_semaphore, #tpu.memory_space<semaphore_mem>>) {add = true}
      %sub3A_312 = arith.constant 1 : i32
      %sub3A_313 = arith.subi %add3A_283, %sub3A_312 : i32
      %div3A_314 = arith.constant 40 : i32
      %div3A_315 = arith.divsi %sub3A_313, %div3A_314 : i32
      %rem3A_316 = arith.constant 2 : i32
      %rem3A_317 = arith.remsi %div3A_315, %rem3A_316 : i32
      %rem3A_318 = arith.constant 40 : i32
      %rem3A_319 = arith.remsi %sub3A_313, %rem3A_318 : i32
      %dma_wait3A_320 = arith.constant 1 : i32
      %dma_wait3A_321 = arith.constant 0 : i32
      %dma_wait3A_322 = arith.constant 0 : i32
      %dma_wait3A_323 = tpu.memref_slice %arg8[%dma_wait3A_320, %dma_wait3A_321, %dma_wait3A_322] : memref<4x50x128xf32, #tpu.memory_space<vmem>> -> memref<1x50x128xf32, #tpu.memory_space<vmem>>
      %dma_wait3A_324 = tpu.memref_squeeze %dma_wait3A_323 : memref<1x50x128xf32, #tpu.memory_space<vmem>> -> memref<50x128xf32, #tpu.memory_space<vmem>>
      %dma_wait3A_325 = arith.constant 0 : i32
      %dma_wait3A_326 = tpu.memref_slice %arg7[%rem3A_317, %rem3A_319, %dma_wait3A_325] : memref<2x40x50xi32, #tpu.memory_space<vmem>> -> memref<1x1x50xi32, #tpu.memory_space<vmem>>
      %dma_wait3A_327 = tpu.memref_squeeze %dma_wait3A_326 : memref<1x1x50xi32, #tpu.memory_space<vmem>> -> memref<50xi32, #tpu.memory_space<vmem>>
      %dma_wait3A_328 = arith.constant 0 : i32
      %dma_wait3A_329 = arith.constant 0 : i32
      %dma_wait3A_330 = tpu.memref_slice %arg9[%dma_wait3A_328, %dma_wait3A_329] : memref<10000x128xf32, #tpu.memory_space<vmem_shared>> -> memref<10000x128xf32, #tpu.memory_space<vmem_shared>>
      tpu.wait_indirect_dma semaphore(%arg15 : memref<!tpu.dma_semaphore, #tpu.memory_space<semaphore_mem>>) src(%dma_wait3A_324 : memref<50x128xf32, #tpu.memory_space<vmem>>) dst(%dma_wait3A_330 : memref<10000x128xf32, #tpu.memory_space<vmem_shared>>)
      %add3A_331 = arith.constant 4 : i32
      %add3A_332 = arith.addi %add3A_283, %add3A_331 : i32
      %sub3A_333 = arith.constant 1 : i32
      %sub3A_334 = arith.subi %add3A_332, %sub3A_333 : i32
      %div3A_335 = arith.constant 40 : i32
      %div3A_336 = arith.divsi %sub3A_334, %div3A_335 : i32
      %rem3A_337 = arith.constant 2 : i32
      %rem3A_338 = arith.remsi %div3A_336, %rem3A_337 : i32
      %rem3A_339 = arith.constant 40 : i32
      %rem3A_340 = arith.remsi %sub3A_334, %rem3A_339 : i32
      %lt3A_341 = arith.constant 99 : i32
      %lt3A_342 = arith.cmpi slt, %scan3A_141, %lt3A_341 : i32
      %convert_element_type3A_343 = arith.extui %lt3A_342 : i1 to i32
      %cond3A_344 = arith.constant 0 : i32
      %cond3A_345 = arith.cmpi ne, %convert_element_type3A_343, %cond3A_344 : i32
      scf.if %cond3A_345 {
        %dma_start3A_423 = arith.constant 1 : i32
        %dma_start3A_424 = arith.constant 0 : i32
        %dma_start3A_425 = arith.constant 0 : i32
        %dma_start3A_426 = tpu.memref_slice %arg8[%dma_start3A_423, %dma_start3A_424, %dma_start3A_425] : memref<4x50x128xf32, #tpu.memory_space<vmem>> -> memref<1x50x128xf32, #tpu.memory_space<vmem>>
        %dma_start3A_427 = tpu.memref_squeeze %dma_start3A_426 : memref<1x50x128xf32, #tpu.memory_space<vmem>> -> memref<50x128xf32, #tpu.memory_space<vmem>>
        %dma_start3A_428 = arith.constant 0 : i32
        %dma_start3A_429 = tpu.memref_slice %arg6[%rem3A_338, %rem3A_340, %dma_start3A_428] : memref<2x40x50xi32, #tpu.memory_space<vmem>> -> memref<1x1x50xi32, #tpu.memory_space<vmem>>
        %dma_start3A_430 = tpu.memref_squeeze %dma_start3A_429 : memref<1x1x50xi32, #tpu.memory_space<vmem>> -> memref<50xi32, #tpu.memory_space<vmem>>
        %dma_start3A_431 = arith.constant 0 : i32
        %dma_start3A_432 = arith.constant 0 : i32
        %dma_start3A_433 = tpu.memref_slice %arg2[%dma_start3A_431, %dma_start3A_432] : memref<20000x128xf32, #tpu.memory_space<hbm>> -> memref<20000x128xf32, #tpu.memory_space<hbm>>
        tpu.enqueue_indirect_dma source(%dma_start3A_433 : memref<20000x128xf32, #tpu.memory_space<hbm>>) target(%dma_start3A_427 : memref<50x128xf32, #tpu.memory_space<vmem>>) offsets(%dma_start3A_430 : memref<50xi32, #tpu.memory_space<vmem>>) semaphore(%arg11 : memref<!tpu.dma_semaphore, #tpu.memory_space<semaphore_mem>>)
      } else {
      }
      %mul3A_346 = arith.constant 4 : i32
      %mul3A_347 = arith.muli %mul3A_346, %scan3A_141 : i32
      %add3A_348 = arith.constant 3 : i32
      %add3A_349 = arith.addi %mul3A_347, %add3A_348 : i32
      %div3A_350 = arith.constant 40 : i32
      %div3A_351 = arith.divsi %add3A_349, %div3A_350 : i32
      %rem3A_352 = arith.constant 2 : i32
      %rem3A_353 = arith.remsi %div3A_351, %rem3A_352 : i32
      %rem3A_354 = arith.constant 40 : i32
      %rem3A_355 = arith.remsi %add3A_349, %rem3A_354 : i32
      %rem3A_356 = arith.constant 10 : i32
      %rem3A_357 = arith.remsi %scan3A_141, %rem3A_356 : i32
      %eq3A_358 = arith.constant 0 : i32
      %eq3A_359 = arith.cmpi eq, %rem3A_357, %eq3A_358 : i32
      %le3A_360 = arith.constant 80 : i32
      %le3A_361 = arith.cmpi sle, %scan3A_141, %le3A_360 : i32
      %and3A_362 = arith.andi %eq3A_359, %le3A_361 : i1
      %convert_element_type3A_363 = arith.extui %and3A_362 : i1 to i32
      %cond3A_364 = arith.constant 0 : i32
      %cond3A_365 = arith.cmpi ne, %convert_element_type3A_363, %cond3A_364 : i32
      scf.if %cond3A_365 {
        %div3A_423 = arith.constant 10 : i32
        %div3A_424 = arith.divsi %scan3A_141, %div3A_423 : i32
        %add3A_425 = arith.constant 1 : i32
        %add3A_426 = arith.addi %div3A_424, %add3A_425 : i32
        %rem3A_427 = arith.constant 2 : i32
        %rem3A_428 = arith.remsi %add3A_426, %rem3A_427 : i32
        %mul3A_429 = arith.constant 40 : i32
        %mul3A_430 = arith.muli %add3A_426, %mul3A_429 : i32
        %add3A_431 = arith.addi %mul3A_0, %mul3A_430 : i32
        %dma_start3A_432 = arith.constant 0 : i32
        %dma_start3A_433 = arith.constant 0 : i32
        %dma_start3A_434 = tpu.memref_slice %arg6[%rem3A_428, %dma_start3A_432, %dma_start3A_433] : memref<2x40x50xi32, #tpu.memory_space<vmem>> -> memref<1x40x50xi32, #tpu.memory_space<vmem>>
        %dma_start3A_435 = tpu.memref_squeeze %dma_start3A_434 : memref<1x40x50xi32, #tpu.memory_space<vmem>> -> memref<40x50xi32, #tpu.memory_space<vmem>>
        %dma_start3A_436 = arith.constant 0 : i32
        %dma_start3A_437 = tpu.memref_slice %arg3[%arg0, %add3A_431, %dma_start3A_436] : memref<2x6400x50xi32, #tpu.memory_space<hbm>> -> memref<1x40x50xi32, #tpu.memory_space<hbm>>
        %dma_start3A_438 = tpu.memref_squeeze %dma_start3A_437 : memref<1x40x50xi32, #tpu.memory_space<hbm>> -> memref<40x50xi32, #tpu.memory_space<hbm>>
        %dma_start3A_439 = arith.constant 0 : i32
        %dma_start3A_440 = arith.constant 0 : i32
        %dma_start3A_441 = tpu.memref_slice %arg6[%rem3A_428, %dma_start3A_439, %dma_start3A_440] : memref<2x40x50xi32, #tpu.memory_space<vmem>> -> memref<1x40x50xi32, #tpu.memory_space<vmem>>
        %dma_start3A_442 = tpu.memref_squeeze %dma_start3A_441 : memref<1x40x50xi32, #tpu.memory_space<vmem>> -> memref<40x50xi32, #tpu.memory_space<vmem>>
        %dma_start3A_443 = arith.constant 0 : i32
        %dma_start3A_444 = tpu.memref_slice %arg3[%arg0, %add3A_431, %dma_start3A_443] : memref<2x6400x50xi32, #tpu.memory_space<hbm>> -> memref<1x40x50xi32, #tpu.memory_space<hbm>>
        %dma_start3A_445 = tpu.memref_squeeze %dma_start3A_444 : memref<1x40x50xi32, #tpu.memory_space<hbm>> -> memref<40x50xi32, #tpu.memory_space<hbm>>
        tpu.enqueue_dma source(%dma_start3A_445 : memref<40x50xi32, #tpu.memory_space<hbm>>) target(%dma_start3A_442 : memref<40x50xi32, #tpu.memory_space<vmem>>) target_semaphore(%arg18 : memref<!tpu.dma_semaphore, #tpu.memory_space<semaphore_mem>>)
        %mul3A_446 = arith.constant 40 : i32
        %mul3A_447 = arith.muli %add3A_426, %mul3A_446 : i32
        %add3A_448 = arith.addi %mul3A_0, %mul3A_447 : i32
        %dma_start3A_449 = arith.constant 0 : i32
        %dma_start3A_450 = arith.constant 0 : i32
        %dma_start3A_451 = tpu.memref_slice %arg7[%rem3A_428, %dma_start3A_449, %dma_start3A_450] : memref<2x40x50xi32, #tpu.memory_space<vmem>> -> memref<1x40x50xi32, #tpu.memory_space<vmem>>
        %dma_start3A_452 = tpu.memref_squeeze %dma_start3A_451 : memref<1x40x50xi32, #tpu.memory_space<vmem>> -> memref<40x50xi32, #tpu.memory_space<vmem>>
        %dma_start3A_453 = arith.constant 0 : i32
        %dma_start3A_454 = tpu.memref_slice %arg4[%add3A_448, %dma_start3A_453] : memref<6400x50xi32, #tpu.memory_space<hbm>> -> memref<40x50xi32, #tpu.memory_space<hbm>>
        %dma_start3A_455 = arith.constant 0 : i32
        %dma_start3A_456 = arith.constant 0 : i32
        %dma_start3A_457 = tpu.memref_slice %arg7[%rem3A_428, %dma_start3A_455, %dma_start3A_456] : memref<2x40x50xi32, #tpu.memory_space<vmem>> -> memref<1x40x50xi32, #tpu.memory_space<vmem>>
        %dma_start3A_458 = tpu.memref_squeeze %dma_start3A_457 : memref<1x40x50xi32, #tpu.memory_space<vmem>> -> memref<40x50xi32, #tpu.memory_space<vmem>>
        %dma_start3A_459 = arith.constant 0 : i32
        %dma_start3A_460 = tpu.memref_slice %arg4[%add3A_448, %dma_start3A_459] : memref<6400x50xi32, #tpu.memory_space<hbm>> -> memref<40x50xi32, #tpu.memory_space<hbm>>
        tpu.enqueue_dma source(%dma_start3A_460 : memref<40x50xi32, #tpu.memory_space<hbm>>) target(%dma_start3A_458 : memref<40x50xi32, #tpu.memory_space<vmem>>) target_semaphore(%arg18 : memref<!tpu.dma_semaphore, #tpu.memory_space<semaphore_mem>>)
      } else {
      }
      %dma_wait3A_366 = arith.constant 3 : i32
      %dma_wait3A_367 = arith.constant 0 : i32
      %dma_wait3A_368 = arith.constant 0 : i32
      %dma_wait3A_369 = tpu.memref_slice %arg8[%dma_wait3A_366, %dma_wait3A_367, %dma_wait3A_368] : memref<4x50x128xf32, #tpu.memory_space<vmem>> -> memref<1x50x128xf32, #tpu.memory_space<vmem>>
      %dma_wait3A_370 = tpu.memref_squeeze %dma_wait3A_369 : memref<1x50x128xf32, #tpu.memory_space<vmem>> -> memref<50x128xf32, #tpu.memory_space<vmem>>
      %dma_wait3A_371 = arith.constant 0 : i32
      %dma_wait3A_372 = tpu.memref_slice %arg6[%rem3A_353, %rem3A_355, %dma_wait3A_371] : memref<2x40x50xi32, #tpu.memory_space<vmem>> -> memref<1x1x50xi32, #tpu.memory_space<vmem>>
      %dma_wait3A_373 = tpu.memref_squeeze %dma_wait3A_372 : memref<1x1x50xi32, #tpu.memory_space<vmem>> -> memref<50xi32, #tpu.memory_space<vmem>>
      %dma_wait3A_374 = arith.constant 0 : i32
      %dma_wait3A_375 = arith.constant 0 : i32
      %dma_wait3A_376 = tpu.memref_slice %arg2[%dma_wait3A_374, %dma_wait3A_375] : memref<20000x128xf32, #tpu.memory_space<hbm>> -> memref<20000x128xf32, #tpu.memory_space<hbm>>
      tpu.wait_indirect_dma semaphore(%arg13 : memref<!tpu.dma_semaphore, #tpu.memory_space<semaphore_mem>>) src(%dma_wait3A_376 : memref<20000x128xf32, #tpu.memory_space<hbm>>) dst(%dma_wait3A_370 : memref<50x128xf32, #tpu.memory_space<vmem>>)
      %dma_start3A_377 = arith.constant 3 : i32
      %dma_start3A_378 = arith.constant 0 : i32
      %dma_start3A_379 = arith.constant 0 : i32
      %dma_start3A_380 = tpu.memref_slice %arg8[%dma_start3A_377, %dma_start3A_378, %dma_start3A_379] : memref<4x50x128xf32, #tpu.memory_space<vmem>> -> memref<1x50x128xf32, #tpu.memory_space<vmem>>
      %dma_start3A_381 = tpu.memref_squeeze %dma_start3A_380 : memref<1x50x128xf32, #tpu.memory_space<vmem>> -> memref<50x128xf32, #tpu.memory_space<vmem>>
      %dma_start3A_382 = arith.constant 0 : i32
      %dma_start3A_383 = tpu.memref_slice %arg7[%rem3A_353, %rem3A_355, %dma_start3A_382] : memref<2x40x50xi32, #tpu.memory_space<vmem>> -> memref<1x1x50xi32, #tpu.memory_space<vmem>>
      %dma_start3A_384 = tpu.memref_squeeze %dma_start3A_383 : memref<1x1x50xi32, #tpu.memory_space<vmem>> -> memref<50xi32, #tpu.memory_space<vmem>>
      %dma_start3A_385 = arith.constant 0 : i32
      %dma_start3A_386 = arith.constant 0 : i32
      %dma_start3A_387 = tpu.memref_slice %arg9[%dma_start3A_385, %dma_start3A_386] : memref<10000x128xf32, #tpu.memory_space<vmem_shared>> -> memref<10000x128xf32, #tpu.memory_space<vmem_shared>>
      tpu.enqueue_indirect_dma source(%dma_start3A_381 : memref<50x128xf32, #tpu.memory_space<vmem>>) target(%dma_start3A_387 : memref<10000x128xf32, #tpu.memory_space<vmem_shared>>) offsets(%dma_start3A_384 : memref<50xi32, #tpu.memory_space<vmem>>) semaphore(%arg17 : memref<!tpu.dma_semaphore, #tpu.memory_space<semaphore_mem>>) {add = true}
      %sub3A_388 = arith.constant 1 : i32
      %sub3A_389 = arith.subi %add3A_349, %sub3A_388 : i32
      %div3A_390 = arith.constant 40 : i32
      %div3A_391 = arith.divsi %sub3A_389, %div3A_390 : i32
      %rem3A_392 = arith.constant 2 : i32
      %rem3A_393 = arith.remsi %div3A_391, %rem3A_392 : i32
      %rem3A_394 = arith.constant 40 : i32
      %rem3A_395 = arith.remsi %sub3A_389, %rem3A_394 : i32
      %dma_wait3A_396 = arith.constant 2 : i32
      %dma_wait3A_397 = arith.constant 0 : i32
      %dma_wait3A_398 = arith.constant 0 : i32
      %dma_wait3A_399 = tpu.memref_slice %arg8[%dma_wait3A_396, %dma_wait3A_397, %dma_wait3A_398] : memref<4x50x128xf32, #tpu.memory_space<vmem>> -> memref<1x50x128xf32, #tpu.memory_space<vmem>>
      %dma_wait3A_400 = tpu.memref_squeeze %dma_wait3A_399 : memref<1x50x128xf32, #tpu.memory_space<vmem>> -> memref<50x128xf32, #tpu.memory_space<vmem>>
      %dma_wait3A_401 = arith.constant 0 : i32
      %dma_wait3A_402 = tpu.memref_slice %arg7[%rem3A_393, %rem3A_395, %dma_wait3A_401] : memref<2x40x50xi32, #tpu.memory_space<vmem>> -> memref<1x1x50xi32, #tpu.memory_space<vmem>>
      %dma_wait3A_403 = tpu.memref_squeeze %dma_wait3A_402 : memref<1x1x50xi32, #tpu.memory_space<vmem>> -> memref<50xi32, #tpu.memory_space<vmem>>
      %dma_wait3A_404 = arith.constant 0 : i32
      %dma_wait3A_405 = arith.constant 0 : i32
      %dma_wait3A_406 = tpu.memref_slice %arg9[%dma_wait3A_404, %dma_wait3A_405] : memref<10000x128xf32, #tpu.memory_space<vmem_shared>> -> memref<10000x128xf32, #tpu.memory_space<vmem_shared>>
      tpu.wait_indirect_dma semaphore(%arg16 : memref<!tpu.dma_semaphore, #tpu.memory_space<semaphore_mem>>) src(%dma_wait3A_400 : memref<50x128xf32, #tpu.memory_space<vmem>>) dst(%dma_wait3A_406 : memref<10000x128xf32, #tpu.memory_space<vmem_shared>>)
      %add3A_407 = arith.constant 4 : i32
      %add3A_408 = arith.addi %add3A_349, %add3A_407 : i32
      %sub3A_409 = arith.constant 1 : i32
      %sub3A_410 = arith.subi %add3A_408, %sub3A_409 : i32
      %div3A_411 = arith.constant 40 : i32
      %div3A_412 = arith.divsi %sub3A_410, %div3A_411 : i32
      %rem3A_413 = arith.constant 2 : i32
      %rem3A_414 = arith.remsi %div3A_412, %rem3A_413 : i32
      %rem3A_415 = arith.constant 40 : i32
      %rem3A_416 = arith.remsi %sub3A_410, %rem3A_415 : i32
      %lt3A_417 = arith.constant 99 : i32
      %lt3A_418 = arith.cmpi slt, %scan3A_141, %lt3A_417 : i32
      %convert_element_type3A_419 = arith.extui %lt3A_418 : i1 to i32
      %cond3A_420 = arith.constant 0 : i32
      %cond3A_421 = arith.cmpi ne, %convert_element_type3A_419, %cond3A_420 : i32
      scf.if %cond3A_421 {
        %dma_start3A_423 = arith.constant 2 : i32
        %dma_start3A_424 = arith.constant 0 : i32
        %dma_start3A_425 = arith.constant 0 : i32
        %dma_start3A_426 = tpu.memref_slice %arg8[%dma_start3A_423, %dma_start3A_424, %dma_start3A_425] : memref<4x50x128xf32, #tpu.memory_space<vmem>> -> memref<1x50x128xf32, #tpu.memory_space<vmem>>
        %dma_start3A_427 = tpu.memref_squeeze %dma_start3A_426 : memref<1x50x128xf32, #tpu.memory_space<vmem>> -> memref<50x128xf32, #tpu.memory_space<vmem>>
        %dma_start3A_428 = arith.constant 0 : i32
        %dma_start3A_429 = tpu.memref_slice %arg6[%rem3A_414, %rem3A_416, %dma_start3A_428] : memref<2x40x50xi32, #tpu.memory_space<vmem>> -> memref<1x1x50xi32, #tpu.memory_space<vmem>>
        %dma_start3A_430 = tpu.memref_squeeze %dma_start3A_429 : memref<1x1x50xi32, #tpu.memory_space<vmem>> -> memref<50xi32, #tpu.memory_space<vmem>>
        %dma_start3A_431 = arith.constant 0 : i32
        %dma_start3A_432 = arith.constant 0 : i32
        %dma_start3A_433 = tpu.memref_slice %arg2[%dma_start3A_431, %dma_start3A_432] : memref<20000x128xf32, #tpu.memory_space<hbm>> -> memref<20000x128xf32, #tpu.memory_space<hbm>>
        tpu.enqueue_indirect_dma source(%dma_start3A_433 : memref<20000x128xf32, #tpu.memory_space<hbm>>) target(%dma_start3A_427 : memref<50x128xf32, #tpu.memory_space<vmem>>) offsets(%dma_start3A_430 : memref<50xi32, #tpu.memory_space<vmem>>) semaphore(%arg12 : memref<!tpu.dma_semaphore, #tpu.memory_space<semaphore_mem>>)
      } else {
      }
      %scan3A_422 = arith.constant 0 : i32
      scf.yield %scan3A_422 : i32
    }
    %scan3A_115 = arith.constant 100 : i32
    %div3A = arith.constant 399 : i32
    %div3A_116 = arith.constant 40 : i32
    %div3A_117 = arith.divsi %div3A, %div3A_116 : i32
    %rem3A = arith.constant 2 : i32
    %rem3A_118 = arith.remsi %div3A_117, %rem3A : i32
    %dma_wait3A_119 = arith.constant 3 : i32
    %dma_wait3A_120 = arith.constant 39 : i32
    %dma_wait3A_121 = arith.constant 0 : i32
    %dma_wait3A_122 = arith.constant 0 : i32
    %dma_wait3A_123 = tpu.memref_slice %arg8[%dma_wait3A_119, %dma_wait3A_121, %dma_wait3A_122] : memref<4x50x128xf32, #tpu.memory_space<vmem>> -> memref<1x50x128xf32, #tpu.memory_space<vmem>>
    %dma_wait3A_124 = tpu.memref_squeeze %dma_wait3A_123 : memref<1x50x128xf32, #tpu.memory_space<vmem>> -> memref<50x128xf32, #tpu.memory_space<vmem>>
    %dma_wait3A_125 = arith.constant 0 : i32
    %dma_wait3A_126 = tpu.memref_slice %arg7[%rem3A_118, %dma_wait3A_120, %dma_wait3A_125] : memref<2x40x50xi32, #tpu.memory_space<vmem>> -> memref<1x1x50xi32, #tpu.memory_space<vmem>>
    %dma_wait3A_127 = tpu.memref_squeeze %dma_wait3A_126 : memref<1x1x50xi32, #tpu.memory_space<vmem>> -> memref<50xi32, #tpu.memory_space<vmem>>
    %dma_wait3A_128 = arith.constant 0 : i32
    %dma_wait3A_129 = arith.constant 0 : i32
    %dma_wait3A_130 = tpu.memref_slice %arg9[%dma_wait3A_128, %dma_wait3A_129] : memref<10000x128xf32, #tpu.memory_space<vmem_shared>> -> memref<10000x128xf32, #tpu.memory_space<vmem_shared>>
    tpu.wait_indirect_dma semaphore(%arg17 : memref<!tpu.dma_semaphore, #tpu.memory_space<semaphore_mem>>) src(%dma_wait3A_124 : memref<50x128xf32, #tpu.memory_space<vmem>>) dst(%dma_wait3A_130 : memref<10000x128xf32, #tpu.memory_space<vmem_shared>>)
    %barrier3A_131 = arith.constant 0 : index
    tpu.barrier barrier_id(%barrier3A_131)
    %mul3A_132 = arith.constant 624 : i32
    %mul3A_133 = arith.muli %arg1, %mul3A_132 : i32
    %mul3A_134 = arith.constant 624 : i32
    %mul3A_135 = arith.muli %arg1, %mul3A_134 : i32
    "tpu.region"() ({
      %run_scoped3A = tpu.sem_alloc : memref<!tpu.dma_semaphore, #tpu.memory_space<semaphore_mem>>
      %dma_start3A_141 = arith.constant 0 : i32
      %dma_start3A_142 = tpu.memref_slice %arg5[%arg0, %mul3A_135, %dma_start3A_141] : memref<2x10000x128xf32, #tpu.memory_space<hbm>> -> memref<1x624x128xf32, #tpu.memory_space<hbm>>
      %dma_start3A_143 = tpu.memref_squeeze %dma_start3A_142 : memref<1x624x128xf32, #tpu.memory_space<hbm>> -> memref<624x128xf32, #tpu.memory_space<hbm>>
      %dma_start3A_144 = arith.constant 0 : i32
      %dma_start3A_145 = tpu.memref_slice %arg9[%mul3A_133, %dma_start3A_144] : memref<10000x128xf32, #tpu.memory_space<vmem_shared>> -> memref<624x128xf32, #tpu.memory_space<vmem_shared>>
      tpu.enqueue_dma source(%dma_start3A_145 : memref<624x128xf32, #tpu.memory_space<vmem_shared>>) target(%dma_start3A_143 : memref<624x128xf32, #tpu.memory_space<hbm>>) target_semaphore(%run_scoped3A : memref<!tpu.dma_semaphore, #tpu.memory_space<semaphore_mem>>)
      %dma_wait3A_146 = arith.constant 0 : i32
      %dma_wait3A_147 = tpu.memref_slice %arg5[%arg0, %mul3A_135, %dma_wait3A_146] : memref<2x10000x128xf32, #tpu.memory_space<hbm>> -> memref<1x624x128xf32, #tpu.memory_space<hbm>>
      %dma_wait3A_148 = tpu.memref_squeeze %dma_wait3A_147 : memref<1x624x128xf32, #tpu.memory_space<hbm>> -> memref<624x128xf32, #tpu.memory_space<hbm>>
      %dma_wait3A_149 = arith.constant 0 : i32
      %dma_wait3A_150 = tpu.memref_slice %arg9[%mul3A_133, %dma_wait3A_149] : memref<10000x128xf32, #tpu.memory_space<vmem_shared>> -> memref<624x128xf32, #tpu.memory_space<vmem_shared>>
      tpu.wait_dma2 semaphore(%run_scoped3A : memref<!tpu.dma_semaphore, #tpu.memory_space<semaphore_mem>>) src(%dma_wait3A_150 : memref<624x128xf32, #tpu.memory_space<vmem_shared>>) dst(%dma_wait3A_148 : memref<624x128xf32, #tpu.memory_space<hbm>>)
      tpu.yield
    }) : () -> ()
    %eq3A_136 = arith.constant 15 : i32
    %eq3A_137 = arith.cmpi eq, %arg1, %eq3A_136 : i32
    %convert_element_type3A_138 = arith.extui %eq3A_137 : i1 to i32
    %cond3A_139 = arith.constant 0 : i32
    %cond3A_140 = arith.cmpi ne, %convert_element_type3A_138, %cond3A_139 : i32
    scf.if %cond3A_140 {
      "tpu.region"() ({
        %run_scoped3A = tpu.sem_alloc : memref<!tpu.dma_semaphore, #tpu.memory_space<semaphore_mem>>
        %dma_start3A_141 = arith.constant 9984 : i32
        %dma_start3A_142 = arith.constant 0 : i32
        %dma_start3A_143 = tpu.memref_slice %arg5[%arg0, %dma_start3A_141, %dma_start3A_142] : memref<2x10000x128xf32, #tpu.memory_space<hbm>> -> memref<1x16x128xf32, #tpu.memory_space<hbm>>
        %dma_start3A_144 = tpu.memref_squeeze %dma_start3A_143 : memref<1x16x128xf32, #tpu.memory_space<hbm>> -> memref<16x128xf32, #tpu.memory_space<hbm>>
        %dma_start3A_145 = arith.constant 9984 : i32
        %dma_start3A_146 = arith.constant 0 : i32
        %dma_start3A_147 = tpu.memref_slice %arg9[%dma_start3A_145, %dma_start3A_146] : memref<10000x128xf32, #tpu.memory_space<vmem_shared>> -> memref<16x128xf32, #tpu.memory_space<vmem_shared>>
        tpu.enqueue_dma source(%dma_start3A_147 : memref<16x128xf32, #tpu.memory_space<vmem_shared>>) target(%dma_start3A_144 : memref<16x128xf32, #tpu.memory_space<hbm>>) target_semaphore(%run_scoped3A : memref<!tpu.dma_semaphore, #tpu.memory_space<semaphore_mem>>)
        %dma_wait3A_148 = arith.constant 9984 : i32
        %dma_wait3A_149 = arith.constant 0 : i32
        %dma_wait3A_150 = tpu.memref_slice %arg5[%arg0, %dma_wait3A_148, %dma_wait3A_149] : memref<2x10000x128xf32, #tpu.memory_space<hbm>> -> memref<1x16x128xf32, #tpu.memory_space<hbm>>
        %dma_wait3A_151 = tpu.memref_squeeze %dma_wait3A_150 : memref<1x16x128xf32, #tpu.memory_space<hbm>> -> memref<16x128xf32, #tpu.memory_space<hbm>>
        %dma_wait3A_152 = arith.constant 9984 : i32
        %dma_wait3A_153 = arith.constant 0 : i32
        %dma_wait3A_154 = tpu.memref_slice %arg9[%dma_wait3A_152, %dma_wait3A_153] : memref<10000x128xf32, #tpu.memory_space<vmem_shared>> -> memref<16x128xf32, #tpu.memory_space<vmem_shared>>
        tpu.wait_dma2 semaphore(%run_scoped3A : memref<!tpu.dma_semaphore, #tpu.memory_space<semaphore_mem>>) src(%dma_wait3A_154 : memref<16x128xf32, #tpu.memory_space<vmem_shared>>) dst(%dma_wait3A_151 : memref<16x128xf32, #tpu.memory_space<hbm>>)
        tpu.yield
      }) : () -> ()
    } else {
    }
    return
  }
}

#map = affine_map<(d0, d1) -> (0)>
#map1 = affine_map<(d0, d1) -> (0, 0, 0)>
module attributes {stable_mosaic.version = 14 : i64} {
  func.func @_hist_kernel(%arg0: i32, %arg1: i32, %arg2: memref<320000xi32, #tpu.memory_space<hbm>>, %arg3: memref<32x1x10000xf32, #tpu.memory_space<hbm>>, %arg4: memref<10000xi32, #tpu.memory_space<vmem>>, %arg5: memref<10000xf32, #tpu.memory_space<vmem>>, %arg6: memref<!tpu.dma_semaphore, #tpu.memory_space<semaphore_mem>>) attributes {dimension_semantics = [#tpu.dimension_semantics<core_parallel>, #tpu.dimension_semantics<subcore_parallel>], iteration_bounds = array<i64: 2, 16>, scalar_prefetch = 0 : i64, scratch_operands = 3 : i64, tpu.core_type = #tpu.core_type<sc_vector_subcore>, window_params = [{transform_indices = #map}, {transform_indices = #map1}]} {
    %mul3A = arith.constant 16 : i32
    %mul3A_0 = arith.muli %arg0, %mul3A : i32
    %add3A = arith.addi %mul3A_0, %arg1 : i32
    %mul3A_1 = arith.constant 10000 : i32
    %mul3A_2 = arith.muli %add3A, %mul3A_1 : i32
    %dma_start3A = tpu.memref_slice %arg2[%mul3A_2] : memref<320000xi32, #tpu.memory_space<hbm>> -> memref<10000xi32, #tpu.memory_space<hbm>>
    %dma_start3A_3 = tpu.memref_slice %arg2[%mul3A_2] : memref<320000xi32, #tpu.memory_space<hbm>> -> memref<10000xi32, #tpu.memory_space<hbm>>
    tpu.enqueue_dma source(%dma_start3A_3 : memref<10000xi32, #tpu.memory_space<hbm>>) target(%arg4 : memref<10000xi32, #tpu.memory_space<vmem>>) target_semaphore(%arg6 : memref<!tpu.dma_semaphore, #tpu.memory_space<semaphore_mem>>)
    %dma_wait3A = tpu.memref_slice %arg2[%mul3A_2] : memref<320000xi32, #tpu.memory_space<hbm>> -> memref<10000xi32, #tpu.memory_space<hbm>>
    %dma_wait3A_4 = tpu.memref_slice %arg2[%mul3A_2] : memref<320000xi32, #tpu.memory_space<hbm>> -> memref<10000xi32, #tpu.memory_space<hbm>>
    tpu.wait_dma2 semaphore(%arg6 : memref<!tpu.dma_semaphore, #tpu.memory_space<semaphore_mem>>) src(%dma_wait3A_4 : memref<10000xi32, #tpu.memory_space<hbm>>) dst(%arg4 : memref<10000xi32, #tpu.memory_space<vmem>>)
    %broadcast_in_dim3A = arith.constant 0.000000e+00 : f32
    %broadcast_in_dim3A_5 = vector.broadcast %broadcast_in_dim3A : f32 to vector<16xf32>
    %scan3A = arith.constant 0 : i32
    %scan3A_6 = arith.constant 0 : i32
    %scan3A_7 = arith.constant 625 : i32
    %scan3A_8 = arith.addi %scan3A_6, %scan3A_7 : i32
    %scan3A_9 = arith.constant 1 : i32
    %scan3A_10 = scf.for %scan3A_35 = %scan3A_6 to %scan3A_8 step %scan3A_9 iter_args(%scan3A_36 = %scan3A) -> (i32)  : i32 {
      %mul3A_37 = arith.constant 16 : i32
      %mul3A_38 = arith.muli %scan3A_35, %mul3A_37 : i32
      %swap3A = arith.index_cast %mul3A_38 : i32 to index
      %swap3A_39 = tpu.vector_load %arg5[%swap3A] {strides = array<i32>} : memref<10000xf32, #tpu.memory_space<vmem>>, vector<16xf32>,
      tpu.vector_store %arg5[%swap3A], %broadcast_in_dim3A_5 {strides = array<i32>} : memref<10000xf32, #tpu.memory_space<vmem>>, vector<16xf32>,
      %scan3A_40 = arith.constant 0 : i32
      scf.yield %scan3A_40 : i32
    }
    %scan3A_11 = arith.constant 625 : i32
    %broadcast_in_dim3A_12 = arith.constant 1.000000e+00 : f32
    %broadcast_in_dim3A_13 = vector.broadcast %broadcast_in_dim3A_12 : f32 to vector<16xf32>
    %scan3A_14 = arith.constant 0 : i32
    %scan3A_15 = arith.constant 0 : i32
    %scan3A_16 = arith.constant 625 : i32
    %scan3A_17 = arith.addi %scan3A_15, %scan3A_16 : i32
    %scan3A_18 = arith.constant 1 : i32
    %scan3A_19 = scf.for %scan3A_35 = %scan3A_15 to %scan3A_17 step %scan3A_18 iter_args(%scan3A_36 = %scan3A_14) -> (i32)  : i32 {
      %mul3A_37 = arith.constant 16 : i32
      %mul3A_38 = arith.muli %scan3A_35, %mul3A_37 : i32
      %get3A = arith.index_cast %mul3A_38 : i32 to index
      %get3A_39 = tpu.vector_load %arg4[%get3A] {strides = array<i32>} : memref<10000xi32, #tpu.memory_space<vmem>>, vector<16xi32>,
      tpu.vector_store_idx %arg5[%get3A_39], %broadcast_in_dim3A_13 {add = true} : memref<10000xf32, #tpu.memory_space<vmem>>[vector<16xi32>], vector<16xf32>,
      %scan3A_40 = arith.constant 0 : i32
      scf.yield %scan3A_40 : i32
    }
    %scan3A_20 = arith.constant 625 : i32
    %dma_start3A_21 = arith.constant 0 : i32
    %dma_start3A_22 = arith.constant 0 : i32
    %dma_start3A_23 = tpu.memref_slice %arg3[%add3A, %dma_start3A_21, %dma_start3A_22] : memref<32x1x10000xf32, #tpu.memory_space<hbm>> -> memref<1x1x10000xf32, #tpu.memory_space<hbm>>
    %dma_start3A_24 = tpu.memref_squeeze %dma_start3A_23 : memref<1x1x10000xf32, #tpu.memory_space<hbm>> -> memref<10000xf32, #tpu.memory_space<hbm>>
    %dma_start3A_25 = arith.constant 0 : i32
    %dma_start3A_26 = tpu.memref_slice %arg3[%add3A, %dma_start3A_21, %dma_start3A_25] : memref<32x1x10000xf32, #tpu.memory_space<hbm>> -> memref<1x1x10000xf32, #tpu.memory_space<hbm>>
    %dma_start3A_27 = tpu.memref_squeeze %dma_start3A_26 : memref<1x1x10000xf32, #tpu.memory_space<hbm>> -> memref<10000xf32, #tpu.memory_space<hbm>>
    tpu.enqueue_dma source(%arg5 : memref<10000xf32, #tpu.memory_space<vmem>>) target(%dma_start3A_27 : memref<10000xf32, #tpu.memory_space<hbm>>) target_semaphore(%arg6 : memref<!tpu.dma_semaphore, #tpu.memory_space<semaphore_mem>>)
    %dma_wait3A_28 = arith.constant 0 : i32
    %dma_wait3A_29 = arith.constant 0 : i32
    %dma_wait3A_30 = tpu.memref_slice %arg3[%add3A, %dma_wait3A_28, %dma_wait3A_29] : memref<32x1x10000xf32, #tpu.memory_space<hbm>> -> memref<1x1x10000xf32, #tpu.memory_space<hbm>>
    %dma_wait3A_31 = tpu.memref_squeeze %dma_wait3A_30 : memref<1x1x10000xf32, #tpu.memory_space<hbm>> -> memref<10000xf32, #tpu.memory_space<hbm>>
    %dma_wait3A_32 = arith.constant 0 : i32
    %dma_wait3A_33 = tpu.memref_slice %arg3[%add3A, %dma_wait3A_28, %dma_wait3A_32] : memref<32x1x10000xf32, #tpu.memory_space<hbm>> -> memref<1x1x10000xf32, #tpu.memory_space<hbm>>
    %dma_wait3A_34 = tpu.memref_squeeze %dma_wait3A_33 : memref<1x1x10000xf32, #tpu.memory_space<hbm>> -> memref<10000xf32, #tpu.memory_space<hbm>>
    tpu.wait_dma2 semaphore(%arg6 : memref<!tpu.dma_semaphore, #tpu.memory_space<semaphore_mem>>) src(%arg5 : memref<10000xf32, #tpu.memory_space<vmem>>) dst(%dma_wait3A_34 : memref<10000xf32, #tpu.memory_space<hbm>>)
    return
  }
}

module attributes {stable_mosaic.version = 14 : i64} {
  func.func @_mm1_body(%arg0: i32, %arg1: i32, %arg2: memref<1000x128xf32, #tpu.memory_space<vmem>>, %arg3: memref<128x128xf32, #tpu.memory_space<vmem>>, %arg4: memref<1000x32xf32, #tpu.memory_space<vmem>>, %arg5: memref<1x1000x128xf32, #tpu.memory_space<vmem>>, %arg6: memref<1000x1xf32, #tpu.memory_space<vmem>>) attributes {dimension_semantics = [#tpu.dimension_semantics<arbitrary>, #tpu.dimension_semantics<arbitrary>], iteration_bounds = array<i64: 10, 2>, scalar_prefetch = 0 : i64, scratch_operands = 0 : i64, tpu.core_type = #tpu.core_type<tc>, window_params = [{transform_indices = @transform_0, window_bounds = array<i64: 1000, 128>}, {transform_indices = @transform_1, window_bounds = array<i64: 128, 128>}, {transform_indices = @transform_2, window_bounds = array<i64: 1000, 32>}, {transform_indices = @transform_3, window_bounds = array<i64: 1, 1000, 128>}, {transform_indices = @transform_4, window_bounds = array<i64: 1000, 1>}]} {
    %get3A = arith.constant 0 : index
    %get3A_0 = arith.constant 0 : index
    %get3A_1 = vector.load %arg4[%get3A, %get3A_0] : memref<1000x32xf32, #tpu.memory_space<vmem>>, vector<1000x32xf32>
    %reduce_sum3A = arith.constant dense<0.000000e+00> : vector<1000xf32>
    %reduce_sum3A_2 = vector.multi_reduction <add>, %get3A_1, %reduce_sum3A [1] : vector<1000x32xf32> to vector<1000xf32>
    %broadcast_in_dim3A = vector.shape_cast %reduce_sum3A_2 : vector<1000xf32> to vector<1000x1xf32>
    %add3A = arith.constant 1.000000e+00 : f32
    %add3A_3 = vector.broadcast %add3A : f32 to vector<1000x1xf32>
    %add3A_4 = arith.addf %broadcast_in_dim3A, %add3A_3 : vector<1000x1xf32>
    %rsqrt3A = math.rsqrt %add3A_4 : vector<1000x1xf32>
    %get3A_5 = arith.constant 0 : index
    %get3A_6 = arith.constant 0 : index
    %get3A_7 = vector.load %arg2[%get3A_5, %get3A_6] : memref<1000x128xf32, #tpu.memory_space<vmem>>, vector<1000x128xf32>
    %get3A_8 = arith.constant 0 : index
    %get3A_9 = arith.constant 0 : index
    %get3A_10 = vector.load %arg3[%get3A_8, %get3A_9] : memref<128x128xf32, #tpu.memory_space<vmem>>, vector<128x128xf32>
    %dot_general3A = arith.constant dense<0.000000e+00> : vector<1000x128xf32>
    %dot_general3A_11 = tpu.matmul %get3A_7, %get3A_10, %dot_general3A {dimension_numbers = #tpu.dot_dimension_numbers<[1], [0], [0], [1], [0, 0, 1, 1], [], []>, transpose_lhs_hint = false} : vector<1000x128xf32>, vector<128x128xf32>, vector<1000x128xf32> -> vector<1000x128xf32>
    %mul3A = vector.broadcast %rsqrt3A : vector<1000x1xf32> to vector<1000x128xf32>
    %mul3A_12 = arith.mulf %dot_general3A_11, %mul3A : vector<1000x128xf32>
    %broadcast_in_dim3A_13 = vector.shape_cast %mul3A_12 : vector<1000x128xf32> to vector<1x1000x128xf32>
    %swap3A = arith.constant 0 : index
    %swap3A_14 = arith.constant 0 : index
    %swap3A_15 = arith.constant 0 : index
    %swap3A_16 = vector.load %arg5[%swap3A, %swap3A_14, %swap3A_15] : memref<1x1000x128xf32, #tpu.memory_space<vmem>>, vector<1x1000x128xf32>
    tpu.vector_store %arg5[%swap3A, %swap3A_14, %swap3A_15], %broadcast_in_dim3A_13 {strides = array<i32>} : memref<1x1000x128xf32, #tpu.memory_space<vmem>>, vector<1x1000x128xf32>,
    %swap3A_17 = arith.constant 0 : index
    %swap3A_18 = arith.constant 0 : index
    %swap3A_19 = vector.load %arg6[%swap3A_17, %swap3A_18] : memref<1000x1xf32, #tpu.memory_space<vmem>>, vector<1000x1xf32>
    tpu.vector_store %arg6[%swap3A_17, %swap3A_18], %rsqrt3A {strides = array<i32>} : memref<1000x1xf32, #tpu.memory_space<vmem>>, vector<1000x1xf32>,
    return
  }
  func.func @transform_0(%arg0: i32, %arg1: i32) -> (i32, i32) {
    %c0_i32 = arith.constant 0 : i32
    %c0_i32_0 = arith.constant 0 : i32
    return %arg0, %c0_i32 : i32, i32
  }
  func.func @transform_1(%arg0: i32, %arg1: i32) -> (i32, i32) {
    %c0_i32 = arith.constant 0 : i32
    %c0_i32_0 = arith.constant 0 : i32
    return %c0_i32, %arg1 : i32, i32
  }
  func.func @transform_2(%arg0: i32, %arg1: i32) -> (i32, i32) {
    %c0_i32 = arith.constant 0 : i32
    %c0_i32_0 = arith.constant 0 : i32
    return %arg0, %c0_i32 : i32, i32
  }
  func.func @transform_3(%arg0: i32, %arg1: i32) -> (i32, i32, i32) {
    %c0_i32 = arith.constant 0 : i32
    %c0_i32_0 = arith.constant 0 : i32
    return %arg1, %arg0, %c0_i32 : i32, i32, i32
  }
  func.func @transform_4(%arg0: i32, %arg1: i32) -> (i32, i32) {
    %c0_i32 = arith.constant 0 : i32
    %c0_i32_0 = arith.constant 0 : i32
    return %arg0, %c0_i32 : i32, i32
  }
}

module attributes {stable_mosaic.version = 14 : i64} {
  func.func @_mm2_body(%arg0: i32, %arg1: i32, %arg2: memref<1000x256xf32, #tpu.memory_space<vmem>>, %arg3: memref<1000x1xf32, #tpu.memory_space<vmem>>, %arg4: memref<1x256xf32, #tpu.memory_space<vmem>>, %arg5: memref<256x128xf32, #tpu.memory_space<vmem>>, %arg6: memref<1x1000x128xf32, #tpu.memory_space<vmem>>) attributes {dimension_semantics = [#tpu.dimension_semantics<arbitrary>, #tpu.dimension_semantics<arbitrary>], iteration_bounds = array<i64: 10, 2>, scalar_prefetch = 0 : i64, scratch_operands = 0 : i64, tpu.core_type = #tpu.core_type<tc>, window_params = [{transform_indices = @transform_0, window_bounds = array<i64: 1000, 256>}, {transform_indices = @transform_1, window_bounds = array<i64: 1000, 1>}, {pipeline_mode = #tpu.pipeline_mode<synchronous>, transform_indices = @transform_2, window_bounds = array<i64: 1, 256>}, {transform_indices = @transform_3, window_bounds = array<i64: 256, 128>}, {transform_indices = @transform_4, window_bounds = array<i64: 1, 1000, 128>}]} {
    %get3A = arith.constant 0 : index
    %get3A_0 = arith.constant 0 : index
    %get3A_1 = vector.load %arg3[%get3A, %get3A_0] : memref<1000x1xf32, #tpu.memory_space<vmem>>, vector<1000x1xf32>
    %get3A_2 = arith.constant 0 : index
    %get3A_3 = arith.constant 0 : index
    %get3A_4 = vector.load %arg2[%get3A_2, %get3A_3] : memref<1000x256xf32, #tpu.memory_space<vmem>>, vector<1000x256xf32>
    %mul3A = vector.broadcast %get3A_1 : vector<1000x1xf32> to vector<1000x256xf32>
    %mul3A_5 = arith.mulf %get3A_4, %mul3A : vector<1000x256xf32>
    %get3A_6 = arith.constant 0 : index
    %get3A_7 = arith.constant 0 : index
    %get3A_8 = vector.load %arg4[%get3A_6, %get3A_7] : memref<1x256xf32, #tpu.memory_space<vmem>>, vector<1x256xf32>
    %add3A = vector.broadcast %get3A_8 : vector<1x256xf32> to vector<1000x256xf32>
    %add3A_9 = arith.addf %mul3A_5, %add3A : vector<1000x256xf32>
    %max3A = arith.constant 0.000000e+00 : f32
    %max3A_10 = vector.broadcast %max3A : f32 to vector<1000x256xf32>
    %max3A_11 = arith.maximumf %add3A_9, %max3A_10 : vector<1000x256xf32>
    %get3A_12 = arith.constant 0 : index
    %get3A_13 = arith.constant 0 : index
    %get3A_14 = vector.load %arg5[%get3A_12, %get3A_13] : memref<256x128xf32, #tpu.memory_space<vmem>>, vector<256x128xf32>
    %dot_general3A = arith.constant dense<0.000000e+00> : vector<1000x128xf32>
    %dot_general3A_15 = tpu.matmul %max3A_11, %get3A_14, %dot_general3A {dimension_numbers = #tpu.dot_dimension_numbers<[1], [0], [0], [1], [0, 0, 1, 1], [], []>, transpose_lhs_hint = false} : vector<1000x256xf32>, vector<256x128xf32>, vector<1000x128xf32> -> vector<1000x128xf32>
    %mul3A_16 = vector.broadcast %get3A_1 : vector<1000x1xf32> to vector<1000x128xf32>
    %mul3A_17 = arith.mulf %dot_general3A_15, %mul3A_16 : vector<1000x128xf32>
    %broadcast_in_dim3A = vector.shape_cast %mul3A_17 : vector<1000x128xf32> to vector<1x1000x128xf32>
    %swap3A = arith.constant 0 : index
    %swap3A_18 = arith.constant 0 : index
    %swap3A_19 = arith.constant 0 : index
    %swap3A_20 = vector.load %arg6[%swap3A, %swap3A_18, %swap3A_19] : memref<1x1000x128xf32, #tpu.memory_space<vmem>>, vector<1x1000x128xf32>
    tpu.vector_store %arg6[%swap3A, %swap3A_18, %swap3A_19], %broadcast_in_dim3A {strides = array<i32>} : memref<1x1000x128xf32, #tpu.memory_space<vmem>>, vector<1x1000x128xf32>,
    return
  }
  func.func @transform_0(%arg0: i32, %arg1: i32) -> (i32, i32) {
    %c0_i32 = arith.constant 0 : i32
    %c0_i32_0 = arith.constant 0 : i32
    return %arg0, %c0_i32 : i32, i32
  }
  func.func @transform_1(%arg0: i32, %arg1: i32) -> (i32, i32) {
    %c0_i32 = arith.constant 0 : i32
    %c0_i32_0 = arith.constant 0 : i32
    return %arg0, %c0_i32 : i32, i32
  }
  func.func @transform_2(%arg0: i32, %arg1: i32) -> (i32, i32) {
    %c0_i32 = arith.constant 0 : i32
    %c0_i32_0 = arith.constant 0 : i32
    %c0_i32_1 = arith.constant 0 : i32
    return %c0_i32, %c0_i32_0 : i32, i32
  }
  func.func @transform_3(%arg0: i32, %arg1: i32) -> (i32, i32) {
    %c0_i32 = arith.constant 0 : i32
    %c0_i32_0 = arith.constant 0 : i32
    return %c0_i32, %arg1 : i32, i32
  }
  func.func @transform_4(%arg0: i32, %arg1: i32) -> (i32, i32, i32) {
    %c0_i32 = arith.constant 0 : i32
    %c0_i32_0 = arith.constant 0 : i32
    return %arg1, %arg0, %c0_i32 : i32, i32, i32
  }
}

module attributes {stable_mosaic.version = 14 : i64} {
  func.func @_fin_body(%arg0: i32, %arg1: memref<1000x256xf32, #tpu.memory_space<vmem>>, %arg2: memref<1000x1xf32, #tpu.memory_space<vmem>>, %arg3: memref<1x256xf32, #tpu.memory_space<vmem>>, %arg4: memref<1000x256xf32, #tpu.memory_space<vmem>>) attributes {dimension_semantics = [#tpu.dimension_semantics<arbitrary>], iteration_bounds = array<i64: 10>, scalar_prefetch = 0 : i64, scratch_operands = 0 : i64, tpu.core_type = #tpu.core_type<tc>, window_params = [{transform_indices = @transform_0, window_bounds = array<i64: 1000, 256>}, {transform_indices = @transform_1, window_bounds = array<i64: 1000, 1>}, {pipeline_mode = #tpu.pipeline_mode<synchronous>, transform_indices = @transform_2, window_bounds = array<i64: 1, 256>}, {transform_indices = @transform_3, window_bounds = array<i64: 1000, 256>}]} {
    %get3A = arith.constant 0 : index
    %get3A_0 = arith.constant 0 : index
    %get3A_1 = vector.load %arg1[%get3A, %get3A_0] : memref<1000x256xf32, #tpu.memory_space<vmem>>, vector<1000x256xf32>
    %get3A_2 = arith.constant 0 : index
    %get3A_3 = arith.constant 0 : index
    %get3A_4 = vector.load %arg2[%get3A_2, %get3A_3] : memref<1000x1xf32, #tpu.memory_space<vmem>>, vector<1000x1xf32>
    %mul3A = vector.broadcast %get3A_4 : vector<1000x1xf32> to vector<1000x256xf32>
    %mul3A_5 = arith.mulf %get3A_1, %mul3A : vector<1000x256xf32>
    %get3A_6 = arith.constant 0 : index
    %get3A_7 = arith.constant 0 : index
    %get3A_8 = vector.load %arg3[%get3A_6, %get3A_7] : memref<1x256xf32, #tpu.memory_space<vmem>>, vector<1x256xf32>
    %add3A = vector.broadcast %get3A_8 : vector<1x256xf32> to vector<1000x256xf32>
    %add3A_9 = arith.addf %mul3A_5, %add3A : vector<1000x256xf32>
    %swap3A = arith.constant 0 : index
    %swap3A_10 = arith.constant 0 : index
    %swap3A_11 = vector.load %arg4[%swap3A, %swap3A_10] : memref<1000x256xf32, #tpu.memory_space<vmem>>, vector<1000x256xf32>
    tpu.vector_store %arg4[%swap3A, %swap3A_10], %add3A_9 {strides = array<i32>} : memref<1000x256xf32, #tpu.memory_space<vmem>>, vector<1000x256xf32>,
    return
  }
  func.func @transform_0(%arg0: i32) -> (i32, i32) {
    %c0_i32 = arith.constant 0 : i32
    %c0_i32_0 = arith.constant 0 : i32
    return %arg0, %c0_i32 : i32, i32
  }
  func.func @transform_1(%arg0: i32) -> (i32, i32) {
    %c0_i32 = arith.constant 0 : i32
    %c0_i32_0 = arith.constant 0 : i32
    return %arg0, %c0_i32 : i32, i32
  }
  func.func @transform_2(%arg0: i32) -> (i32, i32) {
    %c0_i32 = arith.constant 0 : i32
    %c0_i32_0 = arith.constant 0 : i32
    %c0_i32_1 = arith.constant 0 : i32
    return %c0_i32, %c0_i32_0 : i32, i32
  }
  func.func @transform_3(%arg0: i32) -> (i32, i32) {
    %c0_i32 = arith.constant 0 : i32
    %c0_i32_0 = arith.constant 0 : i32
    return %arg0, %c0_i32 : i32, i32
  }
}

</mosaic_0001>

<sc_bundles>
// kernel: kernel.11.cloned.1.call-start
scs
__scs_entry_jumppad:
0x0: {  	(pc) =	sbr.rel $0x88, $3  }
0x1: {  	(tag) =	ssettag $0x0;
	lr =	simm.s32 $0x1  }
0x2: {  	[smem:$0x3F9B] =	sst lr;
	_ =	strace $0xD0000000  }
0x3: {  	_ = 	snop  }
0x4: {  	_ = 	snop  }
0x5: {  	_ = 	snop  }
0x6: {  	_ = 	snop  }
0x7: {  	_ = 	snop  }
__scs_overlays_trampoline_lowered:
0x8: {  	[smem:$0x3FAA] =	sst s0  }
0x9: {  	[smem:$0x3FAB] =	sst s1  }
0xa: {  	[smem:$0x3FAC] =	sst s2  }
0xb: {  	[smem:$0x3FAD] =	sst s3  }
0xc: {  	[smem:$0x3FAE] =	sst s4  }
0xd: {  	[smem:$0x3FAF] =	sst s5  }
0xe: {  	[smem:$0x3FB0] =	sst s6  }
0xf: {  	[smem:$0x3FB1] =	sst s7  }
0x10: {  	[smem:$0x3FB2] =	sst s8  }
0x11: {  	[smem:$0x3FB3] =	sst s9;
	s0 =	simm.s32 @!p0 $0x0  }
0x12: {  	s1 =	sld [smem:$0x3F99];
	s0 =	simm.s32 @p0 $0x1  }
0x13: {  	[smem:$0x3FB4] =	sst s0;
	s0 =	simm.s32 @!p1 $0x0  }
0x14: {  	s2 =	sld [smem:$0x3F98];
	s0 =	simm.s32 @p1 $0x1  }
0x15: {  	[smem:$0x3FB5] =	sst s0;
	s0 =	simm.s32 @!p2 $0x0  }
0x16: {  	s3 =	sld [smem:$0x3FDB];
	s0 =	simm.s32 @p2 $0x1  }
0x17: {  	s4 =	simm.s32 $0x1BF5;
	[smem:$0x3FB7] =	sst s0  }
0x18: {  	s0 =	sld [smem:$0x3F9A];
	_ =	swait.ge [sflag:s4], $0x0  }
0x19: {  	s7 =	sld [smem:$0x3F9B]  }
0x1a: {  	s8 =	sadd.s32 $0xFFFFE003, lr  }
0x1b: {  	s9 =	sadd.s32 $0xFFFFFEF7, lr;
	s5 =	simm.s32 $0xFFFFFFFF;
	p2 =	slt.u32 s8, $0xFFFFF086  }
0x1c: {  	p1 =	slt.u32 s9, $0xF7A;
	s5 =	simm.s32 @!p2 $0x0  }
0x1d: {  	s5 =	simm.s32 @p1 $0x1;
	p0 =	seq.s32 s7, s2  }
0x1e: {  	s7 =	smul.u32 @!p0 $0xF7A, s2;
	p2 =	seq.s32 @!p0 s5, $0x0  }
0x1f: {  	s9 =	smul.u32 $0xF7A, s1;
	s8 =	simm.s32 @!p0 $0x1BF5;
	p2 =	por !p2, p0  }
0x20: {  	[sflag:s8] =	ssyncset.s32 @!p0 $0xFFFFF086;
	s6 =	sadd.s32 @!p0 s3, s7;
	s7 =	simm.s32 @!p0 $0x108  }
0x21: {  	s3 =	sadd.s32 s3, s9;
	s6 =	sadd.s32 @!p0 $0x88, s6;
	s7 =	simm.s32 @p2 $0x1082  }
0x22: {  	[simem:s7], [sflag:s8] =	dma.local @!p0 [hbm:s6], $0xF7A  }
0x23: {  	s9 =	sor.u32 $0xD0000000, s2;
	s6 =	simm.s32 $0x108;
	_ =	swait.ge @!p0 [sflag:s8], $0x0  }
0x24: {  	s3 =	sadd.s32 $0x88, s3;
	s6 =	simm.s32 @!p1 $0x1082;
	[sflag:s4] =	ssyncset.s32 $0xFFFFF086  }
0x25: {  	[simem:s6], [sflag:s4] =	dma.local [hbm:s3], $0xF7A  }
0x26: {  	[smem:$0x3F9B] =	sst s1;
	(tag) =	ssettag s2;
	_ =	strace s9  }
0x27: {  	s1 =	sld [smem:$0x3FAB]  }
0x28: {  	s2 =	sld [smem:$0x3FAC]  }
0x29: {  	s4 =	sld [smem:$0x3FAE]  }
0x2a: {  	p0 =	seq.s32 s5, $0x0;
	s5 =	sld [smem:$0x3FAF]  }
0x2b: {  	s6 =	sld [smem:$0x3FB0]  }
0x2c: {  	s7 =	sld [smem:$0x3FB1]  }
0x2d: {  	s3 =	simm.s32 $0x108;
	s8 =	sld [smem:$0x3FB2]  }
0x2e: {  	s3 =	simm.s32 @!p0 $0x1082;
	s9 =	sld [smem:$0x3FB3]  }
0x2f: {  	lr =	sadd.s32 s0, s3;
	s0 =	sld [smem:$0x3FAA]  }
0x30: {  	s3 =	sld [smem:$0x3FAD]  }
0x31: {  	[smem:$0x3FB6] =	sst s10  }
0x32: {  	s10 =	sld [smem:$0x3FB4];
	_ =	sdelay $0x3  }
0x33: {  	p0 =	seq.s32 s10, $0x1;
	s10 =	sld [smem:$0x3FB6];
	_ =	sdelay $0x3  }
0x34: {  	[smem:$0x3FB6] =	sst s10  }
0x35: {  	s10 =	sld [smem:$0x3FB5];
	_ =	sdelay $0x3  }
0x36: {  	p1 =	seq.s32 s10, $0x1;
	s10 =	sld [smem:$0x3FB6];
	_ =	sdelay $0x3  }
0x37: {  	[smem:$0x3FB6] =	sst s10  }
0x38: {  	s10 =	sld [smem:$0x3FB7]  }
0x39: {  	_ = 	snop;
	(pc) =	sbr.ind lr, $3  }
0x3a: {  	_ = 	snop  }
0x3b: {  	_ = 	snop  }
0x3c: {  	p2 =	seq.s32 s10, $0x1;
	s10 =	sld [smem:$0x3FB6]  }
0x3d: {  	_ =	shalt  }
0x3e: {  	_ =	shalt  }
0x3f: {  	_ =	shalt  }
0x40: {  	_ =	shalt  }
0x41: {  	_ =	shalt  }
0x42: {  	_ =	shalt  }
0x43: {  	_ =	shalt  }
0x44: {  	_ =	shalt  }
0x45: {  	_ =	shalt  }
0x46: {  	_ =	shalt  }
0x47: {  	_ =	shalt  }
0x48: {  	_ =	shalt  }
0x49: {  	_ =	shalt  }
0x4a: {  	_ =	shalt  }
0x4b: {  	_ =	shalt  }
0x4c: {  	_ =	shalt  }
0x4d: {  	_ =	shalt  }
0x4e: {  	_ =	shalt  }
0x4f: {  	_ =	shalt  }
0x50: {  	_ =	shalt  }
0x51: {  	_ =	shalt  }
0x52: {  	_ =	shalt  }
0x53: {  	_ =	shalt  }
0x54: {  	_ =	shalt  }
0x55: {  	_ =	shalt  }
0x56: {  	_ =	shalt  }
0x57: {  	_ =	shalt  }
0x58: {  	_ =	shalt  }
0x59: {  	_ =	shalt  }
0x5a: {  	_ =	shalt  }
0x5b: {  	_ =	shalt  }
0x5c: {  	_ =	shalt  }
0x5d: {  	_ =	shalt  }
0x5e: {  	_ =	shalt  }
0x5f: {  	_ =	shalt  }
0x60: {  	_ =	shalt  }
0x61: {  	_ =	shalt  }
0x62: {  	_ =	shalt  }
0x63: {  	_ =	shalt  }
0x64: {  	_ =	shalt  }
0x65: {  	_ =	shalt  }
0x66: {  	_ =	shalt  }
0x67: {  	_ =	shalt  }
0x68: {  	_ =	shalt  }
0x69: {  	_ =	shalt  }
0x6a: {  	_ =	shalt  }
0x6b: {  	_ =	shalt  }
0x6c: {  	_ =	shalt  }
0x6d: {  	_ =	shalt  }
0x6e: {  	_ =	shalt  }
0x6f: {  	_ =	shalt  }
0x70: {  	_ =	shalt  }
0x71: {  	_ =	shalt  }
0x72: {  	_ =	shalt  }
0x73: {  	_ =	shalt  }
0x74: {  	_ =	shalt  }
0x75: {  	_ =	shalt  }
0x76: {  	_ =	shalt  }
0x77: {  	_ =	shalt  }
0x78: {  	_ =	shalt  }
0x79: {  	_ =	shalt  }
0x7a: {  	_ =	shalt  }
0x7b: {  	_ =	shalt  }
0x7c: {  	_ =	shalt  }
0x7d: {  	_ =	shalt  }
0x7e: {  	_ =	shalt  }
0x7f: {  	_ =	shalt  }
0x80: {  	_ =	shalt  }
0x81: {  	_ =	shalt  }
0x82: {  	_ =	shalt  }
0x83: {  	_ =	shalt  }
0x84: {  	_ =	shalt  }
0x85: {  	_ =	shalt  }
0x86: {  	_ =	shalt  }
0x87: {  	_ =	shalt  }
.Lfunc_end0:
.L_simem_size_0:
called_computation.1_lowered:
.L_overlay_start_0:
0x88: {  	s2 =	sld [smem:$0x3FD9]  }
0x89: {  	s3 =	sld [smem:$0x3FFE];
	_ =	sdelay $0x1  }
0x8a: {  	s1 =	srdreg.scid  }
0x8b: {  	s0 =	sand.u32 $0x1, s1  }
0x8c: {  	s14 =	sshll.u32 s0, $0xA;
	s2 =	sadd.s32 s3, s2  }
0x8d: {  	s2 =	sadd.s32 s2, s14  }
0x8e: {  	[smem:$0x3FC2] =	sst s2  }
0x8f: {  	_ = 	snop  }
0x90: {  	s2 =	sld [smem:$0x3FD0];
	_ =	sdelay $0x2  }
0x91: {  	s15 =	simm.s32 $0xA;
	s4 =	simm.s32 $0x10  }
0x92: {  	[smem:s4], [sflag:s15] =	dma.local [hbm:s2], $0x1  }
0x93: {  	_ =	swait.eq [sflag:s15], $0x1  }
0x94: {  	[sflag:s15] =	ssyncset.done $0x0  }
0x95: {  	[sflag:s15] =	ssyncadd.s32 $0xFFFFFFFF  }
0x96: {  	s16 =	sld [smem:$0x10];
	(tm) =	ssettm $0x1  }
0x97: {  	s17 =	sld [smem:$0x3FFB];
	_ =	sdelay $0x3  }
0x98: {  	_ =	strace s17  }
0x99: {  	s3 =	sld [smem:$0x3FFC];
	_ =	sdelay $0x3  }
0x9a: {  	_ =	strace s3  }
0x9b: {  	s3 =	sld [smem:$0x3FFD];
	_ =	sdelay $0x3  }
0x9c: {  	_ =	strace s3  }
0x9d: {  	_ =	strace $0x8FFFFFFF  }
0x9e: {  	s18 =	sld [smem:$0x3FDB];
	_ =	sdelay $0x1  }
0x9f: {  	s19 =	simm.s32 $_scs_section_size  }
0xa0: {  	s5 =	simm.s32 $_size__tile_overlayer_lowered;
	s6 =	simm.s32 $_tile_overlayer_lowered  }
0xa1: {  	s22 =	simm.s32 $0x1BFF;
	s21 =	sshll.u32 s6, $0x1;
	s3 =	sadd.s32 s19, s18  }
0xa2: {  	s7 =	simm.s32 $0x0;
	s20 =	sshll.u32 s5, $0x1;
	s5 =	sadd.s32 s21, s3  }
0xa3: {  	[timem:s7], [sflag:s22] =	dma.local [hbm:s5], s20  }
0xa4: {  	_ =	swait.ge [sflag:s22], s20  }
0xa5: {  	s4 =	ssub.s32 $0x0, s20;
	[sflag:s22] =	ssyncset.done $0x0  }
0xa6: {  	[sflag:s22] =	ssyncadd.s32 s4;
	_ =	sdelay $0x1  }
0xa7: {  	s23 =	simm.s32 $0x1B8B  }
0xa8: {  	_ =	swait.ge [sflag:s23], $0x1  }
0xa9: {  	[sflag:s23] =	ssyncset.done $0x0  }
0xaa: {  	s25 =	simm.s32 $0x1B8E;
	s24 =	sld [smem:$0x3FFE];
	[sflag:s23] =	ssyncadd.s32 $0xFFFFFFFF  }
0xab: {  	s26 =	simm.s32 $execute0_lowered;
	[smem:$0x3FD2] =	sst s25  }
0xac: {  	s5 =	sshll.u32 s26, $0x1;
	_ =	strace $0x80000049;
	[dreg:$0x1] =	wrdreg $0xFFFFFFFF  }
0xad: {  	s28 =	simm.s32 $_size_execute0_lowered;
	s3 =	sadd.s32 s3, s5;
	[dreg:$0x0] =	wrdreg $0x0  }
0xae: {  	s5 =	sshll.u32 s28, $0x1;
	[dreg:$0x2] =	wrdreg s3  }
0xaf: {  	[dreg:$0x3] =	wrdreg s5  }
0xb0: {  	[dreg:$0x4] =	wrdreg $0xC0  }
0xb1: {  	_ =	task [dreg:s7], $0x5FFFF  }
0xb2: {  	[dreg:$0x1] =	wrdreg $0xFFFFFFFF  }
0xb3: {  	[dreg:$0x0] =	wrdreg $0x60  }
0xb4: {  	[dreg:$0x2] =	wrdreg s24  }
0xb5: {  	[dreg:$0x3] =	wrdreg s16  }
0xb6: {  	[dreg:$0x4] =	wrdreg $0xC0000  }
0xb7: {  	[dreg:$0x5] =	wrdreg $0x9  }
0xb8: {  	_ =	task.clear_ibuf [dreg:s7], $0x6FFFF;
	_ =	strace $0x90000049  }
0xb9: {  	s29 =	simm.s32 $0x9;
	_ =	strace $0x8000004B  }
0xba: {  	_ =	swait.ge [sflag:s29], $0x1  }
0xbb: {  	[sflag:s29] =	ssyncadd.s32 $0xFFFFFFFF  }
0xbc: {  	_ =	strace $0x9000004B  }
0xbd: {  	_ =	sfence  }
0xbe: {  	s30 =	sld [smem:$0x0];
	_ =	sdelay $0x2  }
0xbf: {  	s31 =	sshll.u32 s1, $0xD;
	s1 =	sshrl.u32 s1, $0x2  }
0xc0: {  	s3 =	sand.u32 $0x4000, s31;
	s1 =	sadd.s32 s1, s30  }
0xc1: {  	s0 =	sor.u32 s3, s0;
	s1 =	sshll.u32 s1, $0x11  }
0xc2: {  	s0 =	sor.u32 s1, s0  }
0xc3: {  	s0 =	sadd.s32 $0x8F2B, s0  }
0xc4: {  	[sflag:s0] =	ssyncadd.remote.s32 $0x1  }
0xc5: {  	_ =	sfence.sel $0xFFFF  }
0xc6: {  	[dreg:$0x0] =	wrdreg $0xFFFFFFFF;
	(pc) =	sbr.abs _section_cstart, $3  }
0xc7: {  	[dreg:$0x1] =	wrdreg $0xFFFFFFFF  }
0xc8: {  	_ =	task.clear_ibuf [dreg:s7], $0x2FFFF;
	_ =	strace $0x9FFFFFFF  }
0xc9: {  	(tm) =	ssettm $0x7FFFFFFF  }
tec
execute0_lowered:
.L_overlay_start_1:
0x0: {  	(tag) =	ssettag $0x1  }
0x1: {  	s0 =	rddreg [dreg:$0x0]  }
0x2: {  	s1 =	rddreg [dreg:$0x1]  }
0x3: {  	s3 =	rddreg [dreg:$0x2];
	s2 =	simm.s32 $0x0  }
0x4: {  	s16 =	stileid.u32;
	s17 =	srdreg.scid;
	s28 =	simm.s32 $0x8800  }
0x5: {  	s29 =	simm.s32 $0x1;
	s30 =	simm.s32 $0xA400;
	s5 =	smul.u32 $0x190, s16  }
0x6: {  	s31 =	simm.s32 $0x2;
	[smem:$0x7FF] =	sst s2;
	s4 =	smul.u32 $0x4E000, s16  }
0x7: {  	s2 =	sand.u32 $0x1, s17;
	s6 =	sadd.s32 $0x3DE00, s0;
	s11 =	smul.u32 $0x2700, s16  }
0x8: {  	s7 =	sadd.s32 $0xBE00, s0;
	s0 =	sadd.s32 $0x8C000, s0;
	s20 =	smul.u32 $0xC800, s16  }
0x9: {  	s21 =	sshll.u32 s16, $0x6;
	s14 =	smul.u32 $0x13800, s16;
	p0 =	sne.s32 s16, $0xF  }
0xa: {  	_ =	strace $0x8000004A;
	s8 =	ssub.s32 $0x2, s2;
	s9 =	smul.u32 $0x27100, s2  }
0xb: {  	s13 =	smul.u32 $0x138800, s2;
	s10 =	sshrl.u32 s8, $0x1;
	s4 =	sshrl.u32 s4, $0x2  }
0xc: {  	s12 =	ssub.s32 s8, s10;
	s9 =	sadd.s32 s11, s9;
	s8 =	smul.u32 $0xC8000, s2  }
0xd: {  	s18 =	sadd.s32 s4, s3;
	s22 =	sshrl.u32 s13, $0x3;
	s10 =	sor.u32 $0x1C0A, s21  }
0xe: {  	s13 =	sadd.s32 s14, s13;
	s4 =	sshrl.u32 s20, $0x3;
	s2 =	simm.s32 $0x3  }
0xf: {  	s19 =	sadd.s32 s6, s9;
	s9 =	sadd.s32 $0x138000, s3;
	s11 =	sadd.s32 $0x27000, s22  }
0x10: {  	s13 =	sshrl.u32 s13, $0x3;
	s4 =	sadd.s32 s1, s4;
	s26 =	smax.u32 s12, $0x1  }
0x11: {  	s12 =	sshrl.u32 s18, $0x3;
	s22 =	simm.s32 $0x32;
	[dreg:$0x4] =	wrdreg s19  }
0x12: {  	s15 =	sadd.s32 s6, s11;
	s23 =	sadd.s32 s20, s8;
	[dreg:$0x7] =	wrdreg s4  }
0x13: {  	s25 =	sadd.s32 s0, s13;
	s0 =	sadd.s32 s0, s11;
	[dreg:$0xa] =	wrdreg s26  }
0x14: {  	s13 =	simm.s32 $0xA;
	s20 =	simm.s32 $0x6;
	[dreg:$0xb] =	wrdreg s12  }
.Ltmp0:
0x15: {  	s26 =	simm.s32 $0x7;
	[dreg:$0x5] =	wrdreg s15;
	(pc) =	sbr.rel .LBB2_1-.Ltmp0, $4  }
0x16: {  	s11 =	simm.s32 $0x0;
	s24 =	sshrl.u32 s23, $0x3;
	[dreg:$0x8] =	wrdreg s25  }
0x17: {  	[dreg:$0x9] =	wrdreg s0;
	s23 =	simm.s32 $0x5000;
	s14 =	sadd.s32 s7, s24  }
0x18: {  	s25 =	simm.s32 $0x6C00;
	[dreg:$0x6] =	wrdreg s14;
	s14 =	sshrl.u32 @!p0 s9, $0x3  }
0x19: {  	s0 =	simm.s32 $0x5;
	s24 =	simm.s32 $0x4;
	[dreg:$0xc] =	wrdreg s14  }
.LBB2_4:
0x1a: {  	_ =	swait.ge [sflag:s24], $0x1900  }
0x1b: {  	[sflag:s24] =	ssyncset.done $0x0  }
0x1c: {  	[sflag:s24] =	ssyncadd.s32 $0xFFFFE700  }
0x1d: {  	[spmem:s3] =	stream.indirect.scatter.add.f32 [tilespmem:s30], [sflag:$0x8], $0x80, s4, s22, $0xb8;
	[tilespmem:$0x1F880] =	vst v63  }
0x1e: {  	_ =	swait.ge [sflag:s26], $0x1900  }
0x1f: {  	[sflag:s26] =	ssyncset.done $0x0  }
0x20: {  	s19 =	simm.s32 $0x8;
	[sflag:s26] =	ssyncadd.s32 $0xFFFFE700  }
0x21: {  	_ =	swait.ge [sflag:s19], $0x1900  }
0x22: {  	[sflag:s19] =	ssyncset.done $0x0  }
0x23: {  	[sflag:s19] =	ssyncadd.s32 $0xFFFFE700  }
0x24: {  	[bflag:$0x0] =	sbarrier.arrive $0xFFFF  }
0x25: {  	s21 =	rddreg [dreg:$0x8]  }
0x26: {  	s13 =	simm.s32 $0xA;
	s12 =	rddreg [dreg:$0xb]  }
0x27: {  	[hbm:s21], [sflag:s10] =	dma.local [spmem:s12], $0x2700  }
0x28: {  	_ =	swait.ge [sflag:s13], $0x2700  }
0x29: {  	[sflag:s13] =	ssyncset.done $0x0;
	s4 =	rddreg [dreg:$0x9]  }
0x2a: {  	s14 =	rddreg [dreg:$0xc];
	[sflag:s13] =	ssyncadd.s32 $0xFFFFD900  }
0x2b: {  	[hbm:s4], [sflag:s10] =	dma.local @!p0 [spmem:s14], $0x100  }
0x2c: {  	s4 =	simm.s32 @!p0 $0xA  }
0x2d: {  	_ =	swait.ge @!p0 [sflag:s4], $0x100  }
0x2e: {  	s11 =	sadd.s32 $0x1, s11;
	s9 =	rddreg [dreg:$0xa]  }
0x2f: {  	p1 =	sne.s32 s11, s9  }
.Ltmp1:
0x30: {  	_ = 	snop;
	(pc) =	sbr.rel @!p1 .LBB2_5-.Ltmp1, $3  }
0x31: {  	_ =	sdelay $0x1  }
0x32: {  	[sflag:s4] =	ssyncset.done @!p0 $0x0  }
0x33: {  	[sflag:s4] =	ssyncadd.s32 @!p0 $0xFFFFFF00  }
.LBB2_1:
0x34: {  	s4 =	rddreg [dreg:$0x4]  }
0x35: {  	[spmem:s12], [sflag:s10] =	dma.local [hbm:s4], $0x2700  }
0x36: {  	_ =	swait.ge [sflag:s13], $0x2700  }
0x37: {  	[sflag:s13] =	ssyncset.done $0x0  }
0x38: {  	s4 =	rddreg [dreg:$0x5];
	[sflag:s13] =	ssyncadd.s32 $0xFFFFD900  }
0x39: {  	[spmem:s14], [sflag:s10] =	dma.local @!p0 [hbm:s4], $0x100  }
0x3a: {  	s4 =	simm.s32 @!p0 $0xA  }
0x3b: {  	_ =	swait.ge @!p0 [sflag:s4], $0x100  }
0x3c: {  	[sflag:s4] =	ssyncset.done @!p0 $0x0  }
0x3d: {  	s15 =	simm.s32 $0x0;
	s9 =	rddreg [dreg:$0x6];
	[sflag:s4] =	ssyncadd.s32 @!p0 $0xFFFFFF00  }
0x3e: {  	[tilespmem:s15], [sflag:$0x9] =	stream.linear.gather [hbm4b:s9+s15], $0x1400, $0x38;
	[tilespmem:$0x1F880] =	vst v63  }
0x3f: {  	s17 =	simm.s32 $0x2800;
	s18 =	simm.s32 $0x9;
	s16 =	rddreg [dreg:$0x7]  }
0x40: {  	[tilespmem:s17], [sflag:$0x9] =	stream.linear.gather [hbm4b:s16+s15], $0x1400, $0x38;
	[tilespmem:$0x1F880] =	vst v63  }
0x41: {  	_ =	swait.ge [sflag:s18], $0x1400  }
0x42: {  	[sflag:s18] =	ssyncset.done $0x0  }
0x43: {  	[sflag:s18] =	ssyncadd.s32 $0xFFFFEC00  }
0x44: {  	_ =	swait.ge [sflag:s18], $0x1400  }
0x45: {  	[sflag:s18] =	ssyncset.done $0x0  }
0x46: {  	[sflag:s18] =	ssyncadd.s32 $0xFFFFEC00  }
0x47: {  	[tilespmem:s23], [sflag:$0x1] =	stream.indirect.gather [hbm4b:s6+s22], $0x80, s15, s22, $0xb8;
	[tilespmem:$0x1F880] =	vst v63  }
0x48: {  	s19 =	simm.s32 $0x80  }
0x49: {  	[tilespmem:s25], [sflag:$0x2] =	stream.indirect.gather [hbm4b:s6+s22], $0x80, s19, s22, $0xb8;
	[tilespmem:$0x1F880] =	vst v63  }
0x4a: {  	s21 =	simm.s32 $0x100  }
0x4b: {  	[tilespmem:s28], [sflag:$0x3] =	stream.indirect.gather [hbm4b:s6+s22], $0x80, s21, s22, $0xb8;
	[tilespmem:$0x1F880] =	vst v63  }
0x4c: {  	s12 =	simm.s32 $0x0;
	[bflag:$0x0] =	sbarrier.arrive $0xFFFF  }
.LBB2_2:
0x4d: {  	s13 =	sshll.u32 s12, $0x2  }
0x4e: {  	s4 =	sand.u32 $0xFFFC, s13  }
0x4f: {  	s4 =	smul.u32 $0xCCCD, s4;
	_ =	sdelay $0x1  }
0x50: {  	s14 =	smul.u32 $0xCD, s12;
	s4 =	sshrl.u32 s4, $0x15  }
0x51: {  	s16 =	sor.u32 $0x3, s13;
	s4 =	smul.u32 $0x28, s4  }
0x52: {  	_ =	swait.ge [sflag:s29], $0x1900;
	s14 =	sshrl.u32 s14, $0xB;
	s9 =	sand.u32 $0xFFFF, s16  }
0x53: {  	s15 =	sand.u32 $0x1, s14;
	s9 =	smul.u32 $0xCCCD, s9;
	s4 =	ssub.s32 s13, s4  }
0x54: {  	p1 =	seq.s32 s15, $0x1;
	s15 =	simm.s32 $0x3C00;
	s4 =	sshll.u32 s4, $0x7  }
0x55: {  	[sflag:s29] =	ssyncset.done $0x0;
	s15 =	simm.s32 @!p1 $0x2800;
	s4 =	sand.u32 $0x3E00, s4  }
0x56: {  	[sflag:s29] =	ssyncadd.s32 $0xFFFFE700;
	s19 =	sshrl.u32 s9, $0x15;
	s4 =	sadd.s32 s4, s15  }
0x57: {  	[spmem:s3] =	stream.indirect.scatter.add.f32 [tilespmem:s23], [sflag:$0x5], $0x80, s4, s22, $0xb8;
	[tilespmem:$0x1F880] =	vst v63  }
0x58: {  	p2 =	seq.s32 s12, $0x0;
	s4 =	smul.u32 $0x28, s19  }
0x59: {  	s14 =	sand.u32 $0x1F, s14;
	s9 =	simm.s32 @!p2 $0x8  }
0x5a: {  	s17 =	smul.u32 $0xA, s14;
	_ =	swait.ge @!p2 [sflag:s9], $0x1900;
	s4 =	ssub.s32 s16, s4  }
0x5b: {  	s16 =	simm.s32 $0x1400;
	[sflag:s9] =	ssyncset.done @!p2 $0x0;
	s4 =	sshll.u32 s4, $0x7  }
0x5c: {  	s16 =	simm.s32 @!p1 $0x0;
	[sflag:s9] =	ssyncadd.s32 @!p2 $0xFFFFE700;
	s4 =	sand.u32 $0xFF80, s4  }
0x5d: {  	p1 =	sgt.u32 s12, $0x59;
	s4 =	sadd.s32 s4, s16;
	s16 =	ssub.s32 s12, s17  }
0x5e: {  	[tilespmem:s30], [sflag:$0x4] =	stream.indirect.gather [hbm4b:s6+s22], $0x80, s4, s22, $0xb8;
	[tilespmem:$0x1F880] =	vst v63  }
0x5f: {  	s9 =	sand.u32 @!p1 $0xFF, s16  }
0x60: {  	p2 =	sne.s32 @!p1 s9, $0x9  }
0x61: {  	s21 =	sor.u32 $0x1, s13;
	p1 =	por p2, p1  }
0x62: {  	s18 =	sand.u32 $0xFFFF, s21;
	s19 =	simm.s32 @!p1 $0x9  }
0x63: {  	s17 =	smul.u32 $0xCCCD, s18;
	_ =	swait.ge @!p1 [sflag:s19], $0x1400  }
0x64: {  	[sflag:s19] =	ssyncset.done @!p1 $0x0  }
0x65: {  	s17 =	sshrl.u32 s17, $0x15;
	[sflag:s19] =	ssyncadd.s32 @!p1 $0xFFFFEC00  }
0x66: {  	s17 =	smul.u32 $0x28, s17;
	_ =	swait.ge @!p1 [sflag:s19], $0x1400  }
0x67: {  	[sflag:s19] =	ssyncset.done @!p1 $0x0  }
0x68: {  	s9 =	ssub.s32 s21, s17;
	[sflag:s19] =	ssyncadd.s32 @!p1 $0xFFFFEC00;
	p1 =	seq.s32 s12, $0x63  }
0x69: {  	s9 =	sshll.u32 s9, $0x7;
	_ =	swait.ge [sflag:s31], $0x1900;
	s17 =	sadd.s32 @!p1 $0x4, s13  }
0x6a: {  	s9 =	sand.u32 $0x3F80, s9;
	[sflag:s31] =	ssyncset.done $0x0;
	s19 =	sand.u32 @!p1 $0xFFFF, s17  }
0x6b: {  	s9 =	sadd.s32 s9, s15;
	[sflag:s31] =	ssyncadd.s32 $0xFFFFE700;
	s19 =	smul.u32 @!p1 $0xCCCD, s19  }
0x6c: {  	[spmem:s3] =	stream.indirect.scatter.add.f32 [tilespmem:s25], [sflag:$0x6], $0x80, s9, s22, $0xb8;
	[tilespmem:$0x1F880] =	vst v63  }
0x6d: {  	s9 =	sshrl.u32 @!p1 s19, $0x15  }
0x6e: {  	s19 =	smul.u32 @!p1 $0x28, s9  }
0x6f: {  	s21 =	simm.s32 @!p1 $0x5000  }
0x70: {  	s9 =	sand.u32 @!p1 $0x1, s9;
	s17 =	ssub.s32 @!p1 s17, s19;
	s19 =	sor.u32 $0x2, s13  }
0x71: {  	p2 =	seq.s32 @!p1 s9, $0x1;
	s9 =	simm.s32 @!p1 $0x1400;
	s18 =	sand.u32 $0xFFFF, s19  }
0x72: {  	p2 =	por !p2, p1;
	s17 =	sshll.u32 @!p1 s17, $0x7;
	s18 =	smul.u32 $0xCCCD, s18  }
0x73: {  	_ =	swait.ge [sflag:s0], $0x1900;
	s9 =	simm.s32 @p2 $0x0;
	s17 =	sand.u32 @!p1 $0x3F80, s17  }
0x74: {  	[sflag:s0] =	ssyncset.done $0x0;
	s9 =	sadd.s32 @!p1 s17, s9;
	s17 =	sshrl.u32 s18, $0x15  }
0x75: {  	[sflag:s0] =	ssyncadd.s32 $0xFFFFE700;
	s18 =	simm.s32 @!p1 $0x32;
	s17 =	smul.u32 $0x28, s17  }
0x76: {  	[tilespmem:s21], [sflag:$0x1] =	stream.indirect.gather @!p1 [hbm4b:s6+s18], $0x80, s9, s18, $0xb8;
	[tilespmem:$0x1F880] =	vst v63  }
0x77: {  	s21 =	ssub.s32 s19, s17  }
0x78: {  	_ =	swait.ge [sflag:s2], $0x1900;
	s9 =	sshll.u32 s21, $0x7  }
0x79: {  	[sflag:s2] =	ssyncset.done $0x0;
	s9 =	sand.u32 $0x3F80, s9  }
.Ltmp2:
0x7a: {  	[sflag:s2] =	ssyncadd.s32 $0xFFFFE700;
	s9 =	sadd.s32 s9, s15;
	(pc) =	sbr.rel @p1 .LBB2_4-.Ltmp2, $4  }
0x7b: {  	[spmem:s3] =	stream.indirect.scatter.add.f32 [tilespmem:s28], [sflag:$0x7], $0x80, s9, s22, $0xb8;
	[tilespmem:$0x1F880] =	vst v63  }
0x7c: {  	_ =	swait.ge [sflag:s20], $0x1900  }
0x7d: {  	[sflag:s20] =	ssyncset.done $0x0  }
0x7e: {  	s4 =	sadd.s32 $0x2800, s4;
	[sflag:s20] =	ssyncadd.s32 $0xFFFFE700  }
0x7f: {  	s9 =	sadd.s32 $0x5, s13  }
0x80: {  	s15 =	sand.u32 $0xFFFF, s9  }
0x81: {  	s15 =	smul.u32 $0xCCCD, s15;
	_ =	sdelay $0x1  }
0x82: {  	p2 =	sgt.u32 s12, $0x50;
	s15 =	sshrl.u32 s15, $0x15  }
0x83: {  	s16 =	sand.u32 @!p2 $0xFF, s16;
	s17 =	smul.u32 $0x28, s15  }
0x84: {  	p3 =	sne.s32 @!p2 s16, $0x0  }
0x85: {  	p1 =	por p3, p2;
	s15 =	sand.u32 $0x1, s15;
	s9 =	ssub.s32 s9, s17  }
0x86: {  	p4 =	seq.s32 s15, $0x1;
	s15 =	simm.s32 $0x1400;
	s9 =	sshll.u32 s9, $0x7  }
0x87: {  	s14 =	sadd.s32 @!p1 $0x1, s14;
	s15 =	simm.s32 @!p4 $0x0;
	s9 =	sand.u32 $0x3F80, s9  }
0x88: {  	s9 =	sadd.s32 s9, s15;
	s15 =	smul.u32 @!p1 $0x28, s14  }
0x89: {  	[tilespmem:s25], [sflag:$0x2] =	stream.indirect.gather [hbm4b:s6+s22], $0x80, s9, s22, $0xb8;
	[tilespmem:$0x1F880] =	vst v63  }
0x8a: {  	s16 =	simm.s32 @!p1 $0x0;
	s14 =	sand.u32 @!p1 $0x1, s14;
	s9 =	sadd.s32 @!p1 s5, s15  }
0x8b: {  	s17 =	sadd.s32 $0x6, s13;
	p4 =	seq.s32 @!p1 s14, $0x1;
	s15 =	sshll.u32 @!p1 s9, $0x7  }
0x8c: {  	s13 =	sand.u32 $0xFFFF, s17;
	p3 =	por @!p2 !p4, p3;
	s14 =	sadd.s32 @!p1 s8, s15  }
0x8d: {  	p2 =	por !p3, p2;
	s15 =	simm.s32 @!p1 $0x1400;
	s14 =	sshrl.u32 @!p1 s14, $0x3  }
0x8e: {  	s9 =	sshll.u32 @!p1 s9, $0x4;
	s15 =	simm.s32 @!p2 $0x0;
	s14 =	sadd.s32 @!p1 s7, s14  }
0x8f: {  	[tilespmem:s15], [sflag:$0x9] =	stream.linear.gather @!p1 [hbm4b:s14+s16], $0x1400, $0x38;
	[tilespmem:$0x1F880] =	vst v63  }
0x90: {  	s13 =	smul.u32 $0xCCCD, s13;
	s9 =	sadd.s32 @!p1 s1, s9;
	s14 =	sor.u32 @!p1 $0x2800, s15  }
0x91: {  	[tilespmem:s14], [sflag:$0x9] =	stream.linear.gather @!p1 [hbm4b:s9+s16], $0x1400, $0x38;
	[tilespmem:$0x1F880] =	vst v63  }
0x92: {  	_ =	swait.ge [sflag:s24], $0x1900  }
0x93: {  	s13 =	sshrl.u32 s13, $0x15;
	[sflag:s24] =	ssyncset.done $0x0  }
0x94: {  	s18 =	smul.u32 $0x28, s13;
	s21 =	sand.u32 $0x1, s13;
	[sflag:s24] =	ssyncadd.s32 $0xFFFFE700  }
0x95: {  	[spmem:s3] =	stream.indirect.scatter.add.f32 [tilespmem:s30], [sflag:$0x8], $0x80, s4, s22, $0xb8;
	[tilespmem:$0x1F880] =	vst v63  }
.Ltmp3:
0x96: {  	s19 =	ssub.s32 s17, s18;
	p1 =	seq.s32 s21, $0x1;
	(pc) =	sbr.rel .LBB2_2-.Ltmp3, $4  }
0x97: {  	s9 =	simm.s32 $0x1400;
	s4 =	sshll.u32 s19, $0x7;
	_ =	swait.ge [sflag:s26], $0x1900  }
0x98: {  	s9 =	simm.s32 @!p1 $0x0;
	s4 =	sand.u32 $0x3F80, s4;
	[sflag:s26] =	ssyncset.done $0x0  }
0x99: {  	s12 =	sadd.s32 $0x1, s12;
	s4 =	sadd.s32 s4, s9;
	[sflag:s26] =	ssyncadd.s32 $0xFFFFE700  }
0x9a: {  	[tilespmem:s28], [sflag:$0x3] =	stream.indirect.gather [hbm4b:s6+s22], $0x80, s4, s22, $0xb8;
	[tilespmem:$0x1F880] =	vst v63  }
.LBB2_5:
0x9b: {  	_ =	sfence.sel $0x180000  }
0x9c: {  	[bflag:$0x0] =	sbarrier.arrive $0xFFFF  }
0x9d: {  	_ =	strace $0x9000004A  }
0x9e: {  	s0 =	stileid.u32;
	[bflag:$0x2] =	sbarrier.arrive $0xFFFF  }
0x9f: {  	p0 =	sne.s32 s0, $0x0;
	s0 =	rddreg [dreg:$0x3]  }
0xa0: {  	s0 =	sadd.s32 @!p0 $0x100000, s0  }
0xa1: {  	[sflag:s0] =	ssyncadd.tile.s32 @!p0 $0x1;
	_ =	shalt  }
.Lfunc_end2:
_tile_overlayer_lowered:
.L_overlay_start_2:
0xa2: {  	(tag) =	ssettag $0x2  }
0xa3: {  	s0 =	rddreg [dreg:$0x0];
	s2 =	stileid.u32  }
0xa4: {  	s1 =	rddreg [dreg:$0x1];
	p0 =	sne.s32 s2, $0x0  }
0xa5: {  	s3 =	rddreg [dreg:$0x2];
	[bflag:$0x3] =	sbarrier.arrive $0xFFFF;
	s2 =	simm.s32 @!p0 $0x1C0A  }
0xa6: {  	[timem:s3], [sflag:s2] =	dma.local @!p0 [hbm:s0], s1  }
0xa7: {  	s0 =	simm.s32 @!p0 $0xA  }
0xa8: {  	_ =	swait.ge @!p0 [sflag:s0], s1  }
0xa9: {  	s1 =	ssub.s32 @!p0 $0x0, s1;
	[sflag:s0] =	ssyncset.done @!p0 $0x0  }
0xaa: {  	[sflag:s0] =	ssyncadd.s32 @!p0 s1  }
0xab: {  	[bflag:$0x3] =	sbarrier.arrive $0xFFFF  }
0xac: {  	_ =	shalt  }

// kernel: kernel.14.cloned.1.call-start
scs
__scs_entry_jumppad:
0x0: {  	(pc) =	sbr.rel $0x88, $3  }
0x1: {  	(tag) =	ssettag $0x0;
	lr =	simm.s32 $0x1  }
0x2: {  	[smem:$0x3F9B] =	sst lr;
	_ =	strace $0xD0000000  }
0x3: {  	_ = 	snop  }
0x4: {  	_ = 	snop  }
0x5: {  	_ = 	snop  }
0x6: {  	_ = 	snop  }
0x7: {  	_ = 	snop  }
__scs_overlays_trampoline_lowered:
0x8: {  	[smem:$0x3FAA] =	sst s0  }
0x9: {  	[smem:$0x3FAB] =	sst s1  }
0xa: {  	[smem:$0x3FAC] =	sst s2  }
0xb: {  	[smem:$0x3FAD] =	sst s3  }
0xc: {  	[smem:$0x3FAE] =	sst s4  }
0xd: {  	[smem:$0x3FAF] =	sst s5  }
0xe: {  	[smem:$0x3FB0] =	sst s6  }
0xf: {  	[smem:$0x3FB1] =	sst s7  }
0x10: {  	[smem:$0x3FB2] =	sst s8  }
0x11: {  	[smem:$0x3FB3] =	sst s9;
	s0 =	simm.s32 @!p0 $0x0  }
0x12: {  	s1 =	sld [smem:$0x3F99];
	s0 =	simm.s32 @p0 $0x1  }
0x13: {  	[smem:$0x3FB4] =	sst s0;
	s0 =	simm.s32 @!p1 $0x0  }
0x14: {  	s2 =	sld [smem:$0x3F98];
	s0 =	simm.s32 @p1 $0x1  }
0x15: {  	[smem:$0x3FB5] =	sst s0;
	s0 =	simm.s32 @!p2 $0x0  }
0x16: {  	s3 =	sld [smem:$0x3FDB];
	s0 =	simm.s32 @p2 $0x1  }
0x17: {  	s4 =	simm.s32 $0x1BF5;
	[smem:$0x3FB7] =	sst s0  }
0x18: {  	s0 =	sld [smem:$0x3F9A];
	_ =	swait.ge [sflag:s4], $0x0  }
0x19: {  	s7 =	sld [smem:$0x3F9B]  }
0x1a: {  	s8 =	sadd.s32 $0xFFFFE003, lr  }
0x1b: {  	s9 =	sadd.s32 $0xFFFFFEF7, lr;
	s5 =	simm.s32 $0xFFFFFFFF;
	p2 =	slt.u32 s8, $0xFFFFF086  }
0x1c: {  	p1 =	slt.u32 s9, $0xF7A;
	s5 =	simm.s32 @!p2 $0x0  }
0x1d: {  	s5 =	simm.s32 @p1 $0x1;
	p0 =	seq.s32 s7, s2  }
0x1e: {  	s7 =	smul.u32 @!p0 $0xF7A, s2;
	p2 =	seq.s32 @!p0 s5, $0x0  }
0x1f: {  	s9 =	smul.u32 $0xF7A, s1;
	s8 =	simm.s32 @!p0 $0x1BF5;
	p2 =	por !p2, p0  }
0x20: {  	[sflag:s8] =	ssyncset.s32 @!p0 $0xFFFFF086;
	s6 =	sadd.s32 @!p0 s3, s7;
	s7 =	simm.s32 @!p0 $0x108  }
0x21: {  	s3 =	sadd.s32 s3, s9;
	s6 =	sadd.s32 @!p0 $0x88, s6;
	s7 =	simm.s32 @p2 $0x1082  }
0x22: {  	[simem:s7], [sflag:s8] =	dma.local @!p0 [hbm:s6], $0xF7A  }
0x23: {  	s9 =	sor.u32 $0xD0000000, s2;
	s6 =	simm.s32 $0x108;
	_ =	swait.ge @!p0 [sflag:s8], $0x0  }
0x24: {  	s3 =	sadd.s32 $0x88, s3;
	s6 =	simm.s32 @!p1 $0x1082;
	[sflag:s4] =	ssyncset.s32 $0xFFFFF086  }
0x25: {  	[simem:s6], [sflag:s4] =	dma.local [hbm:s3], $0xF7A  }
0x26: {  	[smem:$0x3F9B] =	sst s1;
	(tag) =	ssettag s2;
	_ =	strace s9  }
0x27: {  	s1 =	sld [smem:$0x3FAB]  }
0x28: {  	s2 =	sld [smem:$0x3FAC]  }
0x29: {  	s4 =	sld [smem:$0x3FAE]  }
0x2a: {  	p0 =	seq.s32 s5, $0x0;
	s5 =	sld [smem:$0x3FAF]  }
0x2b: {  	s6 =	sld [smem:$0x3FB0]  }
0x2c: {  	s7 =	sld [smem:$0x3FB1]  }
0x2d: {  	s3 =	simm.s32 $0x108;
	s8 =	sld [smem:$0x3FB2]  }
0x2e: {  	s3 =	simm.s32 @!p0 $0x1082;
	s9 =	sld [smem:$0x3FB3]  }
0x2f: {  	lr =	sadd.s32 s0, s3;
	s0 =	sld [smem:$0x3FAA]  }
0x30: {  	s3 =	sld [smem:$0x3FAD]  }
0x31: {  	[smem:$0x3FB6] =	sst s10  }
0x32: {  	s10 =	sld [smem:$0x3FB4];
	_ =	sdelay $0x3  }
0x33: {  	p0 =	seq.s32 s10, $0x1;
	s10 =	sld [smem:$0x3FB6];
	_ =	sdelay $0x3  }
0x34: {  	[smem:$0x3FB6] =	sst s10  }
0x35: {  	s10 =	sld [smem:$0x3FB5];
	_ =	sdelay $0x3  }
0x36: {  	p1 =	seq.s32 s10, $0x1;
	s10 =	sld [smem:$0x3FB6];
	_ =	sdelay $0x3  }
0x37: {  	[smem:$0x3FB6] =	sst s10  }
0x38: {  	s10 =	sld [smem:$0x3FB7]  }
0x39: {  	_ = 	snop;
	(pc) =	sbr.ind lr, $3  }
0x3a: {  	_ = 	snop  }
0x3b: {  	_ = 	snop  }
0x3c: {  	p2 =	seq.s32 s10, $0x1;
	s10 =	sld [smem:$0x3FB6]  }
0x3d: {  	_ =	shalt  }
0x3e: {  	_ =	shalt  }
0x3f: {  	_ =	shalt  }
0x40: {  	_ =	shalt  }
0x41: {  	_ =	shalt  }
0x42: {  	_ =	shalt  }
0x43: {  	_ =	shalt  }
0x44: {  	_ =	shalt  }
0x45: {  	_ =	shalt  }
0x46: {  	_ =	shalt  }
0x47: {  	_ =	shalt  }
0x48: {  	_ =	shalt  }
0x49: {  	_ =	shalt  }
0x4a: {  	_ =	shalt  }
0x4b: {  	_ =	shalt  }
0x4c: {  	_ =	shalt  }
0x4d: {  	_ =	shalt  }
0x4e: {  	_ =	shalt  }
0x4f: {  	_ =	shalt  }
0x50: {  	_ =	shalt  }
0x51: {  	_ =	shalt  }
0x52: {  	_ =	shalt  }
0x53: {  	_ =	shalt  }
0x54: {  	_ =	shalt  }
0x55: {  	_ =	shalt  }
0x56: {  	_ =	shalt  }
0x57: {  	_ =	shalt  }
0x58: {  	_ =	shalt  }
0x59: {  	_ =	shalt  }
0x5a: {  	_ =	shalt  }
0x5b: {  	_ =	shalt  }
0x5c: {  	_ =	shalt  }
0x5d: {  	_ =	shalt  }
0x5e: {  	_ =	shalt  }
0x5f: {  	_ =	shalt  }
0x60: {  	_ =	shalt  }
0x61: {  	_ =	shalt  }
0x62: {  	_ =	shalt  }
0x63: {  	_ =	shalt  }
0x64: {  	_ =	shalt  }
0x65: {  	_ =	shalt  }
0x66: {  	_ =	shalt  }
0x67: {  	_ =	shalt  }
0x68: {  	_ =	shalt  }
0x69: {  	_ =	shalt  }
0x6a: {  	_ =	shalt  }
0x6b: {  	_ =	shalt  }
0x6c: {  	_ =	shalt  }
0x6d: {  	_ =	shalt  }
0x6e: {  	_ =	shalt  }
0x6f: {  	_ =	shalt  }
0x70: {  	_ =	shalt  }
0x71: {  	_ =	shalt  }
0x72: {  	_ =	shalt  }
0x73: {  	_ =	shalt  }
0x74: {  	_ =	shalt  }
0x75: {  	_ =	shalt  }
0x76: {  	_ =	shalt  }
0x77: {  	_ =	shalt  }
0x78: {  	_ =	shalt  }
0x79: {  	_ =	shalt  }
0x7a: {  	_ =	shalt  }
0x7b: {  	_ =	shalt  }
0x7c: {  	_ =	shalt  }
0x7d: {  	_ =	shalt  }
0x7e: {  	_ =	shalt  }
0x7f: {  	_ =	shalt  }
0x80: {  	_ =	shalt  }
0x81: {  	_ =	shalt  }
0x82: {  	_ =	shalt  }
0x83: {  	_ =	shalt  }
0x84: {  	_ =	shalt  }
0x85: {  	_ =	shalt  }
0x86: {  	_ =	shalt  }
0x87: {  	_ =	shalt  }
.Lfunc_end0:
.L_simem_size_0:
called_computation.2_lowered:
.L_overlay_start_0:
0x88: {  	s2 =	sld [smem:$0x3FD9]  }
0x89: {  	s3 =	sld [smem:$0x3FFE];
	_ =	sdelay $0x1  }
0x8a: {  	s1 =	srdreg.scid  }
0x8b: {  	s0 =	sand.u32 $0x1, s1  }
0x8c: {  	s14 =	sshll.u32 s0, $0xA;
	s2 =	sadd.s32 s3, s2  }
0x8d: {  	s2 =	sadd.s32 s2, s14  }
0x8e: {  	[smem:$0x3FC2] =	sst s2  }
0x8f: {  	_ = 	snop  }
0x90: {  	s2 =	sld [smem:$0x3FD0];
	_ =	sdelay $0x2  }
0x91: {  	s15 =	simm.s32 $0xA;
	s4 =	simm.s32 $0x10  }
0x92: {  	[smem:s4], [sflag:s15] =	dma.local [hbm:s2], $0x1  }
0x93: {  	_ =	swait.eq [sflag:s15], $0x1  }
0x94: {  	[sflag:s15] =	ssyncset.done $0x0  }
0x95: {  	[sflag:s15] =	ssyncadd.s32 $0xFFFFFFFF  }
0x96: {  	s16 =	sld [smem:$0x10];
	(tm) =	ssettm $0x1  }
0x97: {  	s17 =	sld [smem:$0x3FFB];
	_ =	sdelay $0x3  }
0x98: {  	_ =	strace s17  }
0x99: {  	s3 =	sld [smem:$0x3FFC];
	_ =	sdelay $0x3  }
0x9a: {  	_ =	strace s3  }
0x9b: {  	s3 =	sld [smem:$0x3FFD];
	_ =	sdelay $0x3  }
0x9c: {  	_ =	strace s3  }
0x9d: {  	_ =	strace $0x8FFFFFFF  }
0x9e: {  	s18 =	sld [smem:$0x3FDB];
	_ =	sdelay $0x1  }
0x9f: {  	s19 =	simm.s32 $_scs_section_size  }
0xa0: {  	s5 =	simm.s32 $_size__tile_overlayer_lowered;
	s6 =	simm.s32 $_tile_overlayer_lowered  }
0xa1: {  	s22 =	simm.s32 $0x1BFF;
	s21 =	sshll.u32 s6, $0x1;
	s3 =	sadd.s32 s19, s18  }
0xa2: {  	s7 =	simm.s32 $0x0;
	s20 =	sshll.u32 s5, $0x1;
	s5 =	sadd.s32 s21, s3  }
0xa3: {  	[timem:s7], [sflag:s22] =	dma.local [hbm:s5], s20  }
0xa4: {  	_ =	swait.ge [sflag:s22], s20  }
0xa5: {  	s4 =	ssub.s32 $0x0, s20;
	[sflag:s22] =	ssyncset.done $0x0  }
0xa6: {  	[sflag:s22] =	ssyncadd.s32 s4;
	_ =	sdelay $0x1  }
0xa7: {  	s23 =	simm.s32 $0x1B8B  }
0xa8: {  	_ =	swait.ge [sflag:s23], $0x1  }
0xa9: {  	[sflag:s23] =	ssyncset.done $0x0  }
0xaa: {  	s25 =	simm.s32 $0x1B8E;
	s24 =	sld [smem:$0x3FFE];
	[sflag:s23] =	ssyncadd.s32 $0xFFFFFFFF  }
0xab: {  	s26 =	simm.s32 $execute0_lowered;
	[smem:$0x3FD2] =	sst s25  }
0xac: {  	s5 =	sshll.u32 s26, $0x1;
	_ =	strace $0x8000004C;
	[dreg:$0x1] =	wrdreg $0xFFFFFFFF  }
0xad: {  	s28 =	simm.s32 $_size_execute0_lowered;
	s3 =	sadd.s32 s3, s5;
	[dreg:$0x0] =	wrdreg $0x0  }
0xae: {  	s5 =	sshll.u32 s28, $0x1;
	[dreg:$0x2] =	wrdreg s3  }
0xaf: {  	[dreg:$0x3] =	wrdreg s5  }
0xb0: {  	[dreg:$0x4] =	wrdreg $0xC0  }
0xb1: {  	_ =	task [dreg:s7], $0x5FFFF  }
0xb2: {  	[dreg:$0x1] =	wrdreg $0xFFFFFFFF  }
0xb3: {  	[dreg:$0x0] =	wrdreg $0x60  }
0xb4: {  	[dreg:$0x2] =	wrdreg s24  }
0xb5: {  	[dreg:$0x3] =	wrdreg s16  }
0xb6: {  	[dreg:$0x4] =	wrdreg $0xC0000  }
0xb7: {  	[dreg:$0x5] =	wrdreg $0x9  }
0xb8: {  	_ =	task.clear_ibuf [dreg:s7], $0x6FFFF;
	_ =	strace $0x9000004C  }
0xb9: {  	s29 =	simm.s32 $0x9;
	_ =	strace $0x8000004E  }
0xba: {  	_ =	swait.ge [sflag:s29], $0x1  }
0xbb: {  	[sflag:s29] =	ssyncadd.s32 $0xFFFFFFFF  }
0xbc: {  	_ =	strace $0x9000004E  }
0xbd: {  	_ =	sfence  }
0xbe: {  	s30 =	sld [smem:$0x0];
	_ =	sdelay $0x2  }
0xbf: {  	s31 =	sshll.u32 s1, $0xD;
	s1 =	sshrl.u32 s1, $0x2  }
0xc0: {  	s3 =	sand.u32 $0x4000, s31;
	s1 =	sadd.s32 s1, s30  }
0xc1: {  	s0 =	sor.u32 s3, s0;
	s1 =	sshll.u32 s1, $0x11  }
0xc2: {  	s0 =	sor.u32 s1, s0  }
0xc3: {  	s0 =	sadd.s32 $0x8F2B, s0  }
0xc4: {  	[sflag:s0] =	ssyncadd.remote.s32 $0x1  }
0xc5: {  	_ =	sfence.sel $0xFFFF  }
0xc6: {  	[dreg:$0x0] =	wrdreg $0xFFFFFFFF;
	(pc) =	sbr.abs _section_cstart, $3  }
0xc7: {  	[dreg:$0x1] =	wrdreg $0xFFFFFFFF  }
0xc8: {  	_ =	task.clear_ibuf [dreg:s7], $0x2FFFF;
	_ =	strace $0x9FFFFFFF  }
0xc9: {  	(tm) =	ssettm $0x7FFFFFFF  }
tec
execute0_lowered:
.L_overlay_start_1:
0x0: {  	(tag) =	ssettag $0x1  }
0x1: {  	s0 =	rddreg [dreg:$0x0]  }
0x2: {  	s1 =	rddreg [dreg:$0x1]  }
0x3: {  	s3 =	rddreg [dreg:$0x2];
	s2 =	simm.s32 $0x0  }
0x4: {  	s16 =	stileid.u32;
	s17 =	srdreg.scid;
	s28 =	simm.s32 $0x8800  }
0x5: {  	s29 =	simm.s32 $0x1;
	s30 =	simm.s32 $0xA400;
	s5 =	smul.u32 $0x190, s16  }
0x6: {  	s31 =	simm.s32 $0x2;
	[smem:$0x7FF] =	sst s2;
	s4 =	smul.u32 $0x4E000, s16  }
0x7: {  	s2 =	sand.u32 $0x1, s17;
	s6 =	sadd.s32 $0x3DE00, s0;
	s11 =	smul.u32 $0x2700, s16  }
0x8: {  	s7 =	sadd.s32 $0xBE00, s0;
	s0 =	sadd.s32 $0x8C000, s0;
	s20 =	smul.u32 $0xC800, s16  }
0x9: {  	s21 =	sshll.u32 s16, $0x6;
	s14 =	smul.u32 $0x13800, s16;
	p0 =	sne.s32 s16, $0xF  }
0xa: {  	_ =	strace $0x8000004D;
	s8 =	ssub.s32 $0x2, s2;
	s9 =	smul.u32 $0x27100, s2  }
0xb: {  	s13 =	smul.u32 $0x138800, s2;
	s10 =	sshrl.u32 s8, $0x1;
	s4 =	sshrl.u32 s4, $0x2  }
0xc: {  	s12 =	ssub.s32 s8, s10;
	s9 =	sadd.s32 s11, s9;
	s8 =	smul.u32 $0xC8000, s2  }
0xd: {  	s18 =	sadd.s32 s4, s3;
	s22 =	sshrl.u32 s13, $0x3;
	s10 =	sor.u32 $0x1C0A, s21  }
0xe: {  	s13 =	sadd.s32 s14, s13;
	s4 =	sshrl.u32 s20, $0x3;
	s2 =	simm.s32 $0x3  }
0xf: {  	s19 =	sadd.s32 s6, s9;
	s9 =	sadd.s32 $0x138000, s3;
	s11 =	sadd.s32 $0x27000, s22  }
0x10: {  	s13 =	sshrl.u32 s13, $0x3;
	s4 =	sadd.s32 s1, s4;
	s26 =	smax.u32 s12, $0x1  }
0x11: {  	s12 =	sshrl.u32 s18, $0x3;
	s22 =	simm.s32 $0x32;
	[dreg:$0x4] =	wrdreg s19  }
0x12: {  	s15 =	sadd.s32 s6, s11;
	s23 =	sadd.s32 s20, s8;
	[dreg:$0x7] =	wrdreg s4  }
0x13: {  	s25 =	sadd.s32 s0, s13;
	s0 =	sadd.s32 s0, s11;
	[dreg:$0xa] =	wrdreg s26  }
0x14: {  	s13 =	simm.s32 $0xA;
	s20 =	simm.s32 $0x6;
	[dreg:$0xb] =	wrdreg s12  }
.Ltmp0:
0x15: {  	s26 =	simm.s32 $0x7;
	[dreg:$0x5] =	wrdreg s15;
	(pc) =	sbr.rel .LBB2_1-.Ltmp0, $4  }
0x16: {  	s11 =	simm.s32 $0x0;
	s24 =	sshrl.u32 s23, $0x3;
	[dreg:$0x8] =	wrdreg s25  }
0x17: {  	[dreg:$0x9] =	wrdreg s0;
	s23 =	simm.s32 $0x5000;
	s14 =	sadd.s32 s7, s24  }
0x18: {  	s25 =	simm.s32 $0x6C00;
	[dreg:$0x6] =	wrdreg s14;
	s14 =	sshrl.u32 @!p0 s9, $0x3  }
0x19: {  	s0 =	simm.s32 $0x5;
	s24 =	simm.s32 $0x4;
	[dreg:$0xc] =	wrdreg s14  }
.LBB2_4:
0x1a: {  	_ =	swait.ge [sflag:s24], $0x1900  }
0x1b: {  	[sflag:s24] =	ssyncset.done $0x0  }
0x1c: {  	[sflag:s24] =	ssyncadd.s32 $0xFFFFE700  }
0x1d: {  	[spmem:s3] =	stream.indirect.scatter.add.f32 [tilespmem:s30], [sflag:$0x8], $0x80, s4, s22, $0xb8;
	[tilespmem:$0x1F880] =	vst v63  }
0x1e: {  	_ =	swait.ge [sflag:s26], $0x1900  }
0x1f: {  	[sflag:s26] =	ssyncset.done $0x0  }
0x20: {  	s19 =	simm.s32 $0x8;
	[sflag:s26] =	ssyncadd.s32 $0xFFFFE700  }
0x21: {  	_ =	swait.ge [sflag:s19], $0x1900  }
0x22: {  	[sflag:s19] =	ssyncset.done $0x0  }
0x23: {  	[sflag:s19] =	ssyncadd.s32 $0xFFFFE700  }
0x24: {  	[bflag:$0x0] =	sbarrier.arrive $0xFFFF  }
0x25: {  	s21 =	rddreg [dreg:$0x8]  }
0x26: {  	s13 =	simm.s32 $0xA;
	s12 =	rddreg [dreg:$0xb]  }
0x27: {  	[hbm:s21], [sflag:s10] =	dma.local [spmem:s12], $0x2700  }
0x28: {  	_ =	swait.ge [sflag:s13], $0x2700  }
0x29: {  	[sflag:s13] =	ssyncset.done $0x0;
	s4 =	rddreg [dreg:$0x9]  }
0x2a: {  	s14 =	rddreg [dreg:$0xc];
	[sflag:s13] =	ssyncadd.s32 $0xFFFFD900  }
0x2b: {  	[hbm:s4], [sflag:s10] =	dma.local @!p0 [spmem:s14], $0x100  }
0x2c: {  	s4 =	simm.s32 @!p0 $0xA  }
0x2d: {  	_ =	swait.ge @!p0 [sflag:s4], $0x100  }
0x2e: {  	s11 =	sadd.s32 $0x1, s11;
	s9 =	rddreg [dreg:$0xa]  }
0x2f: {  	p1 =	sne.s32 s11, s9  }
.Ltmp1:
0x30: {  	_ = 	snop;
	(pc) =	sbr.rel @!p1 .LBB2_5-.Ltmp1, $3  }
0x31: {  	_ =	sdelay $0x1  }
0x32: {  	[sflag:s4] =	ssyncset.done @!p0 $0x0  }
0x33: {  	[sflag:s4] =	ssyncadd.s32 @!p0 $0xFFFFFF00  }
.LBB2_1:
0x34: {  	s4 =	rddreg [dreg:$0x4]  }
0x35: {  	[spmem:s12], [sflag:s10] =	dma.local [hbm:s4], $0x2700  }
0x36: {  	_ =	swait.ge [sflag:s13], $0x2700  }
0x37: {  	[sflag:s13] =	ssyncset.done $0x0  }
0x38: {  	s4 =	rddreg [dreg:$0x5];
	[sflag:s13] =	ssyncadd.s32 $0xFFFFD900  }
0x39: {  	[spmem:s14], [sflag:s10] =	dma.local @!p0 [hbm:s4], $0x100  }
0x3a: {  	s4 =	simm.s32 @!p0 $0xA  }
0x3b: {  	_ =	swait.ge @!p0 [sflag:s4], $0x100  }
0x3c: {  	[sflag:s4] =	ssyncset.done @!p0 $0x0  }
0x3d: {  	s15 =	simm.s32 $0x0;
	s9 =	rddreg [dreg:$0x6];
	[sflag:s4] =	ssyncadd.s32 @!p0 $0xFFFFFF00  }
0x3e: {  	[tilespmem:s15], [sflag:$0x9] =	stream.linear.gather [hbm4b:s9+s15], $0x1400, $0x38;
	[tilespmem:$0x1F880] =	vst v63  }
0x3f: {  	s17 =	simm.s32 $0x2800;
	s18 =	simm.s32 $0x9;
	s16 =	rddreg [dreg:$0x7]  }
0x40: {  	[tilespmem:s17], [sflag:$0x9] =	stream.linear.gather [hbm4b:s16+s15], $0x1400, $0x38;
	[tilespmem:$0x1F880] =	vst v63  }
0x41: {  	_ =	swait.ge [sflag:s18], $0x1400  }
0x42: {  	[sflag:s18] =	ssyncset.done $0x0  }
0x43: {  	[sflag:s18] =	ssyncadd.s32 $0xFFFFEC00  }
0x44: {  	_ =	swait.ge [sflag:s18], $0x1400  }
0x45: {  	[sflag:s18] =	ssyncset.done $0x0  }
0x46: {  	[sflag:s18] =	ssyncadd.s32 $0xFFFFEC00  }
0x47: {  	[tilespmem:s23], [sflag:$0x1] =	stream.indirect.gather [hbm4b:s6+s22], $0x80, s15, s22, $0xb8;
	[tilespmem:$0x1F880] =	vst v63  }
0x48: {  	s19 =	simm.s32 $0x80  }
0x49: {  	[tilespmem:s25], [sflag:$0x2] =	stream.indirect.gather [hbm4b:s6+s22], $0x80, s19, s22, $0xb8;
	[tilespmem:$0x1F880] =	vst v63  }
0x4a: {  	s21 =	simm.s32 $0x100  }
0x4b: {  	[tilespmem:s28], [sflag:$0x3] =	stream.indirect.gather [hbm4b:s6+s22], $0x80, s21, s22, $0xb8;
	[tilespmem:$0x1F880] =	vst v63  }
0x4c: {  	s12 =	simm.s32 $0x0;
	[bflag:$0x0] =	sbarrier.arrive $0xFFFF  }
.LBB2_2:
0x4d: {  	s13 =	sshll.u32 s12, $0x2  }
0x4e: {  	s4 =	sand.u32 $0xFFFC, s13  }
0x4f: {  	s4 =	smul.u32 $0xCCCD, s4;
	_ =	sdelay $0x1  }
0x50: {  	s14 =	smul.u32 $0xCD, s12;
	s4 =	sshrl.u32 s4, $0x15  }
0x51: {  	s16 =	sor.u32 $0x3, s13;
	s4 =	smul.u32 $0x28, s4  }
0x52: {  	_ =	swait.ge [sflag:s29], $0x1900;
	s14 =	sshrl.u32 s14, $0xB;
	s9 =	sand.u32 $0xFFFF, s16  }
0x53: {  	s15 =	sand.u32 $0x1, s14;
	s9 =	smul.u32 $0xCCCD, s9;
	s4 =	ssub.s32 s13, s4  }
0x54: {  	p1 =	seq.s32 s15, $0x1;
	s15 =	simm.s32 $0x3C00;
	s4 =	sshll.u32 s4, $0x7  }
0x55: {  	[sflag:s29] =	ssyncset.done $0x0;
	s15 =	simm.s32 @!p1 $0x2800;
	s4 =	sand.u32 $0x3E00, s4  }
0x56: {  	[sflag:s29] =	ssyncadd.s32 $0xFFFFE700;
	s19 =	sshrl.u32 s9, $0x15;
	s4 =	sadd.s32 s4, s15  }
0x57: {  	[spmem:s3] =	stream.indirect.scatter.add.f32 [tilespmem:s23], [sflag:$0x5], $0x80, s4, s22, $0xb8;
	[tilespmem:$0x1F880] =	vst v63  }
0x58: {  	p2 =	seq.s32 s12, $0x0;
	s4 =	smul.u32 $0x28, s19  }
0x59: {  	s14 =	sand.u32 $0x1F, s14;
	s9 =	simm.s32 @!p2 $0x8  }
0x5a: {  	s17 =	smul.u32 $0xA, s14;
	_ =	swait.ge @!p2 [sflag:s9], $0x1900;
	s4 =	ssub.s32 s16, s4  }
0x5b: {  	s16 =	simm.s32 $0x1400;
	[sflag:s9] =	ssyncset.done @!p2 $0x0;
	s4 =	sshll.u32 s4, $0x7  }
0x5c: {  	s16 =	simm.s32 @!p1 $0x0;
	[sflag:s9] =	ssyncadd.s32 @!p2 $0xFFFFE700;
	s4 =	sand.u32 $0xFF80, s4  }
0x5d: {  	p1 =	sgt.u32 s12, $0x59;
	s4 =	sadd.s32 s4, s16;
	s16 =	ssub.s32 s12, s17  }
0x5e: {  	[tilespmem:s30], [sflag:$0x4] =	stream.indirect.gather [hbm4b:s6+s22], $0x80, s4, s22, $0xb8;
	[tilespmem:$0x1F880] =	vst v63  }
0x5f: {  	s9 =	sand.u32 @!p1 $0xFF, s16  }
0x60: {  	p2 =	sne.s32 @!p1 s9, $0x9  }
0x61: {  	s21 =	sor.u32 $0x1, s13;
	p1 =	por p2, p1  }
0x62: {  	s18 =	sand.u32 $0xFFFF, s21;
	s19 =	simm.s32 @!p1 $0x9  }
0x63: {  	s17 =	smul.u32 $0xCCCD, s18;
	_ =	swait.ge @!p1 [sflag:s19], $0x1400  }
0x64: {  	[sflag:s19] =	ssyncset.done @!p1 $0x0  }
0x65: {  	s17 =	sshrl.u32 s17, $0x15;
	[sflag:s19] =	ssyncadd.s32 @!p1 $0xFFFFEC00  }
0x66: {  	s17 =	smul.u32 $0x28, s17;
	_ =	swait.ge @!p1 [sflag:s19], $0x1400  }
0x67: {  	[sflag:s19] =	ssyncset.done @!p1 $0x0  }
0x68: {  	s9 =	ssub.s32 s21, s17;
	[sflag:s19] =	ssyncadd.s32 @!p1 $0xFFFFEC00;
	p1 =	seq.s32 s12, $0x63  }
0x69: {  	s9 =	sshll.u32 s9, $0x7;
	_ =	swait.ge [sflag:s31], $0x1900;
	s17 =	sadd.s32 @!p1 $0x4, s13  }
0x6a: {  	s9 =	sand.u32 $0x3F80, s9;
	[sflag:s31] =	ssyncset.done $0x0;
	s19 =	sand.u32 @!p1 $0xFFFF, s17  }
0x6b: {  	s9 =	sadd.s32 s9, s15;
	[sflag:s31] =	ssyncadd.s32 $0xFFFFE700;
	s19 =	smul.u32 @!p1 $0xCCCD, s19  }
0x6c: {  	[spmem:s3] =	stream.indirect.scatter.add.f32 [tilespmem:s25], [sflag:$0x6], $0x80, s9, s22, $0xb8;
	[tilespmem:$0x1F880] =	vst v63  }
0x6d: {  	s9 =	sshrl.u32 @!p1 s19, $0x15  }
0x6e: {  	s19 =	smul.u32 @!p1 $0x28, s9  }
0x6f: {  	s21 =	simm.s32 @!p1 $0x5000  }
0x70: {  	s9 =	sand.u32 @!p1 $0x1, s9;
	s17 =	ssub.s32 @!p1 s17, s19;
	s19 =	sor.u32 $0x2, s13  }
0x71: {  	p2 =	seq.s32 @!p1 s9, $0x1;
	s9 =	simm.s32 @!p1 $0x1400;
	s18 =	sand.u32 $0xFFFF, s19  }
0x72: {  	p2 =	por !p2, p1;
	s17 =	sshll.u32 @!p1 s17, $0x7;
	s18 =	smul.u32 $0xCCCD, s18  }
0x73: {  	_ =	swait.ge [sflag:s0], $0x1900;
	s9 =	simm.s32 @p2 $0x0;
	s17 =	sand.u32 @!p1 $0x3F80, s17  }
0x74: {  	[sflag:s0] =	ssyncset.done $0x0;
	s9 =	sadd.s32 @!p1 s17, s9;
	s17 =	sshrl.u32 s18, $0x15  }
0x75: {  	[sflag:s0] =	ssyncadd.s32 $0xFFFFE700;
	s18 =	simm.s32 @!p1 $0x32;
	s17 =	smul.u32 $0x28, s17  }
0x76: {  	[tilespmem:s21], [sflag:$0x1] =	stream.indirect.gather @!p1 [hbm4b:s6+s18], $0x80, s9, s18, $0xb8;
	[tilespmem:$0x1F880] =	vst v63  }
0x77: {  	s21 =	ssub.s32 s19, s17  }
0x78: {  	_ =	swait.ge [sflag:s2], $0x1900;
	s9 =	sshll.u32 s21, $0x7  }
0x79: {  	[sflag:s2] =	ssyncset.done $0x0;
	s9 =	sand.u32 $0x3F80, s9  }
.Ltmp2:
0x7a: {  	[sflag:s2] =	ssyncadd.s32 $0xFFFFE700;
	s9 =	sadd.s32 s9, s15;
	(pc) =	sbr.rel @p1 .LBB2_4-.Ltmp2, $4  }
0x7b: {  	[spmem:s3] =	stream.indirect.scatter.add.f32 [tilespmem:s28], [sflag:$0x7], $0x80, s9, s22, $0xb8;
	[tilespmem:$0x1F880] =	vst v63  }
0x7c: {  	_ =	swait.ge [sflag:s20], $0x1900  }
0x7d: {  	[sflag:s20] =	ssyncset.done $0x0  }
0x7e: {  	s4 =	sadd.s32 $0x2800, s4;
	[sflag:s20] =	ssyncadd.s32 $0xFFFFE700  }
0x7f: {  	s9 =	sadd.s32 $0x5, s13  }
0x80: {  	s15 =	sand.u32 $0xFFFF, s9  }
0x81: {  	s15 =	smul.u32 $0xCCCD, s15;
	_ =	sdelay $0x1  }
0x82: {  	p2 =	sgt.u32 s12, $0x50;
	s15 =	sshrl.u32 s15, $0x15  }
0x83: {  	s16 =	sand.u32 @!p2 $0xFF, s16;
	s17 =	smul.u32 $0x28, s15  }
0x84: {  	p3 =	sne.s32 @!p2 s16, $0x0  }
0x85: {  	p1 =	por p3, p2;
	s15 =	sand.u32 $0x1, s15;
	s9 =	ssub.s32 s9, s17  }
0x86: {  	p4 =	seq.s32 s15, $0x1;
	s15 =	simm.s32 $0x1400;
	s9 =	sshll.u32 s9, $0x7  }
0x87: {  	s14 =	sadd.s32 @!p1 $0x1, s14;
	s15 =	simm.s32 @!p4 $0x0;
	s9 =	sand.u32 $0x3F80, s9  }
0x88: {  	s9 =	sadd.s32 s9, s15;
	s15 =	smul.u32 @!p1 $0x28, s14  }
0x89: {  	[tilespmem:s25], [sflag:$0x2] =	stream.indirect.gather [hbm4b:s6+s22], $0x80, s9, s22, $0xb8;
	[tilespmem:$0x1F880] =	vst v63  }
0x8a: {  	s16 =	simm.s32 @!p1 $0x0;
	s14 =	sand.u32 @!p1 $0x1, s14;
	s9 =	sadd.s32 @!p1 s5, s15  }
0x8b: {  	s17 =	sadd.s32 $0x6, s13;
	p4 =	seq.s32 @!p1 s14, $0x1;
	s15 =	sshll.u32 @!p1 s9, $0x7  }
0x8c: {  	s13 =	sand.u32 $0xFFFF, s17;
	p3 =	por @!p2 !p4, p3;
	s14 =	sadd.s32 @!p1 s8, s15  }
0x8d: {  	p2 =	por !p3, p2;
	s15 =	simm.s32 @!p1 $0x1400;
	s14 =	sshrl.u32 @!p1 s14, $0x3  }
0x8e: {  	s9 =	sshll.u32 @!p1 s9, $0x4;
	s15 =	simm.s32 @!p2 $0x0;
	s14 =	sadd.s32 @!p1 s7, s14  }
0x8f: {  	[tilespmem:s15], [sflag:$0x9] =	stream.linear.gather @!p1 [hbm4b:s14+s16], $0x1400, $0x38;
	[tilespmem:$0x1F880] =	vst v63  }
0x90: {  	s13 =	smul.u32 $0xCCCD, s13;
	s9 =	sadd.s32 @!p1 s1, s9;
	s14 =	sor.u32 @!p1 $0x2800, s15  }
0x91: {  	[tilespmem:s14], [sflag:$0x9] =	stream.linear.gather @!p1 [hbm4b:s9+s16], $0x1400, $0x38;
	[tilespmem:$0x1F880] =	vst v63  }
0x92: {  	_ =	swait.ge [sflag:s24], $0x1900  }
0x93: {  	s13 =	sshrl.u32 s13, $0x15;
	[sflag:s24] =	ssyncset.done $0x0  }
0x94: {  	s18 =	smul.u32 $0x28, s13;
	s21 =	sand.u32 $0x1, s13;
	[sflag:s24] =	ssyncadd.s32 $0xFFFFE700  }
0x95: {  	[spmem:s3] =	stream.indirect.scatter.add.f32 [tilespmem:s30], [sflag:$0x8], $0x80, s4, s22, $0xb8;
	[tilespmem:$0x1F880] =	vst v63  }
.Ltmp3:
0x96: {  	s19 =	ssub.s32 s17, s18;
	p1 =	seq.s32 s21, $0x1;
	(pc) =	sbr.rel .LBB2_2-.Ltmp3, $4  }
0x97: {  	s9 =	simm.s32 $0x1400;
	s4 =	sshll.u32 s19, $0x7;
	_ =	swait.ge [sflag:s26], $0x1900  }
0x98: {  	s9 =	simm.s32 @!p1 $0x0;
	s4 =	sand.u32 $0x3F80, s4;
	[sflag:s26] =	ssyncset.done $0x0  }
0x99: {  	s12 =	sadd.s32 $0x1, s12;
	s4 =	sadd.s32 s4, s9;
	[sflag:s26] =	ssyncadd.s32 $0xFFFFE700  }
0x9a: {  	[tilespmem:s28], [sflag:$0x3] =	stream.indirect.gather [hbm4b:s6+s22], $0x80, s4, s22, $0xb8;
	[tilespmem:$0x1F880] =	vst v63  }
.LBB2_5:
0x9b: {  	_ =	sfence.sel $0x180000  }
0x9c: {  	[bflag:$0x0] =	sbarrier.arrive $0xFFFF  }
0x9d: {  	_ =	strace $0x9000004D  }
0x9e: {  	s0 =	stileid.u32;
	[bflag:$0x2] =	sbarrier.arrive $0xFFFF  }
0x9f: {  	p0 =	sne.s32 s0, $0x0;
	s0 =	rddreg [dreg:$0x3]  }
0xa0: {  	s0 =	sadd.s32 @!p0 $0x100000, s0  }
0xa1: {  	[sflag:s0] =	ssyncadd.tile.s32 @!p0 $0x1;
	_ =	shalt  }
.Lfunc_end2:
_tile_overlayer_lowered:
.L_overlay_start_2:
0xa2: {  	(tag) =	ssettag $0x2  }
0xa3: {  	s0 =	rddreg [dreg:$0x0];
	s2 =	stileid.u32  }
0xa4: {  	s1 =	rddreg [dreg:$0x1];
	p0 =	sne.s32 s2, $0x0  }
0xa5: {  	s3 =	rddreg [dreg:$0x2];
	[bflag:$0x3] =	sbarrier.arrive $0xFFFF;
	s2 =	simm.s32 @!p0 $0x1C0A  }
0xa6: {  	[timem:s3], [sflag:s2] =	dma.local @!p0 [hbm:s0], s1  }
0xa7: {  	s0 =	simm.s32 @!p0 $0xA  }
0xa8: {  	_ =	swait.ge @!p0 [sflag:s0], s1  }
0xa9: {  	s1 =	ssub.s32 @!p0 $0x0, s1;
	[sflag:s0] =	ssyncset.done @!p0 $0x0  }
0xaa: {  	[sflag:s0] =	ssyncadd.s32 @!p0 s1  }
0xab: {  	[bflag:$0x3] =	sbarrier.arrive $0xFFFF  }
0xac: {  	_ =	shalt  }

// kernel: kernel.8.cloned.1.call-start
scs
__scs_entry_jumppad:
0x0: {  	(pc) =	sbr.rel $0x88, $3  }
0x1: {  	(tag) =	ssettag $0x0;
	lr =	simm.s32 $0x1  }
0x2: {  	[smem:$0x3F9B] =	sst lr;
	_ =	strace $0xD0000000  }
0x3: {  	_ = 	snop  }
0x4: {  	_ = 	snop  }
0x5: {  	_ = 	snop  }
0x6: {  	_ = 	snop  }
0x7: {  	_ = 	snop  }
__scs_overlays_trampoline_lowered:
0x8: {  	[smem:$0x3FAA] =	sst s0  }
0x9: {  	[smem:$0x3FAB] =	sst s1  }
0xa: {  	[smem:$0x3FAC] =	sst s2  }
0xb: {  	[smem:$0x3FAD] =	sst s3  }
0xc: {  	[smem:$0x3FAE] =	sst s4  }
0xd: {  	[smem:$0x3FAF] =	sst s5  }
0xe: {  	[smem:$0x3FB0] =	sst s6  }
0xf: {  	[smem:$0x3FB1] =	sst s7  }
0x10: {  	[smem:$0x3FB2] =	sst s8  }
0x11: {  	[smem:$0x3FB3] =	sst s9;
	s0 =	simm.s32 @!p0 $0x0  }
0x12: {  	s1 =	sld [smem:$0x3F99];
	s0 =	simm.s32 @p0 $0x1  }
0x13: {  	[smem:$0x3FB4] =	sst s0;
	s0 =	simm.s32 @!p1 $0x0  }
0x14: {  	s2 =	sld [smem:$0x3F98];
	s0 =	simm.s32 @p1 $0x1  }
0x15: {  	[smem:$0x3FB5] =	sst s0;
	s0 =	simm.s32 @!p2 $0x0  }
0x16: {  	s3 =	sld [smem:$0x3FDB];
	s0 =	simm.s32 @p2 $0x1  }
0x17: {  	s4 =	simm.s32 $0x1BF5;
	[smem:$0x3FB7] =	sst s0  }
0x18: {  	s0 =	sld [smem:$0x3F9A];
	_ =	swait.ge [sflag:s4], $0x0  }
0x19: {  	s7 =	sld [smem:$0x3F9B]  }
0x1a: {  	s8 =	sadd.s32 $0xFFFFE003, lr  }
0x1b: {  	s9 =	sadd.s32 $0xFFFFFEF7, lr;
	s5 =	simm.s32 $0xFFFFFFFF;
	p2 =	slt.u32 s8, $0xFFFFF086  }
0x1c: {  	p1 =	slt.u32 s9, $0xF7A;
	s5 =	simm.s32 @!p2 $0x0  }
0x1d: {  	s5 =	simm.s32 @p1 $0x1;
	p0 =	seq.s32 s7, s2  }
0x1e: {  	s7 =	smul.u32 @!p0 $0xF7A, s2;
	p2 =	seq.s32 @!p0 s5, $0x0  }
0x1f: {  	s9 =	smul.u32 $0xF7A, s1;
	s8 =	simm.s32 @!p0 $0x1BF5;
	p2 =	por !p2, p0  }
0x20: {  	[sflag:s8] =	ssyncset.s32 @!p0 $0xFFFFF086;
	s6 =	sadd.s32 @!p0 s3, s7;
	s7 =	simm.s32 @!p0 $0x108  }
0x21: {  	s3 =	sadd.s32 s3, s9;
	s6 =	sadd.s32 @!p0 $0x88, s6;
	s7 =	simm.s32 @p2 $0x1082  }
0x22: {  	[simem:s7], [sflag:s8] =	dma.local @!p0 [hbm:s6], $0xF7A  }
0x23: {  	s9 =	sor.u32 $0xD0000000, s2;
	s6 =	simm.s32 $0x108;
	_ =	swait.ge @!p0 [sflag:s8], $0x0  }
0x24: {  	s3 =	sadd.s32 $0x88, s3;
	s6 =	simm.s32 @!p1 $0x1082;
	[sflag:s4] =	ssyncset.s32 $0xFFFFF086  }
0x25: {  	[simem:s6], [sflag:s4] =	dma.local [hbm:s3], $0xF7A  }
0x26: {  	[smem:$0x3F9B] =	sst s1;
	(tag) =	ssettag s2;
	_ =	strace s9  }
0x27: {  	s1 =	sld [smem:$0x3FAB]  }
0x28: {  	s2 =	sld [smem:$0x3FAC]  }
0x29: {  	s4 =	sld [smem:$0x3FAE]  }
0x2a: {  	p0 =	seq.s32 s5, $0x0;
	s5 =	sld [smem:$0x3FAF]  }
0x2b: {  	s6 =	sld [smem:$0x3FB0]  }
0x2c: {  	s7 =	sld [smem:$0x3FB1]  }
0x2d: {  	s3 =	simm.s32 $0x108;
	s8 =	sld [smem:$0x3FB2]  }
0x2e: {  	s3 =	simm.s32 @!p0 $0x1082;
	s9 =	sld [smem:$0x3FB3]  }
0x2f: {  	lr =	sadd.s32 s0, s3;
	s0 =	sld [smem:$0x3FAA]  }
0x30: {  	s3 =	sld [smem:$0x3FAD]  }
0x31: {  	[smem:$0x3FB6] =	sst s10  }
0x32: {  	s10 =	sld [smem:$0x3FB4];
	_ =	sdelay $0x3  }
0x33: {  	p0 =	seq.s32 s10, $0x1;
	s10 =	sld [smem:$0x3FB6];
	_ =	sdelay $0x3  }
0x34: {  	[smem:$0x3FB6] =	sst s10  }
0x35: {  	s10 =	sld [smem:$0x3FB5];
	_ =	sdelay $0x3  }
0x36: {  	p1 =	seq.s32 s10, $0x1;
	s10 =	sld [smem:$0x3FB6];
	_ =	sdelay $0x3  }
0x37: {  	[smem:$0x3FB6] =	sst s10  }
0x38: {  	s10 =	sld [smem:$0x3FB7]  }
0x39: {  	_ = 	snop;
	(pc) =	sbr.ind lr, $3  }
0x3a: {  	_ = 	snop  }
0x3b: {  	_ = 	snop  }
0x3c: {  	p2 =	seq.s32 s10, $0x1;
	s10 =	sld [smem:$0x3FB6]  }
0x3d: {  	_ =	shalt  }
0x3e: {  	_ =	shalt  }
0x3f: {  	_ =	shalt  }
0x40: {  	_ =	shalt  }
0x41: {  	_ =	shalt  }
0x42: {  	_ =	shalt  }
0x43: {  	_ =	shalt  }
0x44: {  	_ =	shalt  }
0x45: {  	_ =	shalt  }
0x46: {  	_ =	shalt  }
0x47: {  	_ =	shalt  }
0x48: {  	_ =	shalt  }
0x49: {  	_ =	shalt  }
0x4a: {  	_ =	shalt  }
0x4b: {  	_ =	shalt  }
0x4c: {  	_ =	shalt  }
0x4d: {  	_ =	shalt  }
0x4e: {  	_ =	shalt  }
0x4f: {  	_ =	shalt  }
0x50: {  	_ =	shalt  }
0x51: {  	_ =	shalt  }
0x52: {  	_ =	shalt  }
0x53: {  	_ =	shalt  }
0x54: {  	_ =	shalt  }
0x55: {  	_ =	shalt  }
0x56: {  	_ =	shalt  }
0x57: {  	_ =	shalt  }
0x58: {  	_ =	shalt  }
0x59: {  	_ =	shalt  }
0x5a: {  	_ =	shalt  }
0x5b: {  	_ =	shalt  }
0x5c: {  	_ =	shalt  }
0x5d: {  	_ =	shalt  }
0x5e: {  	_ =	shalt  }
0x5f: {  	_ =	shalt  }
0x60: {  	_ =	shalt  }
0x61: {  	_ =	shalt  }
0x62: {  	_ =	shalt  }
0x63: {  	_ =	shalt  }
0x64: {  	_ =	shalt  }
0x65: {  	_ =	shalt  }
0x66: {  	_ =	shalt  }
0x67: {  	_ =	shalt  }
0x68: {  	_ =	shalt  }
0x69: {  	_ =	shalt  }
0x6a: {  	_ =	shalt  }
0x6b: {  	_ =	shalt  }
0x6c: {  	_ =	shalt  }
0x6d: {  	_ =	shalt  }
0x6e: {  	_ =	shalt  }
0x6f: {  	_ =	shalt  }
0x70: {  	_ =	shalt  }
0x71: {  	_ =	shalt  }
0x72: {  	_ =	shalt  }
0x73: {  	_ =	shalt  }
0x74: {  	_ =	shalt  }
0x75: {  	_ =	shalt  }
0x76: {  	_ =	shalt  }
0x77: {  	_ =	shalt  }
0x78: {  	_ =	shalt  }
0x79: {  	_ =	shalt  }
0x7a: {  	_ =	shalt  }
0x7b: {  	_ =	shalt  }
0x7c: {  	_ =	shalt  }
0x7d: {  	_ =	shalt  }
0x7e: {  	_ =	shalt  }
0x7f: {  	_ =	shalt  }
0x80: {  	_ =	shalt  }
0x81: {  	_ =	shalt  }
0x82: {  	_ =	shalt  }
0x83: {  	_ =	shalt  }
0x84: {  	_ =	shalt  }
0x85: {  	_ =	shalt  }
0x86: {  	_ =	shalt  }
0x87: {  	_ =	shalt  }
.Lfunc_end0:
.L_simem_size_0:
called_computation_lowered:
.L_overlay_start_0:
0x88: {  	s2 =	sld [smem:$0x3FD9]  }
0x89: {  	s3 =	sld [smem:$0x3FFE];
	_ =	sdelay $0x1  }
0x8a: {  	s1 =	srdreg.scid  }
0x8b: {  	s0 =	sand.u32 $0x1, s1  }
0x8c: {  	s14 =	sshll.u32 s0, $0xA;
	s2 =	sadd.s32 s3, s2  }
0x8d: {  	s2 =	sadd.s32 s2, s14  }
0x8e: {  	[smem:$0x3FC2] =	sst s2  }
0x8f: {  	_ = 	snop  }
0x90: {  	s2 =	sld [smem:$0x3FD0];
	_ =	sdelay $0x2  }
0x91: {  	s15 =	simm.s32 $0xA;
	s4 =	simm.s32 $0x10  }
0x92: {  	[smem:s4], [sflag:s15] =	dma.local [hbm:s2], $0x1  }
0x93: {  	_ =	swait.eq [sflag:s15], $0x1  }
0x94: {  	[sflag:s15] =	ssyncset.done $0x0  }
0x95: {  	[sflag:s15] =	ssyncadd.s32 $0xFFFFFFFF  }
0x96: {  	s16 =	sld [smem:$0x11];
	(tm) =	ssettm $0x1  }
0x97: {  	s17 =	sld [smem:$0x3FFB];
	_ =	sdelay $0x3  }
0x98: {  	_ =	strace s17  }
0x99: {  	s3 =	sld [smem:$0x3FFC];
	_ =	sdelay $0x3  }
0x9a: {  	_ =	strace s3  }
0x9b: {  	s3 =	sld [smem:$0x3FFD];
	_ =	sdelay $0x3  }
0x9c: {  	_ =	strace s3  }
0x9d: {  	_ =	strace $0x8FFFFFFF  }
0x9e: {  	s18 =	sld [smem:$0x3FDB];
	_ =	sdelay $0x1  }
0x9f: {  	s19 =	simm.s32 $_scs_section_size  }
0xa0: {  	s5 =	simm.s32 $_size__tile_overlayer_lowered;
	s6 =	simm.s32 $_tile_overlayer_lowered  }
0xa1: {  	s22 =	simm.s32 $0x1BFF;
	s21 =	sshll.u32 s6, $0x1;
	s3 =	sadd.s32 s19, s18  }
0xa2: {  	s7 =	simm.s32 $0x0;
	s20 =	sshll.u32 s5, $0x1;
	s5 =	sadd.s32 s21, s3  }
0xa3: {  	[timem:s7], [sflag:s22] =	dma.local [hbm:s5], s20  }
0xa4: {  	_ =	swait.ge [sflag:s22], s20  }
0xa5: {  	s4 =	ssub.s32 $0x0, s20;
	[sflag:s22] =	ssyncset.done $0x0  }
0xa6: {  	[sflag:s22] =	ssyncadd.s32 s4;
	_ =	sdelay $0x1  }
0xa7: {  	s23 =	simm.s32 $0x1B8B  }
0xa8: {  	_ =	swait.ge [sflag:s23], $0x1  }
0xa9: {  	[sflag:s23] =	ssyncset.done $0x0  }
0xaa: {  	s25 =	simm.s32 $0x1B8E;
	s24 =	sld [smem:$0x3FFE];
	[sflag:s23] =	ssyncadd.s32 $0xFFFFFFFF  }
0xab: {  	s26 =	simm.s32 $execute0_lowered;
	[smem:$0x3FD2] =	sst s25  }
0xac: {  	s5 =	sshll.u32 s26, $0x1;
	_ =	strace $0x80000046;
	[dreg:$0x1] =	wrdreg $0xFFFFFFFF  }
0xad: {  	s28 =	simm.s32 $_size_execute0_lowered;
	s3 =	sadd.s32 s3, s5;
	[dreg:$0x0] =	wrdreg $0x0  }
0xae: {  	s5 =	sshll.u32 s28, $0x1;
	[dreg:$0x2] =	wrdreg s3  }
0xaf: {  	[dreg:$0x3] =	wrdreg s5  }
0xb0: {  	[dreg:$0x4] =	wrdreg $0xC0  }
0xb1: {  	_ =	task [dreg:s7], $0x5FFFF  }
0xb2: {  	[dreg:$0x1] =	wrdreg $0xFFFFFFFF  }
0xb3: {  	[dreg:$0x0] =	wrdreg $0x60  }
0xb4: {  	[dreg:$0x2] =	wrdreg s24  }
0xb5: {  	[dreg:$0x3] =	wrdreg s16  }
0xb6: {  	[dreg:$0x4] =	wrdreg $0x9  }
0xb7: {  	_ =	task.clear_ibuf [dreg:s7], $0x5FFFF;
	_ =	strace $0x90000046  }
0xb8: {  	s29 =	simm.s32 $0x9;
	_ =	strace $0x80000048  }
0xb9: {  	_ =	swait.ge [sflag:s29], $0x1  }
0xba: {  	[sflag:s29] =	ssyncadd.s32 $0xFFFFFFFF  }
0xbb: {  	_ =	strace $0x90000048  }
0xbc: {  	_ =	sfence  }
0xbd: {  	s30 =	sld [smem:$0x0];
	_ =	sdelay $0x2  }
0xbe: {  	s31 =	sshll.u32 s1, $0xD;
	s1 =	sshrl.u32 s1, $0x2  }
0xbf: {  	s3 =	sand.u32 $0x4000, s31;
	s1 =	sadd.s32 s1, s30  }
0xc0: {  	s0 =	sor.u32 s3, s0;
	s1 =	sshll.u32 s1, $0x11  }
0xc1: {  	s0 =	sor.u32 s1, s0  }
0xc2: {  	s0 =	sadd.s32 $0x8F2B, s0  }
0xc3: {  	[sflag:s0] =	ssyncadd.remote.s32 $0x1  }
0xc4: {  	_ =	sfence.sel $0xFFFF  }
0xc5: {  	[dreg:$0x0] =	wrdreg $0xFFFFFFFF;
	(pc) =	sbr.abs _section_cstart, $3  }
0xc6: {  	[dreg:$0x1] =	wrdreg $0xFFFFFFFF  }
0xc7: {  	_ =	task.clear_ibuf [dreg:s7], $0x2FFFF;
	_ =	strace $0x9FFFFFFF  }
0xc8: {  	(tm) =	ssettm $0x7FFFFFFF  }
0xc9: {  	_ =	shalt  }
tec
execute0_lowered:
.L_overlay_start_1:
0x0: {  	(tag) =	ssettag $0x1  }
0x1: {  	s0 =	srdreg.scid  }
0x2: {  	s3 =	rddreg [dreg:$0x0];
	s4 =	sand.u32 $0x1, s0  }
0x3: {  	s5 =	rddreg [dreg:$0x1];
	s1 =	stileid.u32;
	s2 =	sshll.u32 s4, $0x4  }
0x4: {  	s0 =	rddreg [dreg:$0x2];
	s6 =	sor.u32 s1, s2  }
0x5: {  	s4 =	ssub.s32 $0x2, s4;
	s2 =	simm.s32 $0x0;
	s7 =	smul.u32 $0x4E2, s6  }
0x6: {  	s8 =	sshrl.u32 s4, $0x1;
	[smem:$0x7FF] =	sst s2;
	s6 =	smul.u32 $0x4F0, s6  }
0x7: {  	s31 =	ssub.s32 s4, s8;
	s8 =	simm.s32 $0x0;
	_ =	strace $0x80000047  }
0x8: {  	s3 =	sadd.s32 s7, s3;
	s4 =	sadd.s32 s5, s6;
	s5 =	smax.u32 s31, $0x1  }
0x9: {  	v0 =	vimm.f32 $0.0e+00;
	v1 =	vimm.f32 $1.000000000e+00;
	s6 =	simm.s32 $0x1;
	s7 =	simm.s32 $0x2780;
	s3 =	sadd.s32 $0x2000, s3  }
.LBB2_1:
0xa: {  	[tilespmem:s2], [sflag:$0x1] =	stream.linear.gather [hbm4b:s3+s2], $0x2710, $0x38;
	[tilespmem:$0x4F00] =	vst v63  }
0xb: {  	_ =	swait.ge [sflag:s6], $0x2710  }
0xc: {  	[sflag:s6] =	ssyncset.done $0x0  }
0xd: {  	s9 =	simm.s32 $0x0;
	[sflag:s6] =	ssyncadd.s32 $0xFFFFD8F0  }
.LBB2_2:
0xe: {  	p0 =	sne.s32 s9, $0x9C00  }
.Ltmp0:
0xf: {  	_ = 	snop;
	(pc) =	sbr.rel @p0 .LBB2_2-.Ltmp0, $3  }
0x10: {  	_ =	sdelay $0x1  }
0x11: {  	s10 =	sshra.s32 s9, $0x2  }
0x12: {  	s9 =	sadd.s32 $0x40, s9;
	[tilespmem:s10+$0x2780] =	vst v0  }
0x13: {  	s10 =	simm.s32 $0x0;
	s9 =	simm.s32 $0x40  }
.LBB2_4:
0x14: {  	p0 =	sne.s32 s9, $0x9C00;
	v2 =	vld [tilespmem:s10+$0x0];
	_ =	sdelay $0x3  }
.Ltmp1:
0x15: {  	(pc) =	sbr.rel @p0 .LBB2_4-.Ltmp1, $2  }
0x16: {  	_ =	sdelay $0x2  }
0x17: {  	s10 =	sshra.s32 s9, $0x2;
	s9 =	sadd.s32 $0x40, s9;
	[tilespmem:v2+s7+$0x0] =	vst.idx.add.f32.msk $0xffff, v1  }
0x18: {  	v2 =	vld [tilespmem:s10+$0x0];
	_ =	sdelay $0x5  }
0x19: {  	s8 =	sadd.s32 $0x1, s8  }
0x1a: {  	p0 =	sne.s32 s8, s5  }
.Ltmp2:
0x1b: {  	[tilespmem:v2+s7+$0x0] =	vst.idx.add.f32.msk $0xffff, v1;
	(pc) =	sbr.rel @p0 .LBB2_1-.Ltmp2, $4  }
0x1c: {  	[hbm4b:s4+s2] =	stream.linear.scatter [tilespmem:s7], [sflag:$0x1], $0x2780, $0x38;
	[tilespmem:$0x4F00] =	vst v63  }
0x1d: {  	_ =	swait.ge [sflag:s6], $0x2780  }
0x1e: {  	[sflag:s6] =	ssyncset.done $0x0  }
0x1f: {  	[sflag:s6] =	ssyncadd.s32 $0xFFFFD880  }
0x20: {  	_ =	sfence.sel $0x180000  }
0x21: {  	[bflag:$0x0] =	sbarrier.arrive $0xFFFF  }
0x22: {  	p0 =	sne.s32 s1, $0x0;
	_ =	strace $0x90000047  }
0x23: {  	s0 =	sadd.s32 @!p0 $0x100000, s0;
	[bflag:$0x2] =	sbarrier.arrive $0xFFFF  }
0x24: {  	[sflag:s0] =	ssyncadd.tile.s32 @!p0 $0x1;
	_ =	shalt  }
.Lfunc_end2:
_tile_overlayer_lowered:
.L_overlay_start_2:
0x25: {  	(tag) =	ssettag $0x2  }
0x26: {  	s0 =	rddreg [dreg:$0x0];
	s2 =	stileid.u32  }
0x27: {  	s1 =	rddreg [dreg:$0x1];
	p0 =	sne.s32 s2, $0x0  }
0x28: {  	s3 =	rddreg [dreg:$0x2];
	[bflag:$0x3] =	sbarrier.arrive $0xFFFF;
	s2 =	simm.s32 @!p0 $0x1C02  }
0x29: {  	[timem:s3], [sflag:s2] =	dma.local @!p0 [hbm:s0], s1  }
0x2a: {  	s0 =	simm.s32 @!p0 $0x2  }
0x2b: {  	_ =	swait.ge @!p0 [sflag:s0], s1  }
0x2c: {  	s1 =	ssub.s32 @!p0 $0x0, s1;
	[sflag:s0] =	ssyncset.done @!p0 $0x0  }
0x2d: {  	[sflag:s0] =	ssyncadd.s32 @!p0 s1  }
0x2e: {  	[bflag:$0x3] =	sbarrier.arrive $0xFFFF  }
0x2f: {  	_ =	shalt  }

</sc_bundles>
